<compile_context>
chip_gen: v7x
topology: tpu7x:2x2x1
jax: 0.10.2.dev20260603
libtpu: 0.0.44.dev20260713+nightly
codegen_flags: <defaults>
</compile_context>

<pallas_src>
import functools

import jax
import jax.numpy as jnp
from jax import lax
from jax.experimental import pallas as pl
from jax.experimental.pallas import tpu as pltpu
from jax.experimental.pallas import tpu_sc as plsc

NW = 32
C = 8192


def _gather_kernel(q_total, n_rows):
    nq = q_total // NW
    nchunk = nq // C
    mesh = plsc.VectorSubcoreMesh(core_axis_name="c", subcore_axis_name="s")
    plane = jax.ShapeDtypeStruct((q_total,), jnp.float32)

    @functools.partial(
        pl.kernel,
        mesh=mesh,
        compiler_params=pltpu.CompilerParams(
            needs_layout_passes=False, use_tc_tiling_on_sc=False
        ),
        out_type=(plane, plane, plane),
        scratch_types=[
            pltpu.VMEM((3, C), jnp.int32),
            pltpu.VMEM((3, C), jnp.float32),
            pltpu.VMEM((3, C), jnp.float32),
            pltpu.VMEM((3, C), jnp.float32),
            pltpu.SemaphoreType.DMA,
            pltpu.SemaphoreType.DMA,
            pltpu.SemaphoreType.DMA,
            pltpu.SemaphoreType.DMA,
        ],
    )
    def k(idx_hbm, p0_hbm, p1_hbm, p2_hbm, o0_hbm, o1_hbm, o2_hbm,
          idx_v, r0_v, r1_v, r2_v, gsem0, gsem1, gsem2, isem):
        wid = lax.axis_index("s") * 2 + lax.axis_index("c")
        base = wid * nq
        gsems = (gsem0, gsem1, gsem2)
        planes = (p0_hbm, p1_hbm, p2_hbm)
        outs = (o0_hbm, o1_hbm, o2_hbm)
        rbufs = (r0_v, r1_v, r2_v)

        def fire(b):
            return [
                pltpu.async_copy(planes[j].at[idx_v.at[b]],
                                 rbufs[j].at[b], gsems[b])
                for j in range(3)
            ]

        def drain(kk, b):
            qb = base + kk * C
            for j in range(3):
                pltpu.sync_copy(rbufs[j].at[b], outs[j].at[pl.ds(qb, C)])

        def prefetch(kk):
            return pltpu.async_copy(
                idx_hbm.at[pl.ds(base + kk * C, C)], idx_v.at[kk % 3], isem)

        g_in_flight = {}
        pltpu.sync_copy(idx_hbm.at[pl.ds(base, C)], idx_v.at[0])
        g_in_flight[0] = fire(0)
        icopy = prefetch(1) if nchunk > 1 else None
        for kk in range(1, nchunk):
            icopy.wait()
            g_in_flight[kk] = fire(kk % 3)
            if kk - 2 in g_in_flight:
                for cp in g_in_flight.pop(kk - 2):
                    cp.wait()
                drain(kk - 2, (kk - 2) % 3)
            if kk + 1 < nchunk:
                icopy = prefetch(kk + 1)
        for kk in sorted(g_in_flight):
            for cp in g_in_flight[kk]:
                cp.wait()
            drain(kk, kk % 3)

    return k


def kernel(x, query_dims, texture):
    q_total = x.shape[0]
    n_rows = texture.shape[0]
    qd = query_dims.astype(jnp.int32)
    off = qd[:, 2]
    hw = jnp.float32(512.0)
    y = jnp.clip(x, 0.0, 1.0)
    iu = jnp.minimum((y[:, 0] * hw).astype(jnp.int32), 511)
    iv = jnp.minimum((y[:, 1] * hw).astype(jnp.int32), 511)
    idx = off + iu * 512 + iv
    p0 = texture[:, 0]
    p1 = texture[:, 1]
    p2 = texture[:, 2]
    o0, o1, o2 = _gather_kernel(q_total, n_rows)(idx, p0, p1, p2)
    return jnp.stack([o0, o1, o2], axis=1)

# --- scband reference (transcript-rebuilt; emitter-appended) ---
"""Pipeline reference for scband-jagged-texture-22574348108027 (READ-ONLY COPY).

The authoritative reference and input builder live on the scoring server;
editing this copy changes nothing except your own understanding.
"""

import jax, jax.numpy as jnp
import numpy as np

N_TEX = 16
H = 512
W = 512
OUT_DIM = 3
Q = 2097152
HW = H * W
TOTAL = N_TEX * HW


def setup_inputs(seed: int = 0) -> dict:
    key = jax.random.key(seed)
    k1, k2, k3 = jax.random.split(key, 3)
    # texture_dims buffer: rows of [h, w, offset]
    offsets = (jnp.arange(N_TEX, dtype=jnp.int64) * HW)
    texture_dims = jnp.stack([
        jnp.full((N_TEX,), H, dtype=jnp.int64),
        jnp.full((N_TEX,), W, dtype=jnp.int64),
        offsets,
    ], axis=-1)
    # each query targets a random texture; query_dims = texture_dims[tex_id]
    tex_ids = jax.random.randint(k1, (Q,), 0, N_TEX)
    query_dims = jnp.take(texture_dims, tex_ids, axis=0)
    # uv query coordinates in [0,1) (forward clamps to [0,1] anyway)
    x = jax.random.uniform(k2, (Q, 2), dtype=jnp.float32)
    # learned jagged texture parameter [total_size, out_dim]
    texture = jax.random.normal(k3, (TOTAL, OUT_DIM), dtype=jnp.float32) * 0.1
    return {"x": x, "query_dims": query_dims, "texture": texture}


def _sample_texture(query_dims, texture, uv):
    # nearest-neighbor sample of jagged texture atlas.
    # query_dims rows: [h, w, offset]; uv in [0,1]^2.
    h = query_dims[:, 0]
    w = query_dims[:, 1]
    off = query_dims[:, 2]
    hf = h.astype(jnp.float32)
    wf = w.astype(jnp.float32)
    iu = jnp.clip(jnp.floor(uv[:, 0] * hf), 0.0, hf - 1.0).astype(query_dims.dtype)
    iv = jnp.clip(jnp.floor(uv[:, 1] * wf), 0.0, wf - 1.0).astype(query_dims.dtype)
    idx = off + iu * w + iv
    return jnp.take(texture, idx, axis=0)


def reference(x, query_dims, texture):
    # JaggedTexture.forward: clamp uv, gather texel rows from jagged texture
    y = jnp.clip(x, 0.0, 1.0)
    out = _sample_texture(query_dims, texture, y)
    return out

if __name__ == "__main__":
    import jax
    _d = setup_inputs()
    print(jax.jit(kernel)(*tuple(_d.values())))

</pallas_src>

<mosaic_0001>
#map = affine_map<(d0, d1) -> (0)>
module attributes {stable_mosaic.version = 14 : i64} {
  func.func @k(%arg0: i32, %arg1: i32, %arg2: memref<2097152xi32, #tpu.memory_space<hbm>>, %arg3: memref<4194304xf32, #tpu.memory_space<hbm>>, %arg4: memref<4194304xf32, #tpu.memory_space<hbm>>, %arg5: memref<4194304xf32, #tpu.memory_space<hbm>>, %arg6: memref<2097152xf32, #tpu.memory_space<hbm>>, %arg7: memref<2097152xf32, #tpu.memory_space<hbm>>, %arg8: memref<2097152xf32, #tpu.memory_space<hbm>>, %arg9: memref<3x8192xi32, #tpu.memory_space<vmem>>, %arg10: memref<3x8192xf32, #tpu.memory_space<vmem>>, %arg11: memref<3x8192xf32, #tpu.memory_space<vmem>>, %arg12: memref<3x8192xf32, #tpu.memory_space<vmem>>, %arg13: memref<!tpu.dma_semaphore, #tpu.memory_space<semaphore_mem>>, %arg14: memref<!tpu.dma_semaphore, #tpu.memory_space<semaphore_mem>>, %arg15: memref<!tpu.dma_semaphore, #tpu.memory_space<semaphore_mem>>, %arg16: memref<!tpu.dma_semaphore, #tpu.memory_space<semaphore_mem>>) attributes {dimension_semantics = [#tpu.dimension_semantics<core_parallel>, #tpu.dimension_semantics<subcore_parallel>], iteration_bounds = array<i64: 2, 16>, scalar_prefetch = 0 : i64, scratch_operands = 8 : i64, tpu.core_type = #tpu.core_type<sc_vector_subcore>, window_params = [{transform_indices = #map}, {transform_indices = #map}, {transform_indices = #map}, {transform_indices = #map}, {transform_indices = #map}, {transform_indices = #map}, {transform_indices = #map}]} {
    %mul3A = arith.constant 2 : i32
    %mul3A_0 = arith.muli %arg1, %mul3A : i32
    %add3A = arith.addi %mul3A_0, %arg0 : i32
    %mul3A_1 = arith.constant 65536 : i32
    %mul3A_2 = arith.muli %add3A, %mul3A_1 : i32
    %run_scoped3A = arith.constant 0 : i32
    "tpu.region"() ({
      %run_scoped3A_661 = tpu.sem_alloc : memref<!tpu.dma_semaphore, #tpu.memory_space<semaphore_mem>>
      %dma_start3A_662 = arith.constant 0 : i32
      %dma_start3A_663 = tpu.memref_slice %arg9[%run_scoped3A, %dma_start3A_662] : memref<3x8192xi32, #tpu.memory_space<vmem>> -> memref<1x8192xi32, #tpu.memory_space<vmem>>
      %dma_start3A_664 = tpu.memref_squeeze %dma_start3A_663 : memref<1x8192xi32, #tpu.memory_space<vmem>> -> memref<8192xi32, #tpu.memory_space<vmem>>
      %dma_start3A_665 = tpu.memref_slice %arg2[%mul3A_2] : memref<2097152xi32, #tpu.memory_space<hbm>> -> memref<8192xi32, #tpu.memory_space<hbm>>
      %dma_start3A_666 = arith.constant 0 : i32
      %dma_start3A_667 = tpu.memref_slice %arg9[%run_scoped3A, %dma_start3A_666] : memref<3x8192xi32, #tpu.memory_space<vmem>> -> memref<1x8192xi32, #tpu.memory_space<vmem>>
      %dma_start3A_668 = tpu.memref_squeeze %dma_start3A_667 : memref<1x8192xi32, #tpu.memory_space<vmem>> -> memref<8192xi32, #tpu.memory_space<vmem>>
      %dma_start3A_669 = tpu.memref_slice %arg2[%mul3A_2] : memref<2097152xi32, #tpu.memory_space<hbm>> -> memref<8192xi32, #tpu.memory_space<hbm>>
      tpu.enqueue_dma source(%dma_start3A_669 : memref<8192xi32, #tpu.memory_space<hbm>>) target(%dma_start3A_668 : memref<8192xi32, #tpu.memory_space<vmem>>) target_semaphore(%run_scoped3A_661 : memref<!tpu.dma_semaphore, #tpu.memory_space<semaphore_mem>>)
      %dma_wait3A_670 = arith.constant 0 : i32
      %dma_wait3A_671 = tpu.memref_slice %arg9[%run_scoped3A, %dma_wait3A_670] : memref<3x8192xi32, #tpu.memory_space<vmem>> -> memref<1x8192xi32, #tpu.memory_space<vmem>>
      %dma_wait3A_672 = tpu.memref_squeeze %dma_wait3A_671 : memref<1x8192xi32, #tpu.memory_space<vmem>> -> memref<8192xi32, #tpu.memory_space<vmem>>
      %dma_wait3A_673 = tpu.memref_slice %arg2[%mul3A_2] : memref<2097152xi32, #tpu.memory_space<hbm>> -> memref<8192xi32, #tpu.memory_space<hbm>>
      %dma_wait3A_674 = arith.constant 0 : i32
      %dma_wait3A_675 = tpu.memref_slice %arg9[%run_scoped3A, %dma_wait3A_674] : memref<3x8192xi32, #tpu.memory_space<vmem>> -> memref<1x8192xi32, #tpu.memory_space<vmem>>
      %dma_wait3A_676 = tpu.memref_squeeze %dma_wait3A_675 : memref<1x8192xi32, #tpu.memory_space<vmem>> -> memref<8192xi32, #tpu.memory_space<vmem>>
      %dma_wait3A_677 = tpu.memref_slice %arg2[%mul3A_2] : memref<2097152xi32, #tpu.memory_space<hbm>> -> memref<8192xi32, #tpu.memory_space<hbm>>
      tpu.wait_dma2 semaphore(%run_scoped3A_661 : memref<!tpu.dma_semaphore, #tpu.memory_space<semaphore_mem>>) src(%dma_wait3A_677 : memref<8192xi32, #tpu.memory_space<hbm>>) dst(%dma_wait3A_676 : memref<8192xi32, #tpu.memory_space<vmem>>)
      tpu.yield
    }) : () -> ()
    %dma_start3A = arith.constant 0 : i32
    %dma_start3A_3 = arith.constant 0 : i32
    %dma_start3A_4 = arith.constant 0 : i32
    %dma_start3A_5 = tpu.memref_slice %arg10[%dma_start3A_3, %dma_start3A_4] : memref<3x8192xf32, #tpu.memory_space<vmem>> -> memref<1x8192xf32, #tpu.memory_space<vmem>>
    %dma_start3A_6 = tpu.memref_squeeze %dma_start3A_5 : memref<1x8192xf32, #tpu.memory_space<vmem>> -> memref<8192xf32, #tpu.memory_space<vmem>>
    %dma_start3A_7 = arith.constant 0 : i32
    %dma_start3A_8 = tpu.memref_slice %arg9[%dma_start3A, %dma_start3A_7] : memref<3x8192xi32, #tpu.memory_space<vmem>> -> memref<1x8192xi32, #tpu.memory_space<vmem>>
    %dma_start3A_9 = tpu.memref_squeeze %dma_start3A_8 : memref<1x8192xi32, #tpu.memory_space<vmem>> -> memref<8192xi32, #tpu.memory_space<vmem>>
    %dma_start3A_10 = arith.constant 0 : i32
    %dma_start3A_11 = tpu.memref_slice %arg3[%dma_start3A_10] : memref<4194304xf32, #tpu.memory_space<hbm>> -> memref<4194304xf32, #tpu.memory_space<hbm>>
    tpu.enqueue_indirect_dma source(%dma_start3A_11 : memref<4194304xf32, #tpu.memory_space<hbm>>) target(%dma_start3A_6 : memref<8192xf32, #tpu.memory_space<vmem>>) offsets(%dma_start3A_9 : memref<8192xi32, #tpu.memory_space<vmem>>) semaphore(%arg13 : memref<!tpu.dma_semaphore, #tpu.memory_space<semaphore_mem>>)
    %dma_start3A_12 = arith.constant 0 : i32
    %dma_start3A_13 = arith.constant 0 : i32
    %dma_start3A_14 = arith.constant 0 : i32
    %dma_start3A_15 = tpu.memref_slice %arg11[%dma_start3A_13, %dma_start3A_14] : memref<3x8192xf32, #tpu.memory_space<vmem>> -> memref<1x8192xf32, #tpu.memory_space<vmem>>
    %dma_start3A_16 = tpu.memref_squeeze %dma_start3A_15 : memref<1x8192xf32, #tpu.memory_space<vmem>> -> memref<8192xf32, #tpu.memory_space<vmem>>
    %dma_start3A_17 = arith.constant 0 : i32
    %dma_start3A_18 = tpu.memref_slice %arg9[%dma_start3A_12, %dma_start3A_17] : memref<3x8192xi32, #tpu.memory_space<vmem>> -> memref<1x8192xi32, #tpu.memory_space<vmem>>
    %dma_start3A_19 = tpu.memref_squeeze %dma_start3A_18 : memref<1x8192xi32, #tpu.memory_space<vmem>> -> memref<8192xi32, #tpu.memory_space<vmem>>
    %dma_start3A_20 = arith.constant 0 : i32
    %dma_start3A_21 = tpu.memref_slice %arg4[%dma_start3A_20] : memref<4194304xf32, #tpu.memory_space<hbm>> -> memref<4194304xf32, #tpu.memory_space<hbm>>
    tpu.enqueue_indirect_dma source(%dma_start3A_21 : memref<4194304xf32, #tpu.memory_space<hbm>>) target(%dma_start3A_16 : memref<8192xf32, #tpu.memory_space<vmem>>) offsets(%dma_start3A_19 : memref<8192xi32, #tpu.memory_space<vmem>>) semaphore(%arg13 : memref<!tpu.dma_semaphore, #tpu.memory_space<semaphore_mem>>)
    %dma_start3A_22 = arith.constant 0 : i32
    %dma_start3A_23 = arith.constant 0 : i32
    %dma_start3A_24 = arith.constant 0 : i32
    %dma_start3A_25 = tpu.memref_slice %arg12[%dma_start3A_23, %dma_start3A_24] : memref<3x8192xf32, #tpu.memory_space<vmem>> -> memref<1x8192xf32, #tpu.memory_space<vmem>>
    %dma_start3A_26 = tpu.memref_squeeze %dma_start3A_25 : memref<1x8192xf32, #tpu.memory_space<vmem>> -> memref<8192xf32, #tpu.memory_space<vmem>>
    %dma_start3A_27 = arith.constant 0 : i32
    %dma_start3A_28 = tpu.memref_slice %arg9[%dma_start3A_22, %dma_start3A_27] : memref<3x8192xi32, #tpu.memory_space<vmem>> -> memref<1x8192xi32, #tpu.memory_space<vmem>>
    %dma_start3A_29 = tpu.memref_squeeze %dma_start3A_28 : memref<1x8192xi32, #tpu.memory_space<vmem>> -> memref<8192xi32, #tpu.memory_space<vmem>>
    %dma_start3A_30 = arith.constant 0 : i32
    %dma_start3A_31 = tpu.memref_slice %arg5[%dma_start3A_30] : memref<4194304xf32, #tpu.memory_space<hbm>> -> memref<4194304xf32, #tpu.memory_space<hbm>>
    tpu.enqueue_indirect_dma source(%dma_start3A_31 : memref<4194304xf32, #tpu.memory_space<hbm>>) target(%dma_start3A_26 : memref<8192xf32, #tpu.memory_space<vmem>>) offsets(%dma_start3A_29 : memref<8192xi32, #tpu.memory_space<vmem>>) semaphore(%arg13 : memref<!tpu.dma_semaphore, #tpu.memory_space<semaphore_mem>>)
    %add3A_32 = arith.constant 8192 : i32
    %add3A_33 = arith.addi %mul3A_2, %add3A_32 : i32
    %dma_start3A_34 = arith.constant 1 : i32
    %dma_start3A_35 = arith.constant 0 : i32
    %dma_start3A_36 = tpu.memref_slice %arg9[%dma_start3A_34, %dma_start3A_35] : memref<3x8192xi32, #tpu.memory_space<vmem>> -> memref<1x8192xi32, #tpu.memory_space<vmem>>
    %dma_start3A_37 = tpu.memref_squeeze %dma_start3A_36 : memref<1x8192xi32, #tpu.memory_space<vmem>> -> memref<8192xi32, #tpu.memory_space<vmem>>
    %dma_start3A_38 = tpu.memref_slice %arg2[%add3A_33] : memref<2097152xi32, #tpu.memory_space<hbm>> -> memref<8192xi32, #tpu.memory_space<hbm>>
    %dma_start3A_39 = arith.constant 0 : i32
    %dma_start3A_40 = tpu.memref_slice %arg9[%dma_start3A_34, %dma_start3A_39] : memref<3x8192xi32, #tpu.memory_space<vmem>> -> memref<1x8192xi32, #tpu.memory_space<vmem>>
    %dma_start3A_41 = tpu.memref_squeeze %dma_start3A_40 : memref<1x8192xi32, #tpu.memory_space<vmem>> -> memref<8192xi32, #tpu.memory_space<vmem>>
    %dma_start3A_42 = tpu.memref_slice %arg2[%add3A_33] : memref<2097152xi32, #tpu.memory_space<hbm>> -> memref<8192xi32, #tpu.memory_space<hbm>>
    tpu.enqueue_dma source(%dma_start3A_42 : memref<8192xi32, #tpu.memory_space<hbm>>) target(%dma_start3A_41 : memref<8192xi32, #tpu.memory_space<vmem>>) target_semaphore(%arg16 : memref<!tpu.dma_semaphore, #tpu.memory_space<semaphore_mem>>)
    %dma_wait3A = arith.constant 1 : i32
    %dma_wait3A_43 = arith.constant 0 : i32
    %dma_wait3A_44 = tpu.memref_slice %arg9[%dma_wait3A, %dma_wait3A_43] : memref<3x8192xi32, #tpu.memory_space<vmem>> -> memref<1x8192xi32, #tpu.memory_space<vmem>>
    %dma_wait3A_45 = tpu.memref_squeeze %dma_wait3A_44 : memref<1x8192xi32, #tpu.memory_space<vmem>> -> memref<8192xi32, #tpu.memory_space<vmem>>
    %dma_wait3A_46 = tpu.memref_slice %arg2[%add3A_33] : memref<2097152xi32, #tpu.memory_space<hbm>> -> memref<8192xi32, #tpu.memory_space<hbm>>
    %dma_wait3A_47 = arith.constant 0 : i32
    %dma_wait3A_48 = tpu.memref_slice %arg9[%dma_wait3A, %dma_wait3A_47] : memref<3x8192xi32, #tpu.memory_space<vmem>> -> memref<1x8192xi32, #tpu.memory_space<vmem>>
    %dma_wait3A_49 = tpu.memref_squeeze %dma_wait3A_48 : memref<1x8192xi32, #tpu.memory_space<vmem>> -> memref<8192xi32, #tpu.memory_space<vmem>>
    %dma_wait3A_50 = tpu.memref_slice %arg2[%add3A_33] : memref<2097152xi32, #tpu.memory_space<hbm>> -> memref<8192xi32, #tpu.memory_space<hbm>>
    tpu.wait_dma2 semaphore(%arg16 : memref<!tpu.dma_semaphore, #tpu.memory_space<semaphore_mem>>) src(%dma_wait3A_50 : memref<8192xi32, #tpu.memory_space<hbm>>) dst(%dma_wait3A_49 : memref<8192xi32, #tpu.memory_space<vmem>>)
    %dma_start3A_51 = arith.constant 1 : i32
    %dma_start3A_52 = arith.constant 1 : i32
    %dma_start3A_53 = arith.constant 0 : i32
    %dma_start3A_54 = tpu.memref_slice %arg10[%dma_start3A_52, %dma_start3A_53] : memref<3x8192xf32, #tpu.memory_space<vmem>> -> memref<1x8192xf32, #tpu.memory_space<vmem>>
    %dma_start3A_55 = tpu.memref_squeeze %dma_start3A_54 : memref<1x8192xf32, #tpu.memory_space<vmem>> -> memref<8192xf32, #tpu.memory_space<vmem>>
    %dma_start3A_56 = arith.constant 0 : i32
    %dma_start3A_57 = tpu.memref_slice %arg9[%dma_start3A_51, %dma_start3A_56] : memref<3x8192xi32, #tpu.memory_space<vmem>> -> memref<1x8192xi32, #tpu.memory_space<vmem>>
    %dma_start3A_58 = tpu.memref_squeeze %dma_start3A_57 : memref<1x8192xi32, #tpu.memory_space<vmem>> -> memref<8192xi32, #tpu.memory_space<vmem>>
    %dma_start3A_59 = arith.constant 0 : i32
    %dma_start3A_60 = tpu.memref_slice %arg3[%dma_start3A_59] : memref<4194304xf32, #tpu.memory_space<hbm>> -> memref<4194304xf32, #tpu.memory_space<hbm>>
    tpu.enqueue_indirect_dma source(%dma_start3A_60 : memref<4194304xf32, #tpu.memory_space<hbm>>) target(%dma_start3A_55 : memref<8192xf32, #tpu.memory_space<vmem>>) offsets(%dma_start3A_58 : memref<8192xi32, #tpu.memory_space<vmem>>) semaphore(%arg14 : memref<!tpu.dma_semaphore, #tpu.memory_space<semaphore_mem>>)
    %dma_start3A_61 = arith.constant 1 : i32
    %dma_start3A_62 = arith.constant 1 : i32
    %dma_start3A_63 = arith.constant 0 : i32
    %dma_start3A_64 = tpu.memref_slice %arg11[%dma_start3A_62, %dma_start3A_63] : memref<3x8192xf32, #tpu.memory_space<vmem>> -> memref<1x8192xf32, #tpu.memory_space<vmem>>
    %dma_start3A_65 = tpu.memref_squeeze %dma_start3A_64 : memref<1x8192xf32, #tpu.memory_space<vmem>> -> memref<8192xf32, #tpu.memory_space<vmem>>
    %dma_start3A_66 = arith.constant 0 : i32
    %dma_start3A_67 = tpu.memref_slice %arg9[%dma_start3A_61, %dma_start3A_66] : memref<3x8192xi32, #tpu.memory_space<vmem>> -> memref<1x8192xi32, #tpu.memory_space<vmem>>
    %dma_start3A_68 = tpu.memref_squeeze %dma_start3A_67 : memref<1x8192xi32, #tpu.memory_space<vmem>> -> memref<8192xi32, #tpu.memory_space<vmem>>
    %dma_start3A_69 = arith.constant 0 : i32
    %dma_start3A_70 = tpu.memref_slice %arg4[%dma_start3A_69] : memref<4194304xf32, #tpu.memory_space<hbm>> -> memref<4194304xf32, #tpu.memory_space<hbm>>
    tpu.enqueue_indirect_dma source(%dma_start3A_70 : memref<4194304xf32, #tpu.memory_space<hbm>>) target(%dma_start3A_65 : memref<8192xf32, #tpu.memory_space<vmem>>) offsets(%dma_start3A_68 : memref<8192xi32, #tpu.memory_space<vmem>>) semaphore(%arg14 : memref<!tpu.dma_semaphore, #tpu.memory_space<semaphore_mem>>)
    %dma_start3A_71 = arith.constant 1 : i32
    %dma_start3A_72 = arith.constant 1 : i32
    %dma_start3A_73 = arith.constant 0 : i32
    %dma_start3A_74 = tpu.memref_slice %arg12[%dma_start3A_72, %dma_start3A_73] : memref<3x8192xf32, #tpu.memory_space<vmem>> -> memref<1x8192xf32, #tpu.memory_space<vmem>>
    %dma_start3A_75 = tpu.memref_squeeze %dma_start3A_74 : memref<1x8192xf32, #tpu.memory_space<vmem>> -> memref<8192xf32, #tpu.memory_space<vmem>>
    %dma_start3A_76 = arith.constant 0 : i32
    %dma_start3A_77 = tpu.memref_slice %arg9[%dma_start3A_71, %dma_start3A_76] : memref<3x8192xi32, #tpu.memory_space<vmem>> -> memref<1x8192xi32, #tpu.memory_space<vmem>>
    %dma_start3A_78 = tpu.memref_squeeze %dma_start3A_77 : memref<1x8192xi32, #tpu.memory_space<vmem>> -> memref<8192xi32, #tpu.memory_space<vmem>>
    %dma_start3A_79 = arith.constant 0 : i32
    %dma_start3A_80 = tpu.memref_slice %arg5[%dma_start3A_79] : memref<4194304xf32, #tpu.memory_space<hbm>> -> memref<4194304xf32, #tpu.memory_space<hbm>>
    tpu.enqueue_indirect_dma source(%dma_start3A_80 : memref<4194304xf32, #tpu.memory_space<hbm>>) target(%dma_start3A_75 : memref<8192xf32, #tpu.memory_space<vmem>>) offsets(%dma_start3A_78 : memref<8192xi32, #tpu.memory_space<vmem>>) semaphore(%arg14 : memref<!tpu.dma_semaphore, #tpu.memory_space<semaphore_mem>>)
    %add3A_81 = arith.constant 16384 : i32
    %add3A_82 = arith.addi %mul3A_2, %add3A_81 : i32
    %dma_start3A_83 = arith.constant 2 : i32
    %dma_start3A_84 = arith.constant 0 : i32
    %dma_start3A_85 = tpu.memref_slice %arg9[%dma_start3A_83, %dma_start3A_84] : memref<3x8192xi32, #tpu.memory_space<vmem>> -> memref<1x8192xi32, #tpu.memory_space<vmem>>
    %dma_start3A_86 = tpu.memref_squeeze %dma_start3A_85 : memref<1x8192xi32, #tpu.memory_space<vmem>> -> memref<8192xi32, #tpu.memory_space<vmem>>
    %dma_start3A_87 = tpu.memref_slice %arg2[%add3A_82] : memref<2097152xi32, #tpu.memory_space<hbm>> -> memref<8192xi32, #tpu.memory_space<hbm>>
    %dma_start3A_88 = arith.constant 0 : i32
    %dma_start3A_89 = tpu.memref_slice %arg9[%dma_start3A_83, %dma_start3A_88] : memref<3x8192xi32, #tpu.memory_space<vmem>> -> memref<1x8192xi32, #tpu.memory_space<vmem>>
    %dma_start3A_90 = tpu.memref_squeeze %dma_start3A_89 : memref<1x8192xi32, #tpu.memory_space<vmem>> -> memref<8192xi32, #tpu.memory_space<vmem>>
    %dma_start3A_91 = tpu.memref_slice %arg2[%add3A_82] : memref<2097152xi32, #tpu.memory_space<hbm>> -> memref<8192xi32, #tpu.memory_space<hbm>>
    tpu.enqueue_dma source(%dma_start3A_91 : memref<8192xi32, #tpu.memory_space<hbm>>) target(%dma_start3A_90 : memref<8192xi32, #tpu.memory_space<vmem>>) target_semaphore(%arg16 : memref<!tpu.dma_semaphore, #tpu.memory_space<semaphore_mem>>)
    %dma_wait3A_92 = arith.constant 2 : i32
    %dma_wait3A_93 = arith.constant 0 : i32
    %dma_wait3A_94 = tpu.memref_slice %arg9[%dma_wait3A_92, %dma_wait3A_93] : memref<3x8192xi32, #tpu.memory_space<vmem>> -> memref<1x8192xi32, #tpu.memory_space<vmem>>
    %dma_wait3A_95 = tpu.memref_squeeze %dma_wait3A_94 : memref<1x8192xi32, #tpu.memory_space<vmem>> -> memref<8192xi32, #tpu.memory_space<vmem>>
    %dma_wait3A_96 = tpu.memref_slice %arg2[%add3A_82] : memref<2097152xi32, #tpu.memory_space<hbm>> -> memref<8192xi32, #tpu.memory_space<hbm>>
    %dma_wait3A_97 = arith.constant 0 : i32
    %dma_wait3A_98 = tpu.memref_slice %arg9[%dma_wait3A_92, %dma_wait3A_97] : memref<3x8192xi32, #tpu.memory_space<vmem>> -> memref<1x8192xi32, #tpu.memory_space<vmem>>
    %dma_wait3A_99 = tpu.memref_squeeze %dma_wait3A_98 : memref<1x8192xi32, #tpu.memory_space<vmem>> -> memref<8192xi32, #tpu.memory_space<vmem>>
    %dma_wait3A_100 = tpu.memref_slice %arg2[%add3A_82] : memref<2097152xi32, #tpu.memory_space<hbm>> -> memref<8192xi32, #tpu.memory_space<hbm>>
    tpu.wait_dma2 semaphore(%arg16 : memref<!tpu.dma_semaphore, #tpu.memory_space<semaphore_mem>>) src(%dma_wait3A_100 : memref<8192xi32, #tpu.memory_space<hbm>>) dst(%dma_wait3A_99 : memref<8192xi32, #tpu.memory_space<vmem>>)
    %dma_start3A_101 = arith.constant 2 : i32
    %dma_start3A_102 = arith.constant 2 : i32
    %dma_start3A_103 = arith.constant 0 : i32
    %dma_start3A_104 = tpu.memref_slice %arg10[%dma_start3A_102, %dma_start3A_103] : memref<3x8192xf32, #tpu.memory_space<vmem>> -> memref<1x8192xf32, #tpu.memory_space<vmem>>
    %dma_start3A_105 = tpu.memref_squeeze %dma_start3A_104 : memref<1x8192xf32, #tpu.memory_space<vmem>> -> memref<8192xf32, #tpu.memory_space<vmem>>
    %dma_start3A_106 = arith.constant 0 : i32
    %dma_start3A_107 = tpu.memref_slice %arg9[%dma_start3A_101, %dma_start3A_106] : memref<3x8192xi32, #tpu.memory_space<vmem>> -> memref<1x8192xi32, #tpu.memory_space<vmem>>
    %dma_start3A_108 = tpu.memref_squeeze %dma_start3A_107 : memref<1x8192xi32, #tpu.memory_space<vmem>> -> memref<8192xi32, #tpu.memory_space<vmem>>
    %dma_start3A_109 = arith.constant 0 : i32
    %dma_start3A_110 = tpu.memref_slice %arg3[%dma_start3A_109] : memref<4194304xf32, #tpu.memory_space<hbm>> -> memref<4194304xf32, #tpu.memory_space<hbm>>
    tpu.enqueue_indirect_dma source(%dma_start3A_110 : memref<4194304xf32, #tpu.memory_space<hbm>>) target(%dma_start3A_105 : memref<8192xf32, #tpu.memory_space<vmem>>) offsets(%dma_start3A_108 : memref<8192xi32, #tpu.memory_space<vmem>>) semaphore(%arg15 : memref<!tpu.dma_semaphore, #tpu.memory_space<semaphore_mem>>)
    %dma_start3A_111 = arith.constant 2 : i32
    %dma_start3A_112 = arith.constant 2 : i32
    %dma_start3A_113 = arith.constant 0 : i32
    %dma_start3A_114 = tpu.memref_slice %arg11[%dma_start3A_112, %dma_start3A_113] : memref<3x8192xf32, #tpu.memory_space<vmem>> -> memref<1x8192xf32, #tpu.memory_space<vmem>>
    %dma_start3A_115 = tpu.memref_squeeze %dma_start3A_114 : memref<1x8192xf32, #tpu.memory_space<vmem>> -> memref<8192xf32, #tpu.memory_space<vmem>>
    %dma_start3A_116 = arith.constant 0 : i32
    %dma_start3A_117 = tpu.memref_slice %arg9[%dma_start3A_111, %dma_start3A_116] : memref<3x8192xi32, #tpu.memory_space<vmem>> -> memref<1x8192xi32, #tpu.memory_space<vmem>>
    %dma_start3A_118 = tpu.memref_squeeze %dma_start3A_117 : memref<1x8192xi32, #tpu.memory_space<vmem>> -> memref<8192xi32, #tpu.memory_space<vmem>>
    %dma_start3A_119 = arith.constant 0 : i32
    %dma_start3A_120 = tpu.memref_slice %arg4[%dma_start3A_119] : memref<4194304xf32, #tpu.memory_space<hbm>> -> memref<4194304xf32, #tpu.memory_space<hbm>>
    tpu.enqueue_indirect_dma source(%dma_start3A_120 : memref<4194304xf32, #tpu.memory_space<hbm>>) target(%dma_start3A_115 : memref<8192xf32, #tpu.memory_space<vmem>>) offsets(%dma_start3A_118 : memref<8192xi32, #tpu.memory_space<vmem>>) semaphore(%arg15 : memref<!tpu.dma_semaphore, #tpu.memory_space<semaphore_mem>>)
    %dma_start3A_121 = arith.constant 2 : i32
    %dma_start3A_122 = arith.constant 2 : i32
    %dma_start3A_123 = arith.constant 0 : i32
    %dma_start3A_124 = tpu.memref_slice %arg12[%dma_start3A_122, %dma_start3A_123] : memref<3x8192xf32, #tpu.memory_space<vmem>> -> memref<1x8192xf32, #tpu.memory_space<vmem>>
    %dma_start3A_125 = tpu.memref_squeeze %dma_start3A_124 : memref<1x8192xf32, #tpu.memory_space<vmem>> -> memref<8192xf32, #tpu.memory_space<vmem>>
    %dma_start3A_126 = arith.constant 0 : i32
    %dma_start3A_127 = tpu.memref_slice %arg9[%dma_start3A_121, %dma_start3A_126] : memref<3x8192xi32, #tpu.memory_space<vmem>> -> memref<1x8192xi32, #tpu.memory_space<vmem>>
    %dma_start3A_128 = tpu.memref_squeeze %dma_start3A_127 : memref<1x8192xi32, #tpu.memory_space<vmem>> -> memref<8192xi32, #tpu.memory_space<vmem>>
    %dma_start3A_129 = arith.constant 0 : i32
    %dma_start3A_130 = tpu.memref_slice %arg5[%dma_start3A_129] : memref<4194304xf32, #tpu.memory_space<hbm>> -> memref<4194304xf32, #tpu.memory_space<hbm>>
    tpu.enqueue_indirect_dma source(%dma_start3A_130 : memref<4194304xf32, #tpu.memory_space<hbm>>) target(%dma_start3A_125 : memref<8192xf32, #tpu.memory_space<vmem>>) offsets(%dma_start3A_128 : memref<8192xi32, #tpu.memory_space<vmem>>) semaphore(%arg15 : memref<!tpu.dma_semaphore, #tpu.memory_space<semaphore_mem>>)
    %dma_wait3A_131 = arith.constant 0 : i32
    %dma_wait3A_132 = arith.constant 0 : i32
    %dma_wait3A_133 = arith.constant 0 : i32
    %dma_wait3A_134 = tpu.memref_slice %arg10[%dma_wait3A_132, %dma_wait3A_133] : memref<3x8192xf32, #tpu.memory_space<vmem>> -> memref<1x8192xf32, #tpu.memory_space<vmem>>
    %dma_wait3A_135 = tpu.memref_squeeze %dma_wait3A_134 : memref<1x8192xf32, #tpu.memory_space<vmem>> -> memref<8192xf32, #tpu.memory_space<vmem>>
    %dma_wait3A_136 = arith.constant 0 : i32
    %dma_wait3A_137 = tpu.memref_slice %arg9[%dma_wait3A_131, %dma_wait3A_136] : memref<3x8192xi32, #tpu.memory_space<vmem>> -> memref<1x8192xi32, #tpu.memory_space<vmem>>
    %dma_wait3A_138 = tpu.memref_squeeze %dma_wait3A_137 : memref<1x8192xi32, #tpu.memory_space<vmem>> -> memref<8192xi32, #tpu.memory_space<vmem>>
    %dma_wait3A_139 = arith.constant 0 : i32
    %dma_wait3A_140 = tpu.memref_slice %arg3[%dma_wait3A_139] : memref<4194304xf32, #tpu.memory_space<hbm>> -> memref<4194304xf32, #tpu.memory_space<hbm>>
    tpu.wait_indirect_dma semaphore(%arg13 : memref<!tpu.dma_semaphore, #tpu.memory_space<semaphore_mem>>) src(%dma_wait3A_140 : memref<4194304xf32, #tpu.memory_space<hbm>>) dst(%dma_wait3A_135 : memref<8192xf32, #tpu.memory_space<vmem>>)
    %dma_wait3A_141 = arith.constant 0 : i32
    %dma_wait3A_142 = arith.constant 0 : i32
    %dma_wait3A_143 = arith.constant 0 : i32
    %dma_wait3A_144 = tpu.memref_slice %arg11[%dma_wait3A_142, %dma_wait3A_143] : memref<3x8192xf32, #tpu.memory_space<vmem>> -> memref<1x8192xf32, #tpu.memory_space<vmem>>
    %dma_wait3A_145 = tpu.memref_squeeze %dma_wait3A_144 : memref<1x8192xf32, #tpu.memory_space<vmem>> -> memref<8192xf32, #tpu.memory_space<vmem>>
    %dma_wait3A_146 = arith.constant 0 : i32
    %dma_wait3A_147 = tpu.memref_slice %arg9[%dma_wait3A_141, %dma_wait3A_146] : memref<3x8192xi32, #tpu.memory_space<vmem>> -> memref<1x8192xi32, #tpu.memory_space<vmem>>
    %dma_wait3A_148 = tpu.memref_squeeze %dma_wait3A_147 : memref<1x8192xi32, #tpu.memory_space<vmem>> -> memref<8192xi32, #tpu.memory_space<vmem>>
    %dma_wait3A_149 = arith.constant 0 : i32
    %dma_wait3A_150 = tpu.memref_slice %arg4[%dma_wait3A_149] : memref<4194304xf32, #tpu.memory_space<hbm>> -> memref<4194304xf32, #tpu.memory_space<hbm>>
    tpu.wait_indirect_dma semaphore(%arg13 : memref<!tpu.dma_semaphore, #tpu.memory_space<semaphore_mem>>) src(%dma_wait3A_150 : memref<4194304xf32, #tpu.memory_space<hbm>>) dst(%dma_wait3A_145 : memref<8192xf32, #tpu.memory_space<vmem>>)
    %dma_wait3A_151 = arith.constant 0 : i32
    %dma_wait3A_152 = arith.constant 0 : i32
    %dma_wait3A_153 = arith.constant 0 : i32
    %dma_wait3A_154 = tpu.memref_slice %arg12[%dma_wait3A_152, %dma_wait3A_153] : memref<3x8192xf32, #tpu.memory_space<vmem>> -> memref<1x8192xf32, #tpu.memory_space<vmem>>
    %dma_wait3A_155 = tpu.memref_squeeze %dma_wait3A_154 : memref<1x8192xf32, #tpu.memory_space<vmem>> -> memref<8192xf32, #tpu.memory_space<vmem>>
    %dma_wait3A_156 = arith.constant 0 : i32
    %dma_wait3A_157 = tpu.memref_slice %arg9[%dma_wait3A_151, %dma_wait3A_156] : memref<3x8192xi32, #tpu.memory_space<vmem>> -> memref<1x8192xi32, #tpu.memory_space<vmem>>
    %dma_wait3A_158 = tpu.memref_squeeze %dma_wait3A_157 : memref<1x8192xi32, #tpu.memory_space<vmem>> -> memref<8192xi32, #tpu.memory_space<vmem>>
    %dma_wait3A_159 = arith.constant 0 : i32
    %dma_wait3A_160 = tpu.memref_slice %arg5[%dma_wait3A_159] : memref<4194304xf32, #tpu.memory_space<hbm>> -> memref<4194304xf32, #tpu.memory_space<hbm>>
    tpu.wait_indirect_dma semaphore(%arg13 : memref<!tpu.dma_semaphore, #tpu.memory_space<semaphore_mem>>) src(%dma_wait3A_160 : memref<4194304xf32, #tpu.memory_space<hbm>>) dst(%dma_wait3A_155 : memref<8192xf32, #tpu.memory_space<vmem>>)
    %add3A_161 = arith.constant 0 : i32
    %add3A_162 = arith.addi %mul3A_2, %add3A_161 : i32
    %run_scoped3A_163 = arith.constant 0 : i32
    "tpu.region"() ({
      %run_scoped3A_661 = tpu.sem_alloc : memref<!tpu.dma_semaphore, #tpu.memory_space<semaphore_mem>>
      %dma_start3A_662 = arith.constant 0 : i32
      %dma_start3A_663 = tpu.memref_slice %arg10[%run_scoped3A_163, %dma_start3A_662] : memref<3x8192xf32, #tpu.memory_space<vmem>> -> memref<1x8192xf32, #tpu.memory_space<vmem>>
      %dma_start3A_664 = tpu.memref_squeeze %dma_start3A_663 : memref<1x8192xf32, #tpu.memory_space<vmem>> -> memref<8192xf32, #tpu.memory_space<vmem>>
      %dma_start3A_665 = tpu.memref_slice %arg6[%add3A_162] : memref<2097152xf32, #tpu.memory_space<hbm>> -> memref<8192xf32, #tpu.memory_space<hbm>>
      %dma_start3A_666 = tpu.memref_slice %arg6[%add3A_162] : memref<2097152xf32, #tpu.memory_space<hbm>> -> memref<8192xf32, #tpu.memory_space<hbm>>
      %dma_start3A_667 = arith.constant 0 : i32
      %dma_start3A_668 = tpu.memref_slice %arg10[%run_scoped3A_163, %dma_start3A_667] : memref<3x8192xf32, #tpu.memory_space<vmem>> -> memref<1x8192xf32, #tpu.memory_space<vmem>>
      %dma_start3A_669 = tpu.memref_squeeze %dma_start3A_668 : memref<1x8192xf32, #tpu.memory_space<vmem>> -> memref<8192xf32, #tpu.memory_space<vmem>>
      tpu.enqueue_dma source(%dma_start3A_669 : memref<8192xf32, #tpu.memory_space<vmem>>) target(%dma_start3A_666 : memref<8192xf32, #tpu.memory_space<hbm>>) target_semaphore(%run_scoped3A_661 : memref<!tpu.dma_semaphore, #tpu.memory_space<semaphore_mem>>)
      %dma_wait3A_670 = arith.constant 0 : i32
      %dma_wait3A_671 = tpu.memref_slice %arg10[%run_scoped3A_163, %dma_wait3A_670] : memref<3x8192xf32, #tpu.memory_space<vmem>> -> memref<1x8192xf32, #tpu.memory_space<vmem>>
      %dma_wait3A_672 = tpu.memref_squeeze %dma_wait3A_671 : memref<1x8192xf32, #tpu.memory_space<vmem>> -> memref<8192xf32, #tpu.memory_space<vmem>>
      %dma_wait3A_673 = tpu.memref_slice %arg6[%add3A_162] : memref<2097152xf32, #tpu.memory_space<hbm>> -> memref<8192xf32, #tpu.memory_space<hbm>>
      %dma_wait3A_674 = tpu.memref_slice %arg6[%add3A_162] : memref<2097152xf32, #tpu.memory_space<hbm>> -> memref<8192xf32, #tpu.memory_space<hbm>>
      %dma_wait3A_675 = arith.constant 0 : i32
      %dma_wait3A_676 = tpu.memref_slice %arg10[%run_scoped3A_163, %dma_wait3A_675] : memref<3x8192xf32, #tpu.memory_space<vmem>> -> memref<1x8192xf32, #tpu.memory_space<vmem>>
      %dma_wait3A_677 = tpu.memref_squeeze %dma_wait3A_676 : memref<1x8192xf32, #tpu.memory_space<vmem>> -> memref<8192xf32, #tpu.memory_space<vmem>>
      tpu.wait_dma2 semaphore(%run_scoped3A_661 : memref<!tpu.dma_semaphore, #tpu.memory_space<semaphore_mem>>) src(%dma_wait3A_677 : memref<8192xf32, #tpu.memory_space<vmem>>) dst(%dma_wait3A_674 : memref<8192xf32, #tpu.memory_space<hbm>>)
      tpu.yield
    }) : () -> ()
    %run_scoped3A_164 = arith.constant 0 : i32
    "tpu.region"() ({
      %run_scoped3A_661 = tpu.sem_alloc : memref<!tpu.dma_semaphore, #tpu.memory_space<semaphore_mem>>
      %dma_start3A_662 = arith.constant 0 : i32
      %dma_start3A_663 = tpu.memref_slice %arg11[%run_scoped3A_164, %dma_start3A_662] : memref<3x8192xf32, #tpu.memory_space<vmem>> -> memref<1x8192xf32, #tpu.memory_space<vmem>>
      %dma_start3A_664 = tpu.memref_squeeze %dma_start3A_663 : memref<1x8192xf32, #tpu.memory_space<vmem>> -> memref<8192xf32, #tpu.memory_space<vmem>>
      %dma_start3A_665 = tpu.memref_slice %arg7[%add3A_162] : memref<2097152xf32, #tpu.memory_space<hbm>> -> memref<8192xf32, #tpu.memory_space<hbm>>
      %dma_start3A_666 = tpu.memref_slice %arg7[%add3A_162] : memref<2097152xf32, #tpu.memory_space<hbm>> -> memref<8192xf32, #tpu.memory_space<hbm>>
      %dma_start3A_667 = arith.constant 0 : i32
      %dma_start3A_668 = tpu.memref_slice %arg11[%run_scoped3A_164, %dma_start3A_667] : memref<3x8192xf32, #tpu.memory_space<vmem>> -> memref<1x8192xf32, #tpu.memory_space<vmem>>
      %dma_start3A_669 = tpu.memref_squeeze %dma_start3A_668 : memref<1x8192xf32, #tpu.memory_space<vmem>> -> memref<8192xf32, #tpu.memory_space<vmem>>
      tpu.enqueue_dma source(%dma_start3A_669 : memref<8192xf32, #tpu.memory_space<vmem>>) target(%dma_start3A_666 : memref<8192xf32, #tpu.memory_space<hbm>>) target_semaphore(%run_scoped3A_661 : memref<!tpu.dma_semaphore, #tpu.memory_space<semaphore_mem>>)
      %dma_wait3A_670 = arith.constant 0 : i32
      %dma_wait3A_671 = tpu.memref_slice %arg11[%run_scoped3A_164, %dma_wait3A_670] : memref<3x8192xf32, #tpu.memory_space<vmem>> -> memref<1x8192xf32, #tpu.memory_space<vmem>>
      %dma_wait3A_672 = tpu.memref_squeeze %dma_wait3A_671 : memref<1x8192xf32, #tpu.memory_space<vmem>> -> memref<8192xf32, #tpu.memory_space<vmem>>
      %dma_wait3A_673 = tpu.memref_slice %arg7[%add3A_162] : memref<2097152xf32, #tpu.memory_space<hbm>> -> memref<8192xf32, #tpu.memory_space<hbm>>
      %dma_wait3A_674 = tpu.memref_slice %arg7[%add3A_162] : memref<2097152xf32, #tpu.memory_space<hbm>> -> memref<8192xf32, #tpu.memory_space<hbm>>
      %dma_wait3A_675 = arith.constant 0 : i32
      %dma_wait3A_676 = tpu.memref_slice %arg11[%run_scoped3A_164, %dma_wait3A_675] : memref<3x8192xf32, #tpu.memory_space<vmem>> -> memref<1x8192xf32, #tpu.memory_space<vmem>>
      %dma_wait3A_677 = tpu.memref_squeeze %dma_wait3A_676 : memref<1x8192xf32, #tpu.memory_space<vmem>> -> memref<8192xf32, #tpu.memory_space<vmem>>
      tpu.wait_dma2 semaphore(%run_scoped3A_661 : memref<!tpu.dma_semaphore, #tpu.memory_space<semaphore_mem>>) src(%dma_wait3A_677 : memref<8192xf32, #tpu.memory_space<vmem>>) dst(%dma_wait3A_674 : memref<8192xf32, #tpu.memory_space<hbm>>)
      tpu.yield
    }) : () -> ()
    %run_scoped3A_165 = arith.constant 0 : i32
    "tpu.region"() ({
      %run_scoped3A_661 = tpu.sem_alloc : memref<!tpu.dma_semaphore, #tpu.memory_space<semaphore_mem>>
      %dma_start3A_662 = arith.constant 0 : i32
      %dma_start3A_663 = tpu.memref_slice %arg12[%run_scoped3A_165, %dma_start3A_662] : memref<3x8192xf32, #tpu.memory_space<vmem>> -> memref<1x8192xf32, #tpu.memory_space<vmem>>
      %dma_start3A_664 = tpu.memref_squeeze %dma_start3A_663 : memref<1x8192xf32, #tpu.memory_space<vmem>> -> memref<8192xf32, #tpu.memory_space<vmem>>
      %dma_start3A_665 = tpu.memref_slice %arg8[%add3A_162] : memref<2097152xf32, #tpu.memory_space<hbm>> -> memref<8192xf32, #tpu.memory_space<hbm>>
      %dma_start3A_666 = tpu.memref_slice %arg8[%add3A_162] : memref<2097152xf32, #tpu.memory_space<hbm>> -> memref<8192xf32, #tpu.memory_space<hbm>>
      %dma_start3A_667 = arith.constant 0 : i32
      %dma_start3A_668 = tpu.memref_slice %arg12[%run_scoped3A_165, %dma_start3A_667] : memref<3x8192xf32, #tpu.memory_space<vmem>> -> memref<1x8192xf32, #tpu.memory_space<vmem>>
      %dma_start3A_669 = tpu.memref_squeeze %dma_start3A_668 : memref<1x8192xf32, #tpu.memory_space<vmem>> -> memref<8192xf32, #tpu.memory_space<vmem>>
      tpu.enqueue_dma source(%dma_start3A_669 : memref<8192xf32, #tpu.memory_space<vmem>>) target(%dma_start3A_666 : memref<8192xf32, #tpu.memory_space<hbm>>) target_semaphore(%run_scoped3A_661 : memref<!tpu.dma_semaphore, #tpu.memory_space<semaphore_mem>>)
      %dma_wait3A_670 = arith.constant 0 : i32
      %dma_wait3A_671 = tpu.memref_slice %arg12[%run_scoped3A_165, %dma_wait3A_670] : memref<3x8192xf32, #tpu.memory_space<vmem>> -> memref<1x8192xf32, #tpu.memory_space<vmem>>
      %dma_wait3A_672 = tpu.memref_squeeze %dma_wait3A_671 : memref<1x8192xf32, #tpu.memory_space<vmem>> -> memref<8192xf32, #tpu.memory_space<vmem>>
      %dma_wait3A_673 = tpu.memref_slice %arg8[%add3A_162] : memref<2097152xf32, #tpu.memory_space<hbm>> -> memref<8192xf32, #tpu.memory_space<hbm>>
      %dma_wait3A_674 = tpu.memref_slice %arg8[%add3A_162] : memref<2097152xf32, #tpu.memory_space<hbm>> -> memref<8192xf32, #tpu.memory_space<hbm>>
      %dma_wait3A_675 = arith.constant 0 : i32
      %dma_wait3A_676 = tpu.memref_slice %arg12[%run_scoped3A_165, %dma_wait3A_675] : memref<3x8192xf32, #tpu.memory_space<vmem>> -> memref<1x8192xf32, #tpu.memory_space<vmem>>
      %dma_wait3A_677 = tpu.memref_squeeze %dma_wait3A_676 : memref<1x8192xf32, #tpu.memory_space<vmem>> -> memref<8192xf32, #tpu.memory_space<vmem>>
      tpu.wait_dma2 semaphore(%run_scoped3A_661 : memref<!tpu.dma_semaphore, #tpu.memory_space<semaphore_mem>>) src(%dma_wait3A_677 : memref<8192xf32, #tpu.memory_space<vmem>>) dst(%dma_wait3A_674 : memref<8192xf32, #tpu.memory_space<hbm>>)
      tpu.yield
    }) : () -> ()
    %add3A_166 = arith.constant 24576 : i32
    %add3A_167 = arith.addi %mul3A_2, %add3A_166 : i32
    %dma_start3A_168 = arith.constant 0 : i32
    %dma_start3A_169 = arith.constant 0 : i32
    %dma_start3A_170 = tpu.memref_slice %arg9[%dma_start3A_168, %dma_start3A_169] : memref<3x8192xi32, #tpu.memory_space<vmem>> -> memref<1x8192xi32, #tpu.memory_space<vmem>>
    %dma_start3A_171 = tpu.memref_squeeze %dma_start3A_170 : memref<1x8192xi32, #tpu.memory_space<vmem>> -> memref<8192xi32, #tpu.memory_space<vmem>>
    %dma_start3A_172 = tpu.memref_slice %arg2[%add3A_167] : memref<2097152xi32, #tpu.memory_space<hbm>> -> memref<8192xi32, #tpu.memory_space<hbm>>
    %dma_start3A_173 = arith.constant 0 : i32
    %dma_start3A_174 = tpu.memref_slice %arg9[%dma_start3A_168, %dma_start3A_173] : memref<3x8192xi32, #tpu.memory_space<vmem>> -> memref<1x8192xi32, #tpu.memory_space<vmem>>
    %dma_start3A_175 = tpu.memref_squeeze %dma_start3A_174 : memref<1x8192xi32, #tpu.memory_space<vmem>> -> memref<8192xi32, #tpu.memory_space<vmem>>
    %dma_start3A_176 = tpu.memref_slice %arg2[%add3A_167] : memref<2097152xi32, #tpu.memory_space<hbm>> -> memref<8192xi32, #tpu.memory_space<hbm>>
    tpu.enqueue_dma source(%dma_start3A_176 : memref<8192xi32, #tpu.memory_space<hbm>>) target(%dma_start3A_175 : memref<8192xi32, #tpu.memory_space<vmem>>) target_semaphore(%arg16 : memref<!tpu.dma_semaphore, #tpu.memory_space<semaphore_mem>>)
    %dma_wait3A_177 = arith.constant 0 : i32
    %dma_wait3A_178 = arith.constant 0 : i32
    %dma_wait3A_179 = tpu.memref_slice %arg9[%dma_wait3A_177, %dma_wait3A_178] : memref<3x8192xi32, #tpu.memory_space<vmem>> -> memref<1x8192xi32, #tpu.memory_space<vmem>>
    %dma_wait3A_180 = tpu.memref_squeeze %dma_wait3A_179 : memref<1x8192xi32, #tpu.memory_space<vmem>> -> memref<8192xi32, #tpu.memory_space<vmem>>
    %dma_wait3A_181 = tpu.memref_slice %arg2[%add3A_167] : memref<2097152xi32, #tpu.memory_space<hbm>> -> memref<8192xi32, #tpu.memory_space<hbm>>
    %dma_wait3A_182 = arith.constant 0 : i32
    %dma_wait3A_183 = tpu.memref_slice %arg9[%dma_wait3A_177, %dma_wait3A_182] : memref<3x8192xi32, #tpu.memory_space<vmem>> -> memref<1x8192xi32, #tpu.memory_space<vmem>>
    %dma_wait3A_184 = tpu.memref_squeeze %dma_wait3A_183 : memref<1x8192xi32, #tpu.memory_space<vmem>> -> memref<8192xi32, #tpu.memory_space<vmem>>
    %dma_wait3A_185 = tpu.memref_slice %arg2[%add3A_167] : memref<2097152xi32, #tpu.memory_space<hbm>> -> memref<8192xi32, #tpu.memory_space<hbm>>
    tpu.wait_dma2 semaphore(%arg16 : memref<!tpu.dma_semaphore, #tpu.memory_space<semaphore_mem>>) src(%dma_wait3A_185 : memref<8192xi32, #tpu.memory_space<hbm>>) dst(%dma_wait3A_184 : memref<8192xi32, #tpu.memory_space<vmem>>)
    %dma_start3A_186 = arith.constant 0 : i32
    %dma_start3A_187 = arith.constant 0 : i32
    %dma_start3A_188 = arith.constant 0 : i32
    %dma_start3A_189 = tpu.memref_slice %arg10[%dma_start3A_187, %dma_start3A_188] : memref<3x8192xf32, #tpu.memory_space<vmem>> -> memref<1x8192xf32, #tpu.memory_space<vmem>>
    %dma_start3A_190 = tpu.memref_squeeze %dma_start3A_189 : memref<1x8192xf32, #tpu.memory_space<vmem>> -> memref<8192xf32, #tpu.memory_space<vmem>>
    %dma_start3A_191 = arith.constant 0 : i32
    %dma_start3A_192 = tpu.memref_slice %arg9[%dma_start3A_186, %dma_start3A_191] : memref<3x8192xi32, #tpu.memory_space<vmem>> -> memref<1x8192xi32, #tpu.memory_space<vmem>>
    %dma_start3A_193 = tpu.memref_squeeze %dma_start3A_192 : memref<1x8192xi32, #tpu.memory_space<vmem>> -> memref<8192xi32, #tpu.memory_space<vmem>>
    %dma_start3A_194 = arith.constant 0 : i32
    %dma_start3A_195 = tpu.memref_slice %arg3[%dma_start3A_194] : memref<4194304xf32, #tpu.memory_space<hbm>> -> memref<4194304xf32, #tpu.memory_space<hbm>>
    tpu.enqueue_indirect_dma source(%dma_start3A_195 : memref<4194304xf32, #tpu.memory_space<hbm>>) target(%dma_start3A_190 : memref<8192xf32, #tpu.memory_space<vmem>>) offsets(%dma_start3A_193 : memref<8192xi32, #tpu.memory_space<vmem>>) semaphore(%arg13 : memref<!tpu.dma_semaphore, #tpu.memory_space<semaphore_mem>>)
    %dma_start3A_196 = arith.constant 0 : i32
    %dma_start3A_197 = arith.constant 0 : i32
    %dma_start3A_198 = arith.constant 0 : i32
    %dma_start3A_199 = tpu.memref_slice %arg11[%dma_start3A_197, %dma_start3A_198] : memref<3x8192xf32, #tpu.memory_space<vmem>> -> memref<1x8192xf32, #tpu.memory_space<vmem>>
    %dma_start3A_200 = tpu.memref_squeeze %dma_start3A_199 : memref<1x8192xf32, #tpu.memory_space<vmem>> -> memref<8192xf32, #tpu.memory_space<vmem>>
    %dma_start3A_201 = arith.constant 0 : i32
    %dma_start3A_202 = tpu.memref_slice %arg9[%dma_start3A_196, %dma_start3A_201] : memref<3x8192xi32, #tpu.memory_space<vmem>> -> memref<1x8192xi32, #tpu.memory_space<vmem>>
    %dma_start3A_203 = tpu.memref_squeeze %dma_start3A_202 : memref<1x8192xi32, #tpu.memory_space<vmem>> -> memref<8192xi32, #tpu.memory_space<vmem>>
    %dma_start3A_204 = arith.constant 0 : i32
    %dma_start3A_205 = tpu.memref_slice %arg4[%dma_start3A_204] : memref<4194304xf32, #tpu.memory_space<hbm>> -> memref<4194304xf32, #tpu.memory_space<hbm>>
    tpu.enqueue_indirect_dma source(%dma_start3A_205 : memref<4194304xf32, #tpu.memory_space<hbm>>) target(%dma_start3A_200 : memref<8192xf32, #tpu.memory_space<vmem>>) offsets(%dma_start3A_203 : memref<8192xi32, #tpu.memory_space<vmem>>) semaphore(%arg13 : memref<!tpu.dma_semaphore, #tpu.memory_space<semaphore_mem>>)
    %dma_start3A_206 = arith.constant 0 : i32
    %dma_start3A_207 = arith.constant 0 : i32
    %dma_start3A_208 = arith.constant 0 : i32
    %dma_start3A_209 = tpu.memref_slice %arg12[%dma_start3A_207, %dma_start3A_208] : memref<3x8192xf32, #tpu.memory_space<vmem>> -> memref<1x8192xf32, #tpu.memory_space<vmem>>
    %dma_start3A_210 = tpu.memref_squeeze %dma_start3A_209 : memref<1x8192xf32, #tpu.memory_space<vmem>> -> memref<8192xf32, #tpu.memory_space<vmem>>
    %dma_start3A_211 = arith.constant 0 : i32
    %dma_start3A_212 = tpu.memref_slice %arg9[%dma_start3A_206, %dma_start3A_211] : memref<3x8192xi32, #tpu.memory_space<vmem>> -> memref<1x8192xi32, #tpu.memory_space<vmem>>
    %dma_start3A_213 = tpu.memref_squeeze %dma_start3A_212 : memref<1x8192xi32, #tpu.memory_space<vmem>> -> memref<8192xi32, #tpu.memory_space<vmem>>
    %dma_start3A_214 = arith.constant 0 : i32
    %dma_start3A_215 = tpu.memref_slice %arg5[%dma_start3A_214] : memref<4194304xf32, #tpu.memory_space<hbm>> -> memref<4194304xf32, #tpu.memory_space<hbm>>
    tpu.enqueue_indirect_dma source(%dma_start3A_215 : memref<4194304xf32, #tpu.memory_space<hbm>>) target(%dma_start3A_210 : memref<8192xf32, #tpu.memory_space<vmem>>) offsets(%dma_start3A_213 : memref<8192xi32, #tpu.memory_space<vmem>>) semaphore(%arg13 : memref<!tpu.dma_semaphore, #tpu.memory_space<semaphore_mem>>)
    %dma_wait3A_216 = arith.constant 1 : i32
    %dma_wait3A_217 = arith.constant 1 : i32
    %dma_wait3A_218 = arith.constant 0 : i32
    %dma_wait3A_219 = tpu.memref_slice %arg10[%dma_wait3A_217, %dma_wait3A_218] : memref<3x8192xf32, #tpu.memory_space<vmem>> -> memref<1x8192xf32, #tpu.memory_space<vmem>>
    %dma_wait3A_220 = tpu.memref_squeeze %dma_wait3A_219 : memref<1x8192xf32, #tpu.memory_space<vmem>> -> memref<8192xf32, #tpu.memory_space<vmem>>
    %dma_wait3A_221 = arith.constant 0 : i32
    %dma_wait3A_222 = tpu.memref_slice %arg9[%dma_wait3A_216, %dma_wait3A_221] : memref<3x8192xi32, #tpu.memory_space<vmem>> -> memref<1x8192xi32, #tpu.memory_space<vmem>>
    %dma_wait3A_223 = tpu.memref_squeeze %dma_wait3A_222 : memref<1x8192xi32, #tpu.memory_space<vmem>> -> memref<8192xi32, #tpu.memory_space<vmem>>
    %dma_wait3A_224 = arith.constant 0 : i32
    %dma_wait3A_225 = tpu.memref_slice %arg3[%dma_wait3A_224] : memref<4194304xf32, #tpu.memory_space<hbm>> -> memref<4194304xf32, #tpu.memory_space<hbm>>
    tpu.wait_indirect_dma semaphore(%arg14 : memref<!tpu.dma_semaphore, #tpu.memory_space<semaphore_mem>>) src(%dma_wait3A_225 : memref<4194304xf32, #tpu.memory_space<hbm>>) dst(%dma_wait3A_220 : memref<8192xf32, #tpu.memory_space<vmem>>)
    %dma_wait3A_226 = arith.constant 1 : i32
    %dma_wait3A_227 = arith.constant 1 : i32
    %dma_wait3A_228 = arith.constant 0 : i32
    %dma_wait3A_229 = tpu.memref_slice %arg11[%dma_wait3A_227, %dma_wait3A_228] : memref<3x8192xf32, #tpu.memory_space<vmem>> -> memref<1x8192xf32, #tpu.memory_space<vmem>>
    %dma_wait3A_230 = tpu.memref_squeeze %dma_wait3A_229 : memref<1x8192xf32, #tpu.memory_space<vmem>> -> memref<8192xf32, #tpu.memory_space<vmem>>
    %dma_wait3A_231 = arith.constant 0 : i32
    %dma_wait3A_232 = tpu.memref_slice %arg9[%dma_wait3A_226, %dma_wait3A_231] : memref<3x8192xi32, #tpu.memory_space<vmem>> -> memref<1x8192xi32, #tpu.memory_space<vmem>>
    %dma_wait3A_233 = tpu.memref_squeeze %dma_wait3A_232 : memref<1x8192xi32, #tpu.memory_space<vmem>> -> memref<8192xi32, #tpu.memory_space<vmem>>
    %dma_wait3A_234 = arith.constant 0 : i32
    %dma_wait3A_235 = tpu.memref_slice %arg4[%dma_wait3A_234] : memref<4194304xf32, #tpu.memory_space<hbm>> -> memref<4194304xf32, #tpu.memory_space<hbm>>
    tpu.wait_indirect_dma semaphore(%arg14 : memref<!tpu.dma_semaphore, #tpu.memory_space<semaphore_mem>>) src(%dma_wait3A_235 : memref<4194304xf32, #tpu.memory_space<hbm>>) dst(%dma_wait3A_230 : memref<8192xf32, #tpu.memory_space<vmem>>)
    %dma_wait3A_236 = arith.constant 1 : i32
    %dma_wait3A_237 = arith.constant 1 : i32
    %dma_wait3A_238 = arith.constant 0 : i32
    %dma_wait3A_239 = tpu.memref_slice %arg12[%dma_wait3A_237, %dma_wait3A_238] : memref<3x8192xf32, #tpu.memory_space<vmem>> -> memref<1x8192xf32, #tpu.memory_space<vmem>>
    %dma_wait3A_240 = tpu.memref_squeeze %dma_wait3A_239 : memref<1x8192xf32, #tpu.memory_space<vmem>> -> memref<8192xf32, #tpu.memory_space<vmem>>
    %dma_wait3A_241 = arith.constant 0 : i32
    %dma_wait3A_242 = tpu.memref_slice %arg9[%dma_wait3A_236, %dma_wait3A_241] : memref<3x8192xi32, #tpu.memory_space<vmem>> -> memref<1x8192xi32, #tpu.memory_space<vmem>>
    %dma_wait3A_243 = tpu.memref_squeeze %dma_wait3A_242 : memref<1x8192xi32, #tpu.memory_space<vmem>> -> memref<8192xi32, #tpu.memory_space<vmem>>
    %dma_wait3A_244 = arith.constant 0 : i32
    %dma_wait3A_245 = tpu.memref_slice %arg5[%dma_wait3A_244] : memref<4194304xf32, #tpu.memory_space<hbm>> -> memref<4194304xf32, #tpu.memory_space<hbm>>
    tpu.wait_indirect_dma semaphore(%arg14 : memref<!tpu.dma_semaphore, #tpu.memory_space<semaphore_mem>>) src(%dma_wait3A_245 : memref<4194304xf32, #tpu.memory_space<hbm>>) dst(%dma_wait3A_240 : memref<8192xf32, #tpu.memory_space<vmem>>)
    %add3A_246 = arith.constant 8192 : i32
    %add3A_247 = arith.addi %mul3A_2, %add3A_246 : i32
    %run_scoped3A_248 = arith.constant 1 : i32
    "tpu.region"() ({
      %run_scoped3A_661 = tpu.sem_alloc : memref<!tpu.dma_semaphore, #tpu.memory_space<semaphore_mem>>
      %dma_start3A_662 = arith.constant 0 : i32
      %dma_start3A_663 = tpu.memref_slice %arg10[%run_scoped3A_248, %dma_start3A_662] : memref<3x8192xf32, #tpu.memory_space<vmem>> -> memref<1x8192xf32, #tpu.memory_space<vmem>>
      %dma_start3A_664 = tpu.memref_squeeze %dma_start3A_663 : memref<1x8192xf32, #tpu.memory_space<vmem>> -> memref<8192xf32, #tpu.memory_space<vmem>>
      %dma_start3A_665 = tpu.memref_slice %arg6[%add3A_247] : memref<2097152xf32, #tpu.memory_space<hbm>> -> memref<8192xf32, #tpu.memory_space<hbm>>
      %dma_start3A_666 = tpu.memref_slice %arg6[%add3A_247] : memref<2097152xf32, #tpu.memory_space<hbm>> -> memref<8192xf32, #tpu.memory_space<hbm>>
      %dma_start3A_667 = arith.constant 0 : i32
      %dma_start3A_668 = tpu.memref_slice %arg10[%run_scoped3A_248, %dma_start3A_667] : memref<3x8192xf32, #tpu.memory_space<vmem>> -> memref<1x8192xf32, #tpu.memory_space<vmem>>
      %dma_start3A_669 = tpu.memref_squeeze %dma_start3A_668 : memref<1x8192xf32, #tpu.memory_space<vmem>> -> memref<8192xf32, #tpu.memory_space<vmem>>
      tpu.enqueue_dma source(%dma_start3A_669 : memref<8192xf32, #tpu.memory_space<vmem>>) target(%dma_start3A_666 : memref<8192xf32, #tpu.memory_space<hbm>>) target_semaphore(%run_scoped3A_661 : memref<!tpu.dma_semaphore, #tpu.memory_space<semaphore_mem>>)
      %dma_wait3A_670 = arith.constant 0 : i32
      %dma_wait3A_671 = tpu.memref_slice %arg10[%run_scoped3A_248, %dma_wait3A_670] : memref<3x8192xf32, #tpu.memory_space<vmem>> -> memref<1x8192xf32, #tpu.memory_space<vmem>>
      %dma_wait3A_672 = tpu.memref_squeeze %dma_wait3A_671 : memref<1x8192xf32, #tpu.memory_space<vmem>> -> memref<8192xf32, #tpu.memory_space<vmem>>
      %dma_wait3A_673 = tpu.memref_slice %arg6[%add3A_247] : memref<2097152xf32, #tpu.memory_space<hbm>> -> memref<8192xf32, #tpu.memory_space<hbm>>
      %dma_wait3A_674 = tpu.memref_slice %arg6[%add3A_247] : memref<2097152xf32, #tpu.memory_space<hbm>> -> memref<8192xf32, #tpu.memory_space<hbm>>
      %dma_wait3A_675 = arith.constant 0 : i32
      %dma_wait3A_676 = tpu.memref_slice %arg10[%run_scoped3A_248, %dma_wait3A_675] : memref<3x8192xf32, #tpu.memory_space<vmem>> -> memref<1x8192xf32, #tpu.memory_space<vmem>>
      %dma_wait3A_677 = tpu.memref_squeeze %dma_wait3A_676 : memref<1x8192xf32, #tpu.memory_space<vmem>> -> memref<8192xf32, #tpu.memory_space<vmem>>
      tpu.wait_dma2 semaphore(%run_scoped3A_661 : memref<!tpu.dma_semaphore, #tpu.memory_space<semaphore_mem>>) src(%dma_wait3A_677 : memref<8192xf32, #tpu.memory_space<vmem>>) dst(%dma_wait3A_674 : memref<8192xf32, #tpu.memory_space<hbm>>)
      tpu.yield
    }) : () -> ()
    %run_scoped3A_249 = arith.constant 1 : i32
    "tpu.region"() ({
      %run_scoped3A_661 = tpu.sem_alloc : memref<!tpu.dma_semaphore, #tpu.memory_space<semaphore_mem>>
      %dma_start3A_662 = arith.constant 0 : i32
      %dma_start3A_663 = tpu.memref_slice %arg11[%run_scoped3A_249, %dma_start3A_662] : memref<3x8192xf32, #tpu.memory_space<vmem>> -> memref<1x8192xf32, #tpu.memory_space<vmem>>
      %dma_start3A_664 = tpu.memref_squeeze %dma_start3A_663 : memref<1x8192xf32, #tpu.memory_space<vmem>> -> memref<8192xf32, #tpu.memory_space<vmem>>
      %dma_start3A_665 = tpu.memref_slice %arg7[%add3A_247] : memref<2097152xf32, #tpu.memory_space<hbm>> -> memref<8192xf32, #tpu.memory_space<hbm>>
      %dma_start3A_666 = tpu.memref_slice %arg7[%add3A_247] : memref<2097152xf32, #tpu.memory_space<hbm>> -> memref<8192xf32, #tpu.memory_space<hbm>>
      %dma_start3A_667 = arith.constant 0 : i32
      %dma_start3A_668 = tpu.memref_slice %arg11[%run_scoped3A_249, %dma_start3A_667] : memref<3x8192xf32, #tpu.memory_space<vmem>> -> memref<1x8192xf32, #tpu.memory_space<vmem>>
      %dma_start3A_669 = tpu.memref_squeeze %dma_start3A_668 : memref<1x8192xf32, #tpu.memory_space<vmem>> -> memref<8192xf32, #tpu.memory_space<vmem>>
      tpu.enqueue_dma source(%dma_start3A_669 : memref<8192xf32, #tpu.memory_space<vmem>>) target(%dma_start3A_666 : memref<8192xf32, #tpu.memory_space<hbm>>) target_semaphore(%run_scoped3A_661 : memref<!tpu.dma_semaphore, #tpu.memory_space<semaphore_mem>>)
      %dma_wait3A_670 = arith.constant 0 : i32
      %dma_wait3A_671 = tpu.memref_slice %arg11[%run_scoped3A_249, %dma_wait3A_670] : memref<3x8192xf32, #tpu.memory_space<vmem>> -> memref<1x8192xf32, #tpu.memory_space<vmem>>
      %dma_wait3A_672 = tpu.memref_squeeze %dma_wait3A_671 : memref<1x8192xf32, #tpu.memory_space<vmem>> -> memref<8192xf32, #tpu.memory_space<vmem>>
      %dma_wait3A_673 = tpu.memref_slice %arg7[%add3A_247] : memref<2097152xf32, #tpu.memory_space<hbm>> -> memref<8192xf32, #tpu.memory_space<hbm>>
      %dma_wait3A_674 = tpu.memref_slice %arg7[%add3A_247] : memref<2097152xf32, #tpu.memory_space<hbm>> -> memref<8192xf32, #tpu.memory_space<hbm>>
      %dma_wait3A_675 = arith.constant 0 : i32
      %dma_wait3A_676 = tpu.memref_slice %arg11[%run_scoped3A_249, %dma_wait3A_675] : memref<3x8192xf32, #tpu.memory_space<vmem>> -> memref<1x8192xf32, #tpu.memory_space<vmem>>
      %dma_wait3A_677 = tpu.memref_squeeze %dma_wait3A_676 : memref<1x8192xf32, #tpu.memory_space<vmem>> -> memref<8192xf32, #tpu.memory_space<vmem>>
      tpu.wait_dma2 semaphore(%run_scoped3A_661 : memref<!tpu.dma_semaphore, #tpu.memory_space<semaphore_mem>>) src(%dma_wait3A_677 : memref<8192xf32, #tpu.memory_space<vmem>>) dst(%dma_wait3A_674 : memref<8192xf32, #tpu.memory_space<hbm>>)
      tpu.yield
    }) : () -> ()
    %run_scoped3A_250 = arith.constant 1 : i32
    "tpu.region"() ({
      %run_scoped3A_661 = tpu.sem_alloc : memref<!tpu.dma_semaphore, #tpu.memory_space<semaphore_mem>>
      %dma_start3A_662 = arith.constant 0 : i32
      %dma_start3A_663 = tpu.memref_slice %arg12[%run_scoped3A_250, %dma_start3A_662] : memref<3x8192xf32, #tpu.memory_space<vmem>> -> memref<1x8192xf32, #tpu.memory_space<vmem>>
      %dma_start3A_664 = tpu.memref_squeeze %dma_start3A_663 : memref<1x8192xf32, #tpu.memory_space<vmem>> -> memref<8192xf32, #tpu.memory_space<vmem>>
      %dma_start3A_665 = tpu.memref_slice %arg8[%add3A_247] : memref<2097152xf32, #tpu.memory_space<hbm>> -> memref<8192xf32, #tpu.memory_space<hbm>>
      %dma_start3A_666 = tpu.memref_slice %arg8[%add3A_247] : memref<2097152xf32, #tpu.memory_space<hbm>> -> memref<8192xf32, #tpu.memory_space<hbm>>
      %dma_start3A_667 = arith.constant 0 : i32
      %dma_start3A_668 = tpu.memref_slice %arg12[%run_scoped3A_250, %dma_start3A_667] : memref<3x8192xf32, #tpu.memory_space<vmem>> -> memref<1x8192xf32, #tpu.memory_space<vmem>>
      %dma_start3A_669 = tpu.memref_squeeze %dma_start3A_668 : memref<1x8192xf32, #tpu.memory_space<vmem>> -> memref<8192xf32, #tpu.memory_space<vmem>>
      tpu.enqueue_dma source(%dma_start3A_669 : memref<8192xf32, #tpu.memory_space<vmem>>) target(%dma_start3A_666 : memref<8192xf32, #tpu.memory_space<hbm>>) target_semaphore(%run_scoped3A_661 : memref<!tpu.dma_semaphore, #tpu.memory_space<semaphore_mem>>)
      %dma_wait3A_670 = arith.constant 0 : i32
      %dma_wait3A_671 = tpu.memref_slice %arg12[%run_scoped3A_250, %dma_wait3A_670] : memref<3x8192xf32, #tpu.memory_space<vmem>> -> memref<1x8192xf32, #tpu.memory_space<vmem>>
      %dma_wait3A_672 = tpu.memref_squeeze %dma_wait3A_671 : memref<1x8192xf32, #tpu.memory_space<vmem>> -> memref<8192xf32, #tpu.memory_space<vmem>>
      %dma_wait3A_673 = tpu.memref_slice %arg8[%add3A_247] : memref<2097152xf32, #tpu.memory_space<hbm>> -> memref<8192xf32, #tpu.memory_space<hbm>>
      %dma_wait3A_674 = tpu.memref_slice %arg8[%add3A_247] : memref<2097152xf32, #tpu.memory_space<hbm>> -> memref<8192xf32, #tpu.memory_space<hbm>>
      %dma_wait3A_675 = arith.constant 0 : i32
      %dma_wait3A_676 = tpu.memref_slice %arg12[%run_scoped3A_250, %dma_wait3A_675] : memref<3x8192xf32, #tpu.memory_space<vmem>> -> memref<1x8192xf32, #tpu.memory_space<vmem>>
      %dma_wait3A_677 = tpu.memref_squeeze %dma_wait3A_676 : memref<1x8192xf32, #tpu.memory_space<vmem>> -> memref<8192xf32, #tpu.memory_space<vmem>>
      tpu.wait_dma2 semaphore(%run_scoped3A_661 : memref<!tpu.dma_semaphore, #tpu.memory_space<semaphore_mem>>) src(%dma_wait3A_677 : memref<8192xf32, #tpu.memory_space<vmem>>) dst(%dma_wait3A_674 : memref<8192xf32, #tpu.memory_space<hbm>>)
      tpu.yield
    }) : () -> ()
    %add3A_251 = arith.constant 32768 : i32
    %add3A_252 = arith.addi %mul3A_2, %add3A_251 : i32
    %dma_start3A_253 = arith.constant 1 : i32
    %dma_start3A_254 = arith.constant 0 : i32
    %dma_start3A_255 = tpu.memref_slice %arg9[%dma_start3A_253, %dma_start3A_254] : memref<3x8192xi32, #tpu.memory_space<vmem>> -> memref<1x8192xi32, #tpu.memory_space<vmem>>
    %dma_start3A_256 = tpu.memref_squeeze %dma_start3A_255 : memref<1x8192xi32, #tpu.memory_space<vmem>> -> memref<8192xi32, #tpu.memory_space<vmem>>
    %dma_start3A_257 = tpu.memref_slice %arg2[%add3A_252] : memref<2097152xi32, #tpu.memory_space<hbm>> -> memref<8192xi32, #tpu.memory_space<hbm>>
    %dma_start3A_258 = arith.constant 0 : i32
    %dma_start3A_259 = tpu.memref_slice %arg9[%dma_start3A_253, %dma_start3A_258] : memref<3x8192xi32, #tpu.memory_space<vmem>> -> memref<1x8192xi32, #tpu.memory_space<vmem>>
    %dma_start3A_260 = tpu.memref_squeeze %dma_start3A_259 : memref<1x8192xi32, #tpu.memory_space<vmem>> -> memref<8192xi32, #tpu.memory_space<vmem>>
    %dma_start3A_261 = tpu.memref_slice %arg2[%add3A_252] : memref<2097152xi32, #tpu.memory_space<hbm>> -> memref<8192xi32, #tpu.memory_space<hbm>>
    tpu.enqueue_dma source(%dma_start3A_261 : memref<8192xi32, #tpu.memory_space<hbm>>) target(%dma_start3A_260 : memref<8192xi32, #tpu.memory_space<vmem>>) target_semaphore(%arg16 : memref<!tpu.dma_semaphore, #tpu.memory_space<semaphore_mem>>)
    %dma_wait3A_262 = arith.constant 1 : i32
    %dma_wait3A_263 = arith.constant 0 : i32
    %dma_wait3A_264 = tpu.memref_slice %arg9[%dma_wait3A_262, %dma_wait3A_263] : memref<3x8192xi32, #tpu.memory_space<vmem>> -> memref<1x8192xi32, #tpu.memory_space<vmem>>
    %dma_wait3A_265 = tpu.memref_squeeze %dma_wait3A_264 : memref<1x8192xi32, #tpu.memory_space<vmem>> -> memref<8192xi32, #tpu.memory_space<vmem>>
    %dma_wait3A_266 = tpu.memref_slice %arg2[%add3A_252] : memref<2097152xi32, #tpu.memory_space<hbm>> -> memref<8192xi32, #tpu.memory_space<hbm>>
    %dma_wait3A_267 = arith.constant 0 : i32
    %dma_wait3A_268 = tpu.memref_slice %arg9[%dma_wait3A_262, %dma_wait3A_267] : memref<3x8192xi32, #tpu.memory_space<vmem>> -> memref<1x8192xi32, #tpu.memory_space<vmem>>
    %dma_wait3A_269 = tpu.memref_squeeze %dma_wait3A_268 : memref<1x8192xi32, #tpu.memory_space<vmem>> -> memref<8192xi32, #tpu.memory_space<vmem>>
    %dma_wait3A_270 = tpu.memref_slice %arg2[%add3A_252] : memref<2097152xi32, #tpu.memory_space<hbm>> -> memref<8192xi32, #tpu.memory_space<hbm>>
    tpu.wait_dma2 semaphore(%arg16 : memref<!tpu.dma_semaphore, #tpu.memory_space<semaphore_mem>>) src(%dma_wait3A_270 : memref<8192xi32, #tpu.memory_space<hbm>>) dst(%dma_wait3A_269 : memref<8192xi32, #tpu.memory_space<vmem>>)
    %dma_start3A_271 = arith.constant 1 : i32
    %dma_start3A_272 = arith.constant 1 : i32
    %dma_start3A_273 = arith.constant 0 : i32
    %dma_start3A_274 = tpu.memref_slice %arg10[%dma_start3A_272, %dma_start3A_273] : memref<3x8192xf32, #tpu.memory_space<vmem>> -> memref<1x8192xf32, #tpu.memory_space<vmem>>
    %dma_start3A_275 = tpu.memref_squeeze %dma_start3A_274 : memref<1x8192xf32, #tpu.memory_space<vmem>> -> memref<8192xf32, #tpu.memory_space<vmem>>
    %dma_start3A_276 = arith.constant 0 : i32
    %dma_start3A_277 = tpu.memref_slice %arg9[%dma_start3A_271, %dma_start3A_276] : memref<3x8192xi32, #tpu.memory_space<vmem>> -> memref<1x8192xi32, #tpu.memory_space<vmem>>
    %dma_start3A_278 = tpu.memref_squeeze %dma_start3A_277 : memref<1x8192xi32, #tpu.memory_space<vmem>> -> memref<8192xi32, #tpu.memory_space<vmem>>
    %dma_start3A_279 = arith.constant 0 : i32
    %dma_start3A_280 = tpu.memref_slice %arg3[%dma_start3A_279] : memref<4194304xf32, #tpu.memory_space<hbm>> -> memref<4194304xf32, #tpu.memory_space<hbm>>
    tpu.enqueue_indirect_dma source(%dma_start3A_280 : memref<4194304xf32, #tpu.memory_space<hbm>>) target(%dma_start3A_275 : memref<8192xf32, #tpu.memory_space<vmem>>) offsets(%dma_start3A_278 : memref<8192xi32, #tpu.memory_space<vmem>>) semaphore(%arg14 : memref<!tpu.dma_semaphore, #tpu.memory_space<semaphore_mem>>)
    %dma_start3A_281 = arith.constant 1 : i32
    %dma_start3A_282 = arith.constant 1 : i32
    %dma_start3A_283 = arith.constant 0 : i32
    %dma_start3A_284 = tpu.memref_slice %arg11[%dma_start3A_282, %dma_start3A_283] : memref<3x8192xf32, #tpu.memory_space<vmem>> -> memref<1x8192xf32, #tpu.memory_space<vmem>>
    %dma_start3A_285 = tpu.memref_squeeze %dma_start3A_284 : memref<1x8192xf32, #tpu.memory_space<vmem>> -> memref<8192xf32, #tpu.memory_space<vmem>>
    %dma_start3A_286 = arith.constant 0 : i32
    %dma_start3A_287 = tpu.memref_slice %arg9[%dma_start3A_281, %dma_start3A_286] : memref<3x8192xi32, #tpu.memory_space<vmem>> -> memref<1x8192xi32, #tpu.memory_space<vmem>>
    %dma_start3A_288 = tpu.memref_squeeze %dma_start3A_287 : memref<1x8192xi32, #tpu.memory_space<vmem>> -> memref<8192xi32, #tpu.memory_space<vmem>>
    %dma_start3A_289 = arith.constant 0 : i32
    %dma_start3A_290 = tpu.memref_slice %arg4[%dma_start3A_289] : memref<4194304xf32, #tpu.memory_space<hbm>> -> memref<4194304xf32, #tpu.memory_space<hbm>>
    tpu.enqueue_indirect_dma source(%dma_start3A_290 : memref<4194304xf32, #tpu.memory_space<hbm>>) target(%dma_start3A_285 : memref<8192xf32, #tpu.memory_space<vmem>>) offsets(%dma_start3A_288 : memref<8192xi32, #tpu.memory_space<vmem>>) semaphore(%arg14 : memref<!tpu.dma_semaphore, #tpu.memory_space<semaphore_mem>>)
    %dma_start3A_291 = arith.constant 1 : i32
    %dma_start3A_292 = arith.constant 1 : i32
    %dma_start3A_293 = arith.constant 0 : i32
    %dma_start3A_294 = tpu.memref_slice %arg12[%dma_start3A_292, %dma_start3A_293] : memref<3x8192xf32, #tpu.memory_space<vmem>> -> memref<1x8192xf32, #tpu.memory_space<vmem>>
    %dma_start3A_295 = tpu.memref_squeeze %dma_start3A_294 : memref<1x8192xf32, #tpu.memory_space<vmem>> -> memref<8192xf32, #tpu.memory_space<vmem>>
    %dma_start3A_296 = arith.constant 0 : i32
    %dma_start3A_297 = tpu.memref_slice %arg9[%dma_start3A_291, %dma_start3A_296] : memref<3x8192xi32, #tpu.memory_space<vmem>> -> memref<1x8192xi32, #tpu.memory_space<vmem>>
    %dma_start3A_298 = tpu.memref_squeeze %dma_start3A_297 : memref<1x8192xi32, #tpu.memory_space<vmem>> -> memref<8192xi32, #tpu.memory_space<vmem>>
    %dma_start3A_299 = arith.constant 0 : i32
    %dma_start3A_300 = tpu.memref_slice %arg5[%dma_start3A_299] : memref<4194304xf32, #tpu.memory_space<hbm>> -> memref<4194304xf32, #tpu.memory_space<hbm>>
    tpu.enqueue_indirect_dma source(%dma_start3A_300 : memref<4194304xf32, #tpu.memory_space<hbm>>) target(%dma_start3A_295 : memref<8192xf32, #tpu.memory_space<vmem>>) offsets(%dma_start3A_298 : memref<8192xi32, #tpu.memory_space<vmem>>) semaphore(%arg14 : memref<!tpu.dma_semaphore, #tpu.memory_space<semaphore_mem>>)
    %dma_wait3A_301 = arith.constant 2 : i32
    %dma_wait3A_302 = arith.constant 2 : i32
    %dma_wait3A_303 = arith.constant 0 : i32
    %dma_wait3A_304 = tpu.memref_slice %arg10[%dma_wait3A_302, %dma_wait3A_303] : memref<3x8192xf32, #tpu.memory_space<vmem>> -> memref<1x8192xf32, #tpu.memory_space<vmem>>
    %dma_wait3A_305 = tpu.memref_squeeze %dma_wait3A_304 : memref<1x8192xf32, #tpu.memory_space<vmem>> -> memref<8192xf32, #tpu.memory_space<vmem>>
    %dma_wait3A_306 = arith.constant 0 : i32
    %dma_wait3A_307 = tpu.memref_slice %arg9[%dma_wait3A_301, %dma_wait3A_306] : memref<3x8192xi32, #tpu.memory_space<vmem>> -> memref<1x8192xi32, #tpu.memory_space<vmem>>
    %dma_wait3A_308 = tpu.memref_squeeze %dma_wait3A_307 : memref<1x8192xi32, #tpu.memory_space<vmem>> -> memref<8192xi32, #tpu.memory_space<vmem>>
    %dma_wait3A_309 = arith.constant 0 : i32
    %dma_wait3A_310 = tpu.memref_slice %arg3[%dma_wait3A_309] : memref<4194304xf32, #tpu.memory_space<hbm>> -> memref<4194304xf32, #tpu.memory_space<hbm>>
    tpu.wait_indirect_dma semaphore(%arg15 : memref<!tpu.dma_semaphore, #tpu.memory_space<semaphore_mem>>) src(%dma_wait3A_310 : memref<4194304xf32, #tpu.memory_space<hbm>>) dst(%dma_wait3A_305 : memref<8192xf32, #tpu.memory_space<vmem>>)
    %dma_wait3A_311 = arith.constant 2 : i32
    %dma_wait3A_312 = arith.constant 2 : i32
    %dma_wait3A_313 = arith.constant 0 : i32
    %dma_wait3A_314 = tpu.memref_slice %arg11[%dma_wait3A_312, %dma_wait3A_313] : memref<3x8192xf32, #tpu.memory_space<vmem>> -> memref<1x8192xf32, #tpu.memory_space<vmem>>
    %dma_wait3A_315 = tpu.memref_squeeze %dma_wait3A_314 : memref<1x8192xf32, #tpu.memory_space<vmem>> -> memref<8192xf32, #tpu.memory_space<vmem>>
    %dma_wait3A_316 = arith.constant 0 : i32
    %dma_wait3A_317 = tpu.memref_slice %arg9[%dma_wait3A_311, %dma_wait3A_316] : memref<3x8192xi32, #tpu.memory_space<vmem>> -> memref<1x8192xi32, #tpu.memory_space<vmem>>
    %dma_wait3A_318 = tpu.memref_squeeze %dma_wait3A_317 : memref<1x8192xi32, #tpu.memory_space<vmem>> -> memref<8192xi32, #tpu.memory_space<vmem>>
    %dma_wait3A_319 = arith.constant 0 : i32
    %dma_wait3A_320 = tpu.memref_slice %arg4[%dma_wait3A_319] : memref<4194304xf32, #tpu.memory_space<hbm>> -> memref<4194304xf32, #tpu.memory_space<hbm>>
    tpu.wait_indirect_dma semaphore(%arg15 : memref<!tpu.dma_semaphore, #tpu.memory_space<semaphore_mem>>) src(%dma_wait3A_320 : memref<4194304xf32, #tpu.memory_space<hbm>>) dst(%dma_wait3A_315 : memref<8192xf32, #tpu.memory_space<vmem>>)
    %dma_wait3A_321 = arith.constant 2 : i32
    %dma_wait3A_322 = arith.constant 2 : i32
    %dma_wait3A_323 = arith.constant 0 : i32
    %dma_wait3A_324 = tpu.memref_slice %arg12[%dma_wait3A_322, %dma_wait3A_323] : memref<3x8192xf32, #tpu.memory_space<vmem>> -> memref<1x8192xf32, #tpu.memory_space<vmem>>
    %dma_wait3A_325 = tpu.memref_squeeze %dma_wait3A_324 : memref<1x8192xf32, #tpu.memory_space<vmem>> -> memref<8192xf32, #tpu.memory_space<vmem>>
    %dma_wait3A_326 = arith.constant 0 : i32
    %dma_wait3A_327 = tpu.memref_slice %arg9[%dma_wait3A_321, %dma_wait3A_326] : memref<3x8192xi32, #tpu.memory_space<vmem>> -> memref<1x8192xi32, #tpu.memory_space<vmem>>
    %dma_wait3A_328 = tpu.memref_squeeze %dma_wait3A_327 : memref<1x8192xi32, #tpu.memory_space<vmem>> -> memref<8192xi32, #tpu.memory_space<vmem>>
    %dma_wait3A_329 = arith.constant 0 : i32
    %dma_wait3A_330 = tpu.memref_slice %arg5[%dma_wait3A_329] : memref<4194304xf32, #tpu.memory_space<hbm>> -> memref<4194304xf32, #tpu.memory_space<hbm>>
    tpu.wait_indirect_dma semaphore(%arg15 : memref<!tpu.dma_semaphore, #tpu.memory_space<semaphore_mem>>) src(%dma_wait3A_330 : memref<4194304xf32, #tpu.memory_space<hbm>>) dst(%dma_wait3A_325 : memref<8192xf32, #tpu.memory_space<vmem>>)
    %add3A_331 = arith.constant 16384 : i32
    %add3A_332 = arith.addi %mul3A_2, %add3A_331 : i32
    %run_scoped3A_333 = arith.constant 2 : i32
    "tpu.region"() ({
      %run_scoped3A_661 = tpu.sem_alloc : memref<!tpu.dma_semaphore, #tpu.memory_space<semaphore_mem>>
      %dma_start3A_662 = arith.constant 0 : i32
      %dma_start3A_663 = tpu.memref_slice %arg10[%run_scoped3A_333, %dma_start3A_662] : memref<3x8192xf32, #tpu.memory_space<vmem>> -> memref<1x8192xf32, #tpu.memory_space<vmem>>
      %dma_start3A_664 = tpu.memref_squeeze %dma_start3A_663 : memref<1x8192xf32, #tpu.memory_space<vmem>> -> memref<8192xf32, #tpu.memory_space<vmem>>
      %dma_start3A_665 = tpu.memref_slice %arg6[%add3A_332] : memref<2097152xf32, #tpu.memory_space<hbm>> -> memref<8192xf32, #tpu.memory_space<hbm>>
      %dma_start3A_666 = tpu.memref_slice %arg6[%add3A_332] : memref<2097152xf32, #tpu.memory_space<hbm>> -> memref<8192xf32, #tpu.memory_space<hbm>>
      %dma_start3A_667 = arith.constant 0 : i32
      %dma_start3A_668 = tpu.memref_slice %arg10[%run_scoped3A_333, %dma_start3A_667] : memref<3x8192xf32, #tpu.memory_space<vmem>> -> memref<1x8192xf32, #tpu.memory_space<vmem>>
      %dma_start3A_669 = tpu.memref_squeeze %dma_start3A_668 : memref<1x8192xf32, #tpu.memory_space<vmem>> -> memref<8192xf32, #tpu.memory_space<vmem>>
      tpu.enqueue_dma source(%dma_start3A_669 : memref<8192xf32, #tpu.memory_space<vmem>>) target(%dma_start3A_666 : memref<8192xf32, #tpu.memory_space<hbm>>) target_semaphore(%run_scoped3A_661 : memref<!tpu.dma_semaphore, #tpu.memory_space<semaphore_mem>>)
      %dma_wait3A_670 = arith.constant 0 : i32
      %dma_wait3A_671 = tpu.memref_slice %arg10[%run_scoped3A_333, %dma_wait3A_670] : memref<3x8192xf32, #tpu.memory_space<vmem>> -> memref<1x8192xf32, #tpu.memory_space<vmem>>
      %dma_wait3A_672 = tpu.memref_squeeze %dma_wait3A_671 : memref<1x8192xf32, #tpu.memory_space<vmem>> -> memref<8192xf32, #tpu.memory_space<vmem>>
      %dma_wait3A_673 = tpu.memref_slice %arg6[%add3A_332] : memref<2097152xf32, #tpu.memory_space<hbm>> -> memref<8192xf32, #tpu.memory_space<hbm>>
      %dma_wait3A_674 = tpu.memref_slice %arg6[%add3A_332] : memref<2097152xf32, #tpu.memory_space<hbm>> -> memref<8192xf32, #tpu.memory_space<hbm>>
      %dma_wait3A_675 = arith.constant 0 : i32
      %dma_wait3A_676 = tpu.memref_slice %arg10[%run_scoped3A_333, %dma_wait3A_675] : memref<3x8192xf32, #tpu.memory_space<vmem>> -> memref<1x8192xf32, #tpu.memory_space<vmem>>
      %dma_wait3A_677 = tpu.memref_squeeze %dma_wait3A_676 : memref<1x8192xf32, #tpu.memory_space<vmem>> -> memref<8192xf32, #tpu.memory_space<vmem>>
      tpu.wait_dma2 semaphore(%run_scoped3A_661 : memref<!tpu.dma_semaphore, #tpu.memory_space<semaphore_mem>>) src(%dma_wait3A_677 : memref<8192xf32, #tpu.memory_space<vmem>>) dst(%dma_wait3A_674 : memref<8192xf32, #tpu.memory_space<hbm>>)
      tpu.yield
    }) : () -> ()
    %run_scoped3A_334 = arith.constant 2 : i32
    "tpu.region"() ({
      %run_scoped3A_661 = tpu.sem_alloc : memref<!tpu.dma_semaphore, #tpu.memory_space<semaphore_mem>>
      %dma_start3A_662 = arith.constant 0 : i32
      %dma_start3A_663 = tpu.memref_slice %arg11[%run_scoped3A_334, %dma_start3A_662] : memref<3x8192xf32, #tpu.memory_space<vmem>> -> memref<1x8192xf32, #tpu.memory_space<vmem>>
      %dma_start3A_664 = tpu.memref_squeeze %dma_start3A_663 : memref<1x8192xf32, #tpu.memory_space<vmem>> -> memref<8192xf32, #tpu.memory_space<vmem>>
      %dma_start3A_665 = tpu.memref_slice %arg7[%add3A_332] : memref<2097152xf32, #tpu.memory_space<hbm>> -> memref<8192xf32, #tpu.memory_space<hbm>>
      %dma_start3A_666 = tpu.memref_slice %arg7[%add3A_332] : memref<2097152xf32, #tpu.memory_space<hbm>> -> memref<8192xf32, #tpu.memory_space<hbm>>
      %dma_start3A_667 = arith.constant 0 : i32
      %dma_start3A_668 = tpu.memref_slice %arg11[%run_scoped3A_334, %dma_start3A_667] : memref<3x8192xf32, #tpu.memory_space<vmem>> -> memref<1x8192xf32, #tpu.memory_space<vmem>>
      %dma_start3A_669 = tpu.memref_squeeze %dma_start3A_668 : memref<1x8192xf32, #tpu.memory_space<vmem>> -> memref<8192xf32, #tpu.memory_space<vmem>>
      tpu.enqueue_dma source(%dma_start3A_669 : memref<8192xf32, #tpu.memory_space<vmem>>) target(%dma_start3A_666 : memref<8192xf32, #tpu.memory_space<hbm>>) target_semaphore(%run_scoped3A_661 : memref<!tpu.dma_semaphore, #tpu.memory_space<semaphore_mem>>)
      %dma_wait3A_670 = arith.constant 0 : i32
      %dma_wait3A_671 = tpu.memref_slice %arg11[%run_scoped3A_334, %dma_wait3A_670] : memref<3x8192xf32, #tpu.memory_space<vmem>> -> memref<1x8192xf32, #tpu.memory_space<vmem>>
      %dma_wait3A_672 = tpu.memref_squeeze %dma_wait3A_671 : memref<1x8192xf32, #tpu.memory_space<vmem>> -> memref<8192xf32, #tpu.memory_space<vmem>>
      %dma_wait3A_673 = tpu.memref_slice %arg7[%add3A_332] : memref<2097152xf32, #tpu.memory_space<hbm>> -> memref<8192xf32, #tpu.memory_space<hbm>>
      %dma_wait3A_674 = tpu.memref_slice %arg7[%add3A_332] : memref<2097152xf32, #tpu.memory_space<hbm>> -> memref<8192xf32, #tpu.memory_space<hbm>>
      %dma_wait3A_675 = arith.constant 0 : i32
      %dma_wait3A_676 = tpu.memref_slice %arg11[%run_scoped3A_334, %dma_wait3A_675] : memref<3x8192xf32, #tpu.memory_space<vmem>> -> memref<1x8192xf32, #tpu.memory_space<vmem>>
      %dma_wait3A_677 = tpu.memref_squeeze %dma_wait3A_676 : memref<1x8192xf32, #tpu.memory_space<vmem>> -> memref<8192xf32, #tpu.memory_space<vmem>>
      tpu.wait_dma2 semaphore(%run_scoped3A_661 : memref<!tpu.dma_semaphore, #tpu.memory_space<semaphore_mem>>) src(%dma_wait3A_677 : memref<8192xf32, #tpu.memory_space<vmem>>) dst(%dma_wait3A_674 : memref<8192xf32, #tpu.memory_space<hbm>>)
      tpu.yield
    }) : () -> ()
    %run_scoped3A_335 = arith.constant 2 : i32
    "tpu.region"() ({
      %run_scoped3A_661 = tpu.sem_alloc : memref<!tpu.dma_semaphore, #tpu.memory_space<semaphore_mem>>
      %dma_start3A_662 = arith.constant 0 : i32
      %dma_start3A_663 = tpu.memref_slice %arg12[%run_scoped3A_335, %dma_start3A_662] : memref<3x8192xf32, #tpu.memory_space<vmem>> -> memref<1x8192xf32, #tpu.memory_space<vmem>>
      %dma_start3A_664 = tpu.memref_squeeze %dma_start3A_663 : memref<1x8192xf32, #tpu.memory_space<vmem>> -> memref<8192xf32, #tpu.memory_space<vmem>>
      %dma_start3A_665 = tpu.memref_slice %arg8[%add3A_332] : memref<2097152xf32, #tpu.memory_space<hbm>> -> memref<8192xf32, #tpu.memory_space<hbm>>
      %dma_start3A_666 = tpu.memref_slice %arg8[%add3A_332] : memref<2097152xf32, #tpu.memory_space<hbm>> -> memref<8192xf32, #tpu.memory_space<hbm>>
      %dma_start3A_667 = arith.constant 0 : i32
      %dma_start3A_668 = tpu.memref_slice %arg12[%run_scoped3A_335, %dma_start3A_667] : memref<3x8192xf32, #tpu.memory_space<vmem>> -> memref<1x8192xf32, #tpu.memory_space<vmem>>
      %dma_start3A_669 = tpu.memref_squeeze %dma_start3A_668 : memref<1x8192xf32, #tpu.memory_space<vmem>> -> memref<8192xf32, #tpu.memory_space<vmem>>
      tpu.enqueue_dma source(%dma_start3A_669 : memref<8192xf32, #tpu.memory_space<vmem>>) target(%dma_start3A_666 : memref<8192xf32, #tpu.memory_space<hbm>>) target_semaphore(%run_scoped3A_661 : memref<!tpu.dma_semaphore, #tpu.memory_space<semaphore_mem>>)
      %dma_wait3A_670 = arith.constant 0 : i32
      %dma_wait3A_671 = tpu.memref_slice %arg12[%run_scoped3A_335, %dma_wait3A_670] : memref<3x8192xf32, #tpu.memory_space<vmem>> -> memref<1x8192xf32, #tpu.memory_space<vmem>>
      %dma_wait3A_672 = tpu.memref_squeeze %dma_wait3A_671 : memref<1x8192xf32, #tpu.memory_space<vmem>> -> memref<8192xf32, #tpu.memory_space<vmem>>
      %dma_wait3A_673 = tpu.memref_slice %arg8[%add3A_332] : memref<2097152xf32, #tpu.memory_space<hbm>> -> memref<8192xf32, #tpu.memory_space<hbm>>
      %dma_wait3A_674 = tpu.memref_slice %arg8[%add3A_332] : memref<2097152xf32, #tpu.memory_space<hbm>> -> memref<8192xf32, #tpu.memory_space<hbm>>
      %dma_wait3A_675 = arith.constant 0 : i32
      %dma_wait3A_676 = tpu.memref_slice %arg12[%run_scoped3A_335, %dma_wait3A_675] : memref<3x8192xf32, #tpu.memory_space<vmem>> -> memref<1x8192xf32, #tpu.memory_space<vmem>>
      %dma_wait3A_677 = tpu.memref_squeeze %dma_wait3A_676 : memref<1x8192xf32, #tpu.memory_space<vmem>> -> memref<8192xf32, #tpu.memory_space<vmem>>
      tpu.wait_dma2 semaphore(%run_scoped3A_661 : memref<!tpu.dma_semaphore, #tpu.memory_space<semaphore_mem>>) src(%dma_wait3A_677 : memref<8192xf32, #tpu.memory_space<vmem>>) dst(%dma_wait3A_674 : memref<8192xf32, #tpu.memory_space<hbm>>)
      tpu.yield
    }) : () -> ()
    %add3A_336 = arith.constant 40960 : i32
    %add3A_337 = arith.addi %mul3A_2, %add3A_336 : i32
    %dma_start3A_338 = arith.constant 2 : i32
    %dma_start3A_339 = arith.constant 0 : i32
    %dma_start3A_340 = tpu.memref_slice %arg9[%dma_start3A_338, %dma_start3A_339] : memref<3x8192xi32, #tpu.memory_space<vmem>> -> memref<1x8192xi32, #tpu.memory_space<vmem>>
    %dma_start3A_341 = tpu.memref_squeeze %dma_start3A_340 : memref<1x8192xi32, #tpu.memory_space<vmem>> -> memref<8192xi32, #tpu.memory_space<vmem>>
    %dma_start3A_342 = tpu.memref_slice %arg2[%add3A_337] : memref<2097152xi32, #tpu.memory_space<hbm>> -> memref<8192xi32, #tpu.memory_space<hbm>>
    %dma_start3A_343 = arith.constant 0 : i32
    %dma_start3A_344 = tpu.memref_slice %arg9[%dma_start3A_338, %dma_start3A_343] : memref<3x8192xi32, #tpu.memory_space<vmem>> -> memref<1x8192xi32, #tpu.memory_space<vmem>>
    %dma_start3A_345 = tpu.memref_squeeze %dma_start3A_344 : memref<1x8192xi32, #tpu.memory_space<vmem>> -> memref<8192xi32, #tpu.memory_space<vmem>>
    %dma_start3A_346 = tpu.memref_slice %arg2[%add3A_337] : memref<2097152xi32, #tpu.memory_space<hbm>> -> memref<8192xi32, #tpu.memory_space<hbm>>
    tpu.enqueue_dma source(%dma_start3A_346 : memref<8192xi32, #tpu.memory_space<hbm>>) target(%dma_start3A_345 : memref<8192xi32, #tpu.memory_space<vmem>>) target_semaphore(%arg16 : memref<!tpu.dma_semaphore, #tpu.memory_space<semaphore_mem>>)
    %dma_wait3A_347 = arith.constant 2 : i32
    %dma_wait3A_348 = arith.constant 0 : i32
    %dma_wait3A_349 = tpu.memref_slice %arg9[%dma_wait3A_347, %dma_wait3A_348] : memref<3x8192xi32, #tpu.memory_space<vmem>> -> memref<1x8192xi32, #tpu.memory_space<vmem>>
    %dma_wait3A_350 = tpu.memref_squeeze %dma_wait3A_349 : memref<1x8192xi32, #tpu.memory_space<vmem>> -> memref<8192xi32, #tpu.memory_space<vmem>>
    %dma_wait3A_351 = tpu.memref_slice %arg2[%add3A_337] : memref<2097152xi32, #tpu.memory_space<hbm>> -> memref<8192xi32, #tpu.memory_space<hbm>>
    %dma_wait3A_352 = arith.constant 0 : i32
    %dma_wait3A_353 = tpu.memref_slice %arg9[%dma_wait3A_347, %dma_wait3A_352] : memref<3x8192xi32, #tpu.memory_space<vmem>> -> memref<1x8192xi32, #tpu.memory_space<vmem>>
    %dma_wait3A_354 = tpu.memref_squeeze %dma_wait3A_353 : memref<1x8192xi32, #tpu.memory_space<vmem>> -> memref<8192xi32, #tpu.memory_space<vmem>>
    %dma_wait3A_355 = tpu.memref_slice %arg2[%add3A_337] : memref<2097152xi32, #tpu.memory_space<hbm>> -> memref<8192xi32, #tpu.memory_space<hbm>>
    tpu.wait_dma2 semaphore(%arg16 : memref<!tpu.dma_semaphore, #tpu.memory_space<semaphore_mem>>) src(%dma_wait3A_355 : memref<8192xi32, #tpu.memory_space<hbm>>) dst(%dma_wait3A_354 : memref<8192xi32, #tpu.memory_space<vmem>>)
    %dma_start3A_356 = arith.constant 2 : i32
    %dma_start3A_357 = arith.constant 2 : i32
    %dma_start3A_358 = arith.constant 0 : i32
    %dma_start3A_359 = tpu.memref_slice %arg10[%dma_start3A_357, %dma_start3A_358] : memref<3x8192xf32, #tpu.memory_space<vmem>> -> memref<1x8192xf32, #tpu.memory_space<vmem>>
    %dma_start3A_360 = tpu.memref_squeeze %dma_start3A_359 : memref<1x8192xf32, #tpu.memory_space<vmem>> -> memref<8192xf32, #tpu.memory_space<vmem>>
    %dma_start3A_361 = arith.constant 0 : i32
    %dma_start3A_362 = tpu.memref_slice %arg9[%dma_start3A_356, %dma_start3A_361] : memref<3x8192xi32, #tpu.memory_space<vmem>> -> memref<1x8192xi32, #tpu.memory_space<vmem>>
    %dma_start3A_363 = tpu.memref_squeeze %dma_start3A_362 : memref<1x8192xi32, #tpu.memory_space<vmem>> -> memref<8192xi32, #tpu.memory_space<vmem>>
    %dma_start3A_364 = arith.constant 0 : i32
    %dma_start3A_365 = tpu.memref_slice %arg3[%dma_start3A_364] : memref<4194304xf32, #tpu.memory_space<hbm>> -> memref<4194304xf32, #tpu.memory_space<hbm>>
    tpu.enqueue_indirect_dma source(%dma_start3A_365 : memref<4194304xf32, #tpu.memory_space<hbm>>) target(%dma_start3A_360 : memref<8192xf32, #tpu.memory_space<vmem>>) offsets(%dma_start3A_363 : memref<8192xi32, #tpu.memory_space<vmem>>) semaphore(%arg15 : memref<!tpu.dma_semaphore, #tpu.memory_space<semaphore_mem>>)
    %dma_start3A_366 = arith.constant 2 : i32
    %dma_start3A_367 = arith.constant 2 : i32
    %dma_start3A_368 = arith.constant 0 : i32
    %dma_start3A_369 = tpu.memref_slice %arg11[%dma_start3A_367, %dma_start3A_368] : memref<3x8192xf32, #tpu.memory_space<vmem>> -> memref<1x8192xf32, #tpu.memory_space<vmem>>
    %dma_start3A_370 = tpu.memref_squeeze %dma_start3A_369 : memref<1x8192xf32, #tpu.memory_space<vmem>> -> memref<8192xf32, #tpu.memory_space<vmem>>
    %dma_start3A_371 = arith.constant 0 : i32
    %dma_start3A_372 = tpu.memref_slice %arg9[%dma_start3A_366, %dma_start3A_371] : memref<3x8192xi32, #tpu.memory_space<vmem>> -> memref<1x8192xi32, #tpu.memory_space<vmem>>
    %dma_start3A_373 = tpu.memref_squeeze %dma_start3A_372 : memref<1x8192xi32, #tpu.memory_space<vmem>> -> memref<8192xi32, #tpu.memory_space<vmem>>
    %dma_start3A_374 = arith.constant 0 : i32
    %dma_start3A_375 = tpu.memref_slice %arg4[%dma_start3A_374] : memref<4194304xf32, #tpu.memory_space<hbm>> -> memref<4194304xf32, #tpu.memory_space<hbm>>
    tpu.enqueue_indirect_dma source(%dma_start3A_375 : memref<4194304xf32, #tpu.memory_space<hbm>>) target(%dma_start3A_370 : memref<8192xf32, #tpu.memory_space<vmem>>) offsets(%dma_start3A_373 : memref<8192xi32, #tpu.memory_space<vmem>>) semaphore(%arg15 : memref<!tpu.dma_semaphore, #tpu.memory_space<semaphore_mem>>)
    %dma_start3A_376 = arith.constant 2 : i32
    %dma_start3A_377 = arith.constant 2 : i32
    %dma_start3A_378 = arith.constant 0 : i32
    %dma_start3A_379 = tpu.memref_slice %arg12[%dma_start3A_377, %dma_start3A_378] : memref<3x8192xf32, #tpu.memory_space<vmem>> -> memref<1x8192xf32, #tpu.memory_space<vmem>>
    %dma_start3A_380 = tpu.memref_squeeze %dma_start3A_379 : memref<1x8192xf32, #tpu.memory_space<vmem>> -> memref<8192xf32, #tpu.memory_space<vmem>>
    %dma_start3A_381 = arith.constant 0 : i32
    %dma_start3A_382 = tpu.memref_slice %arg9[%dma_start3A_376, %dma_start3A_381] : memref<3x8192xi32, #tpu.memory_space<vmem>> -> memref<1x8192xi32, #tpu.memory_space<vmem>>
    %dma_start3A_383 = tpu.memref_squeeze %dma_start3A_382 : memref<1x8192xi32, #tpu.memory_space<vmem>> -> memref<8192xi32, #tpu.memory_space<vmem>>
    %dma_start3A_384 = arith.constant 0 : i32
    %dma_start3A_385 = tpu.memref_slice %arg5[%dma_start3A_384] : memref<4194304xf32, #tpu.memory_space<hbm>> -> memref<4194304xf32, #tpu.memory_space<hbm>>
    tpu.enqueue_indirect_dma source(%dma_start3A_385 : memref<4194304xf32, #tpu.memory_space<hbm>>) target(%dma_start3A_380 : memref<8192xf32, #tpu.memory_space<vmem>>) offsets(%dma_start3A_383 : memref<8192xi32, #tpu.memory_space<vmem>>) semaphore(%arg15 : memref<!tpu.dma_semaphore, #tpu.memory_space<semaphore_mem>>)
    %dma_wait3A_386 = arith.constant 0 : i32
    %dma_wait3A_387 = arith.constant 0 : i32
    %dma_wait3A_388 = arith.constant 0 : i32
    %dma_wait3A_389 = tpu.memref_slice %arg10[%dma_wait3A_387, %dma_wait3A_388] : memref<3x8192xf32, #tpu.memory_space<vmem>> -> memref<1x8192xf32, #tpu.memory_space<vmem>>
    %dma_wait3A_390 = tpu.memref_squeeze %dma_wait3A_389 : memref<1x8192xf32, #tpu.memory_space<vmem>> -> memref<8192xf32, #tpu.memory_space<vmem>>
    %dma_wait3A_391 = arith.constant 0 : i32
    %dma_wait3A_392 = tpu.memref_slice %arg9[%dma_wait3A_386, %dma_wait3A_391] : memref<3x8192xi32, #tpu.memory_space<vmem>> -> memref<1x8192xi32, #tpu.memory_space<vmem>>
    %dma_wait3A_393 = tpu.memref_squeeze %dma_wait3A_392 : memref<1x8192xi32, #tpu.memory_space<vmem>> -> memref<8192xi32, #tpu.memory_space<vmem>>
    %dma_wait3A_394 = arith.constant 0 : i32
    %dma_wait3A_395 = tpu.memref_slice %arg3[%dma_wait3A_394] : memref<4194304xf32, #tpu.memory_space<hbm>> -> memref<4194304xf32, #tpu.memory_space<hbm>>
    tpu.wait_indirect_dma semaphore(%arg13 : memref<!tpu.dma_semaphore, #tpu.memory_space<semaphore_mem>>) src(%dma_wait3A_395 : memref<4194304xf32, #tpu.memory_space<hbm>>) dst(%dma_wait3A_390 : memref<8192xf32, #tpu.memory_space<vmem>>)
    %dma_wait3A_396 = arith.constant 0 : i32
    %dma_wait3A_397 = arith.constant 0 : i32
    %dma_wait3A_398 = arith.constant 0 : i32
    %dma_wait3A_399 = tpu.memref_slice %arg11[%dma_wait3A_397, %dma_wait3A_398] : memref<3x8192xf32, #tpu.memory_space<vmem>> -> memref<1x8192xf32, #tpu.memory_space<vmem>>
    %dma_wait3A_400 = tpu.memref_squeeze %dma_wait3A_399 : memref<1x8192xf32, #tpu.memory_space<vmem>> -> memref<8192xf32, #tpu.memory_space<vmem>>
    %dma_wait3A_401 = arith.constant 0 : i32
    %dma_wait3A_402 = tpu.memref_slice %arg9[%dma_wait3A_396, %dma_wait3A_401] : memref<3x8192xi32, #tpu.memory_space<vmem>> -> memref<1x8192xi32, #tpu.memory_space<vmem>>
    %dma_wait3A_403 = tpu.memref_squeeze %dma_wait3A_402 : memref<1x8192xi32, #tpu.memory_space<vmem>> -> memref<8192xi32, #tpu.memory_space<vmem>>
    %dma_wait3A_404 = arith.constant 0 : i32
    %dma_wait3A_405 = tpu.memref_slice %arg4[%dma_wait3A_404] : memref<4194304xf32, #tpu.memory_space<hbm>> -> memref<4194304xf32, #tpu.memory_space<hbm>>
    tpu.wait_indirect_dma semaphore(%arg13 : memref<!tpu.dma_semaphore, #tpu.memory_space<semaphore_mem>>) src(%dma_wait3A_405 : memref<4194304xf32, #tpu.memory_space<hbm>>) dst(%dma_wait3A_400 : memref<8192xf32, #tpu.memory_space<vmem>>)
    %dma_wait3A_406 = arith.constant 0 : i32
    %dma_wait3A_407 = arith.constant 0 : i32
    %dma_wait3A_408 = arith.constant 0 : i32
    %dma_wait3A_409 = tpu.memref_slice %arg12[%dma_wait3A_407, %dma_wait3A_408] : memref<3x8192xf32, #tpu.memory_space<vmem>> -> memref<1x8192xf32, #tpu.memory_space<vmem>>
    %dma_wait3A_410 = tpu.memref_squeeze %dma_wait3A_409 : memref<1x8192xf32, #tpu.memory_space<vmem>> -> memref<8192xf32, #tpu.memory_space<vmem>>
    %dma_wait3A_411 = arith.constant 0 : i32
    %dma_wait3A_412 = tpu.memref_slice %arg9[%dma_wait3A_406, %dma_wait3A_411] : memref<3x8192xi32, #tpu.memory_space<vmem>> -> memref<1x8192xi32, #tpu.memory_space<vmem>>
    %dma_wait3A_413 = tpu.memref_squeeze %dma_wait3A_412 : memref<1x8192xi32, #tpu.memory_space<vmem>> -> memref<8192xi32, #tpu.memory_space<vmem>>
    %dma_wait3A_414 = arith.constant 0 : i32
    %dma_wait3A_415 = tpu.memref_slice %arg5[%dma_wait3A_414] : memref<4194304xf32, #tpu.memory_space<hbm>> -> memref<4194304xf32, #tpu.memory_space<hbm>>
    tpu.wait_indirect_dma semaphore(%arg13 : memref<!tpu.dma_semaphore, #tpu.memory_space<semaphore_mem>>) src(%dma_wait3A_415 : memref<4194304xf32, #tpu.memory_space<hbm>>) dst(%dma_wait3A_410 : memref<8192xf32, #tpu.memory_space<vmem>>)
    %add3A_416 = arith.constant 24576 : i32
    %add3A_417 = arith.addi %mul3A_2, %add3A_416 : i32
    %run_scoped3A_418 = arith.constant 0 : i32
    "tpu.region"() ({
      %run_scoped3A_661 = tpu.sem_alloc : memref<!tpu.dma_semaphore, #tpu.memory_space<semaphore_mem>>
      %dma_start3A_662 = arith.constant 0 : i32
      %dma_start3A_663 = tpu.memref_slice %arg10[%run_scoped3A_418, %dma_start3A_662] : memref<3x8192xf32, #tpu.memory_space<vmem>> -> memref<1x8192xf32, #tpu.memory_space<vmem>>
      %dma_start3A_664 = tpu.memref_squeeze %dma_start3A_663 : memref<1x8192xf32, #tpu.memory_space<vmem>> -> memref<8192xf32, #tpu.memory_space<vmem>>
      %dma_start3A_665 = tpu.memref_slice %arg6[%add3A_417] : memref<2097152xf32, #tpu.memory_space<hbm>> -> memref<8192xf32, #tpu.memory_space<hbm>>
      %dma_start3A_666 = tpu.memref_slice %arg6[%add3A_417] : memref<2097152xf32, #tpu.memory_space<hbm>> -> memref<8192xf32, #tpu.memory_space<hbm>>
      %dma_start3A_667 = arith.constant 0 : i32
      %dma_start3A_668 = tpu.memref_slice %arg10[%run_scoped3A_418, %dma_start3A_667] : memref<3x8192xf32, #tpu.memory_space<vmem>> -> memref<1x8192xf32, #tpu.memory_space<vmem>>
      %dma_start3A_669 = tpu.memref_squeeze %dma_start3A_668 : memref<1x8192xf32, #tpu.memory_space<vmem>> -> memref<8192xf32, #tpu.memory_space<vmem>>
      tpu.enqueue_dma source(%dma_start3A_669 : memref<8192xf32, #tpu.memory_space<vmem>>) target(%dma_start3A_666 : memref<8192xf32, #tpu.memory_space<hbm>>) target_semaphore(%run_scoped3A_661 : memref<!tpu.dma_semaphore, #tpu.memory_space<semaphore_mem>>)
      %dma_wait3A_670 = arith.constant 0 : i32
      %dma_wait3A_671 = tpu.memref_slice %arg10[%run_scoped3A_418, %dma_wait3A_670] : memref<3x8192xf32, #tpu.memory_space<vmem>> -> memref<1x8192xf32, #tpu.memory_space<vmem>>
      %dma_wait3A_672 = tpu.memref_squeeze %dma_wait3A_671 : memref<1x8192xf32, #tpu.memory_space<vmem>> -> memref<8192xf32, #tpu.memory_space<vmem>>
      %dma_wait3A_673 = tpu.memref_slice %arg6[%add3A_417] : memref<2097152xf32, #tpu.memory_space<hbm>> -> memref<8192xf32, #tpu.memory_space<hbm>>
      %dma_wait3A_674 = tpu.memref_slice %arg6[%add3A_417] : memref<2097152xf32, #tpu.memory_space<hbm>> -> memref<8192xf32, #tpu.memory_space<hbm>>
      %dma_wait3A_675 = arith.constant 0 : i32
      %dma_wait3A_676 = tpu.memref_slice %arg10[%run_scoped3A_418, %dma_wait3A_675] : memref<3x8192xf32, #tpu.memory_space<vmem>> -> memref<1x8192xf32, #tpu.memory_space<vmem>>
      %dma_wait3A_677 = tpu.memref_squeeze %dma_wait3A_676 : memref<1x8192xf32, #tpu.memory_space<vmem>> -> memref<8192xf32, #tpu.memory_space<vmem>>
      tpu.wait_dma2 semaphore(%run_scoped3A_661 : memref<!tpu.dma_semaphore, #tpu.memory_space<semaphore_mem>>) src(%dma_wait3A_677 : memref<8192xf32, #tpu.memory_space<vmem>>) dst(%dma_wait3A_674 : memref<8192xf32, #tpu.memory_space<hbm>>)
      tpu.yield
    }) : () -> ()
    %run_scoped3A_419 = arith.constant 0 : i32
    "tpu.region"() ({
      %run_scoped3A_661 = tpu.sem_alloc : memref<!tpu.dma_semaphore, #tpu.memory_space<semaphore_mem>>
      %dma_start3A_662 = arith.constant 0 : i32
      %dma_start3A_663 = tpu.memref_slice %arg11[%run_scoped3A_419, %dma_start3A_662] : memref<3x8192xf32, #tpu.memory_space<vmem>> -> memref<1x8192xf32, #tpu.memory_space<vmem>>
      %dma_start3A_664 = tpu.memref_squeeze %dma_start3A_663 : memref<1x8192xf32, #tpu.memory_space<vmem>> -> memref<8192xf32, #tpu.memory_space<vmem>>
      %dma_start3A_665 = tpu.memref_slice %arg7[%add3A_417] : memref<2097152xf32, #tpu.memory_space<hbm>> -> memref<8192xf32, #tpu.memory_space<hbm>>
      %dma_start3A_666 = tpu.memref_slice %arg7[%add3A_417] : memref<2097152xf32, #tpu.memory_space<hbm>> -> memref<8192xf32, #tpu.memory_space<hbm>>
      %dma_start3A_667 = arith.constant 0 : i32
      %dma_start3A_668 = tpu.memref_slice %arg11[%run_scoped3A_419, %dma_start3A_667] : memref<3x8192xf32, #tpu.memory_space<vmem>> -> memref<1x8192xf32, #tpu.memory_space<vmem>>
      %dma_start3A_669 = tpu.memref_squeeze %dma_start3A_668 : memref<1x8192xf32, #tpu.memory_space<vmem>> -> memref<8192xf32, #tpu.memory_space<vmem>>
      tpu.enqueue_dma source(%dma_start3A_669 : memref<8192xf32, #tpu.memory_space<vmem>>) target(%dma_start3A_666 : memref<8192xf32, #tpu.memory_space<hbm>>) target_semaphore(%run_scoped3A_661 : memref<!tpu.dma_semaphore, #tpu.memory_space<semaphore_mem>>)
      %dma_wait3A_670 = arith.constant 0 : i32
      %dma_wait3A_671 = tpu.memref_slice %arg11[%run_scoped3A_419, %dma_wait3A_670] : memref<3x8192xf32, #tpu.memory_space<vmem>> -> memref<1x8192xf32, #tpu.memory_space<vmem>>
      %dma_wait3A_672 = tpu.memref_squeeze %dma_wait3A_671 : memref<1x8192xf32, #tpu.memory_space<vmem>> -> memref<8192xf32, #tpu.memory_space<vmem>>
      %dma_wait3A_673 = tpu.memref_slice %arg7[%add3A_417] : memref<2097152xf32, #tpu.memory_space<hbm>> -> memref<8192xf32, #tpu.memory_space<hbm>>
      %dma_wait3A_674 = tpu.memref_slice %arg7[%add3A_417] : memref<2097152xf32, #tpu.memory_space<hbm>> -> memref<8192xf32, #tpu.memory_space<hbm>>
      %dma_wait3A_675 = arith.constant 0 : i32
      %dma_wait3A_676 = tpu.memref_slice %arg11[%run_scoped3A_419, %dma_wait3A_675] : memref<3x8192xf32, #tpu.memory_space<vmem>> -> memref<1x8192xf32, #tpu.memory_space<vmem>>
      %dma_wait3A_677 = tpu.memref_squeeze %dma_wait3A_676 : memref<1x8192xf32, #tpu.memory_space<vmem>> -> memref<8192xf32, #tpu.memory_space<vmem>>
      tpu.wait_dma2 semaphore(%run_scoped3A_661 : memref<!tpu.dma_semaphore, #tpu.memory_space<semaphore_mem>>) src(%dma_wait3A_677 : memref<8192xf32, #tpu.memory_space<vmem>>) dst(%dma_wait3A_674 : memref<8192xf32, #tpu.memory_space<hbm>>)
      tpu.yield
    }) : () -> ()
    %run_scoped3A_420 = arith.constant 0 : i32
    "tpu.region"() ({
      %run_scoped3A_661 = tpu.sem_alloc : memref<!tpu.dma_semaphore, #tpu.memory_space<semaphore_mem>>
      %dma_start3A_662 = arith.constant 0 : i32
      %dma_start3A_663 = tpu.memref_slice %arg12[%run_scoped3A_420, %dma_start3A_662] : memref<3x8192xf32, #tpu.memory_space<vmem>> -> memref<1x8192xf32, #tpu.memory_space<vmem>>
      %dma_start3A_664 = tpu.memref_squeeze %dma_start3A_663 : memref<1x8192xf32, #tpu.memory_space<vmem>> -> memref<8192xf32, #tpu.memory_space<vmem>>
      %dma_start3A_665 = tpu.memref_slice %arg8[%add3A_417] : memref<2097152xf32, #tpu.memory_space<hbm>> -> memref<8192xf32, #tpu.memory_space<hbm>>
      %dma_start3A_666 = tpu.memref_slice %arg8[%add3A_417] : memref<2097152xf32, #tpu.memory_space<hbm>> -> memref<8192xf32, #tpu.memory_space<hbm>>
      %dma_start3A_667 = arith.constant 0 : i32
      %dma_start3A_668 = tpu.memref_slice %arg12[%run_scoped3A_420, %dma_start3A_667] : memref<3x8192xf32, #tpu.memory_space<vmem>> -> memref<1x8192xf32, #tpu.memory_space<vmem>>
      %dma_start3A_669 = tpu.memref_squeeze %dma_start3A_668 : memref<1x8192xf32, #tpu.memory_space<vmem>> -> memref<8192xf32, #tpu.memory_space<vmem>>
      tpu.enqueue_dma source(%dma_start3A_669 : memref<8192xf32, #tpu.memory_space<vmem>>) target(%dma_start3A_666 : memref<8192xf32, #tpu.memory_space<hbm>>) target_semaphore(%run_scoped3A_661 : memref<!tpu.dma_semaphore, #tpu.memory_space<semaphore_mem>>)
      %dma_wait3A_670 = arith.constant 0 : i32
      %dma_wait3A_671 = tpu.memref_slice %arg12[%run_scoped3A_420, %dma_wait3A_670] : memref<3x8192xf32, #tpu.memory_space<vmem>> -> memref<1x8192xf32, #tpu.memory_space<vmem>>
      %dma_wait3A_672 = tpu.memref_squeeze %dma_wait3A_671 : memref<1x8192xf32, #tpu.memory_space<vmem>> -> memref<8192xf32, #tpu.memory_space<vmem>>
      %dma_wait3A_673 = tpu.memref_slice %arg8[%add3A_417] : memref<2097152xf32, #tpu.memory_space<hbm>> -> memref<8192xf32, #tpu.memory_space<hbm>>
      %dma_wait3A_674 = tpu.memref_slice %arg8[%add3A_417] : memref<2097152xf32, #tpu.memory_space<hbm>> -> memref<8192xf32, #tpu.memory_space<hbm>>
      %dma_wait3A_675 = arith.constant 0 : i32
      %dma_wait3A_676 = tpu.memref_slice %arg12[%run_scoped3A_420, %dma_wait3A_675] : memref<3x8192xf32, #tpu.memory_space<vmem>> -> memref<1x8192xf32, #tpu.memory_space<vmem>>
      %dma_wait3A_677 = tpu.memref_squeeze %dma_wait3A_676 : memref<1x8192xf32, #tpu.memory_space<vmem>> -> memref<8192xf32, #tpu.memory_space<vmem>>
      tpu.wait_dma2 semaphore(%run_scoped3A_661 : memref<!tpu.dma_semaphore, #tpu.memory_space<semaphore_mem>>) src(%dma_wait3A_677 : memref<8192xf32, #tpu.memory_space<vmem>>) dst(%dma_wait3A_674 : memref<8192xf32, #tpu.memory_space<hbm>>)
      tpu.yield
    }) : () -> ()
    %add3A_421 = arith.constant 49152 : i32
    %add3A_422 = arith.addi %mul3A_2, %add3A_421 : i32
    %dma_start3A_423 = arith.constant 0 : i32
    %dma_start3A_424 = arith.constant 0 : i32
    %dma_start3A_425 = tpu.memref_slice %arg9[%dma_start3A_423, %dma_start3A_424] : memref<3x8192xi32, #tpu.memory_space<vmem>> -> memref<1x8192xi32, #tpu.memory_space<vmem>>
    %dma_start3A_426 = tpu.memref_squeeze %dma_start3A_425 : memref<1x8192xi32, #tpu.memory_space<vmem>> -> memref<8192xi32, #tpu.memory_space<vmem>>
    %dma_start3A_427 = tpu.memref_slice %arg2[%add3A_422] : memref<2097152xi32, #tpu.memory_space<hbm>> -> memref<8192xi32, #tpu.memory_space<hbm>>
    %dma_start3A_428 = arith.constant 0 : i32
    %dma_start3A_429 = tpu.memref_slice %arg9[%dma_start3A_423, %dma_start3A_428] : memref<3x8192xi32, #tpu.memory_space<vmem>> -> memref<1x8192xi32, #tpu.memory_space<vmem>>
    %dma_start3A_430 = tpu.memref_squeeze %dma_start3A_429 : memref<1x8192xi32, #tpu.memory_space<vmem>> -> memref<8192xi32, #tpu.memory_space<vmem>>
    %dma_start3A_431 = tpu.memref_slice %arg2[%add3A_422] : memref<2097152xi32, #tpu.memory_space<hbm>> -> memref<8192xi32, #tpu.memory_space<hbm>>
    tpu.enqueue_dma source(%dma_start3A_431 : memref<8192xi32, #tpu.memory_space<hbm>>) target(%dma_start3A_430 : memref<8192xi32, #tpu.memory_space<vmem>>) target_semaphore(%arg16 : memref<!tpu.dma_semaphore, #tpu.memory_space<semaphore_mem>>)
    %dma_wait3A_432 = arith.constant 0 : i32
    %dma_wait3A_433 = arith.constant 0 : i32
    %dma_wait3A_434 = tpu.memref_slice %arg9[%dma_wait3A_432, %dma_wait3A_433] : memref<3x8192xi32, #tpu.memory_space<vmem>> -> memref<1x8192xi32, #tpu.memory_space<vmem>>
    %dma_wait3A_435 = tpu.memref_squeeze %dma_wait3A_434 : memref<1x8192xi32, #tpu.memory_space<vmem>> -> memref<8192xi32, #tpu.memory_space<vmem>>
    %dma_wait3A_436 = tpu.memref_slice %arg2[%add3A_422] : memref<2097152xi32, #tpu.memory_space<hbm>> -> memref<8192xi32, #tpu.memory_space<hbm>>
    %dma_wait3A_437 = arith.constant 0 : i32
    %dma_wait3A_438 = tpu.memref_slice %arg9[%dma_wait3A_432, %dma_wait3A_437] : memref<3x8192xi32, #tpu.memory_space<vmem>> -> memref<1x8192xi32, #tpu.memory_space<vmem>>
    %dma_wait3A_439 = tpu.memref_squeeze %dma_wait3A_438 : memref<1x8192xi32, #tpu.memory_space<vmem>> -> memref<8192xi32, #tpu.memory_space<vmem>>
    %dma_wait3A_440 = tpu.memref_slice %arg2[%add3A_422] : memref<2097152xi32, #tpu.memory_space<hbm>> -> memref<8192xi32, #tpu.memory_space<hbm>>
    tpu.wait_dma2 semaphore(%arg16 : memref<!tpu.dma_semaphore, #tpu.memory_space<semaphore_mem>>) src(%dma_wait3A_440 : memref<8192xi32, #tpu.memory_space<hbm>>) dst(%dma_wait3A_439 : memref<8192xi32, #tpu.memory_space<vmem>>)
    %dma_start3A_441 = arith.constant 0 : i32
    %dma_start3A_442 = arith.constant 0 : i32
    %dma_start3A_443 = arith.constant 0 : i32
    %dma_start3A_444 = tpu.memref_slice %arg10[%dma_start3A_442, %dma_start3A_443] : memref<3x8192xf32, #tpu.memory_space<vmem>> -> memref<1x8192xf32, #tpu.memory_space<vmem>>
    %dma_start3A_445 = tpu.memref_squeeze %dma_start3A_444 : memref<1x8192xf32, #tpu.memory_space<vmem>> -> memref<8192xf32, #tpu.memory_space<vmem>>
    %dma_start3A_446 = arith.constant 0 : i32
    %dma_start3A_447 = tpu.memref_slice %arg9[%dma_start3A_441, %dma_start3A_446] : memref<3x8192xi32, #tpu.memory_space<vmem>> -> memref<1x8192xi32, #tpu.memory_space<vmem>>
    %dma_start3A_448 = tpu.memref_squeeze %dma_start3A_447 : memref<1x8192xi32, #tpu.memory_space<vmem>> -> memref<8192xi32, #tpu.memory_space<vmem>>
    %dma_start3A_449 = arith.constant 0 : i32
    %dma_start3A_450 = tpu.memref_slice %arg3[%dma_start3A_449] : memref<4194304xf32, #tpu.memory_space<hbm>> -> memref<4194304xf32, #tpu.memory_space<hbm>>
    tpu.enqueue_indirect_dma source(%dma_start3A_450 : memref<4194304xf32, #tpu.memory_space<hbm>>) target(%dma_start3A_445 : memref<8192xf32, #tpu.memory_space<vmem>>) offsets(%dma_start3A_448 : memref<8192xi32, #tpu.memory_space<vmem>>) semaphore(%arg13 : memref<!tpu.dma_semaphore, #tpu.memory_space<semaphore_mem>>)
    %dma_start3A_451 = arith.constant 0 : i32
    %dma_start3A_452 = arith.constant 0 : i32
    %dma_start3A_453 = arith.constant 0 : i32
    %dma_start3A_454 = tpu.memref_slice %arg11[%dma_start3A_452, %dma_start3A_453] : memref<3x8192xf32, #tpu.memory_space<vmem>> -> memref<1x8192xf32, #tpu.memory_space<vmem>>
    %dma_start3A_455 = tpu.memref_squeeze %dma_start3A_454 : memref<1x8192xf32, #tpu.memory_space<vmem>> -> memref<8192xf32, #tpu.memory_space<vmem>>
    %dma_start3A_456 = arith.constant 0 : i32
    %dma_start3A_457 = tpu.memref_slice %arg9[%dma_start3A_451, %dma_start3A_456] : memref<3x8192xi32, #tpu.memory_space<vmem>> -> memref<1x8192xi32, #tpu.memory_space<vmem>>
    %dma_start3A_458 = tpu.memref_squeeze %dma_start3A_457 : memref<1x8192xi32, #tpu.memory_space<vmem>> -> memref<8192xi32, #tpu.memory_space<vmem>>
    %dma_start3A_459 = arith.constant 0 : i32
    %dma_start3A_460 = tpu.memref_slice %arg4[%dma_start3A_459] : memref<4194304xf32, #tpu.memory_space<hbm>> -> memref<4194304xf32, #tpu.memory_space<hbm>>
    tpu.enqueue_indirect_dma source(%dma_start3A_460 : memref<4194304xf32, #tpu.memory_space<hbm>>) target(%dma_start3A_455 : memref<8192xf32, #tpu.memory_space<vmem>>) offsets(%dma_start3A_458 : memref<8192xi32, #tpu.memory_space<vmem>>) semaphore(%arg13 : memref<!tpu.dma_semaphore, #tpu.memory_space<semaphore_mem>>)
    %dma_start3A_461 = arith.constant 0 : i32
    %dma_start3A_462 = arith.constant 0 : i32
    %dma_start3A_463 = arith.constant 0 : i32
    %dma_start3A_464 = tpu.memref_slice %arg12[%dma_start3A_462, %dma_start3A_463] : memref<3x8192xf32, #tpu.memory_space<vmem>> -> memref<1x8192xf32, #tpu.memory_space<vmem>>
    %dma_start3A_465 = tpu.memref_squeeze %dma_start3A_464 : memref<1x8192xf32, #tpu.memory_space<vmem>> -> memref<8192xf32, #tpu.memory_space<vmem>>
    %dma_start3A_466 = arith.constant 0 : i32
    %dma_start3A_467 = tpu.memref_slice %arg9[%dma_start3A_461, %dma_start3A_466] : memref<3x8192xi32, #tpu.memory_space<vmem>> -> memref<1x8192xi32, #tpu.memory_space<vmem>>
    %dma_start3A_468 = tpu.memref_squeeze %dma_start3A_467 : memref<1x8192xi32, #tpu.memory_space<vmem>> -> memref<8192xi32, #tpu.memory_space<vmem>>
    %dma_start3A_469 = arith.constant 0 : i32
    %dma_start3A_470 = tpu.memref_slice %arg5[%dma_start3A_469] : memref<4194304xf32, #tpu.memory_space<hbm>> -> memref<4194304xf32, #tpu.memory_space<hbm>>
    tpu.enqueue_indirect_dma source(%dma_start3A_470 : memref<4194304xf32, #tpu.memory_space<hbm>>) target(%dma_start3A_465 : memref<8192xf32, #tpu.memory_space<vmem>>) offsets(%dma_start3A_468 : memref<8192xi32, #tpu.memory_space<vmem>>) semaphore(%arg13 : memref<!tpu.dma_semaphore, #tpu.memory_space<semaphore_mem>>)
    %dma_wait3A_471 = arith.constant 1 : i32
    %dma_wait3A_472 = arith.constant 1 : i32
    %dma_wait3A_473 = arith.constant 0 : i32
    %dma_wait3A_474 = tpu.memref_slice %arg10[%dma_wait3A_472, %dma_wait3A_473] : memref<3x8192xf32, #tpu.memory_space<vmem>> -> memref<1x8192xf32, #tpu.memory_space<vmem>>
    %dma_wait3A_475 = tpu.memref_squeeze %dma_wait3A_474 : memref<1x8192xf32, #tpu.memory_space<vmem>> -> memref<8192xf32, #tpu.memory_space<vmem>>
    %dma_wait3A_476 = arith.constant 0 : i32
    %dma_wait3A_477 = tpu.memref_slice %arg9[%dma_wait3A_471, %dma_wait3A_476] : memref<3x8192xi32, #tpu.memory_space<vmem>> -> memref<1x8192xi32, #tpu.memory_space<vmem>>
    %dma_wait3A_478 = tpu.memref_squeeze %dma_wait3A_477 : memref<1x8192xi32, #tpu.memory_space<vmem>> -> memref<8192xi32, #tpu.memory_space<vmem>>
    %dma_wait3A_479 = arith.constant 0 : i32
    %dma_wait3A_480 = tpu.memref_slice %arg3[%dma_wait3A_479] : memref<4194304xf32, #tpu.memory_space<hbm>> -> memref<4194304xf32, #tpu.memory_space<hbm>>
    tpu.wait_indirect_dma semaphore(%arg14 : memref<!tpu.dma_semaphore, #tpu.memory_space<semaphore_mem>>) src(%dma_wait3A_480 : memref<4194304xf32, #tpu.memory_space<hbm>>) dst(%dma_wait3A_475 : memref<8192xf32, #tpu.memory_space<vmem>>)
    %dma_wait3A_481 = arith.constant 1 : i32
    %dma_wait3A_482 = arith.constant 1 : i32
    %dma_wait3A_483 = arith.constant 0 : i32
    %dma_wait3A_484 = tpu.memref_slice %arg11[%dma_wait3A_482, %dma_wait3A_483] : memref<3x8192xf32, #tpu.memory_space<vmem>> -> memref<1x8192xf32, #tpu.memory_space<vmem>>
    %dma_wait3A_485 = tpu.memref_squeeze %dma_wait3A_484 : memref<1x8192xf32, #tpu.memory_space<vmem>> -> memref<8192xf32, #tpu.memory_space<vmem>>
    %dma_wait3A_486 = arith.constant 0 : i32
    %dma_wait3A_487 = tpu.memref_slice %arg9[%dma_wait3A_481, %dma_wait3A_486] : memref<3x8192xi32, #tpu.memory_space<vmem>> -> memref<1x8192xi32, #tpu.memory_space<vmem>>
    %dma_wait3A_488 = tpu.memref_squeeze %dma_wait3A_487 : memref<1x8192xi32, #tpu.memory_space<vmem>> -> memref<8192xi32, #tpu.memory_space<vmem>>
    %dma_wait3A_489 = arith.constant 0 : i32
    %dma_wait3A_490 = tpu.memref_slice %arg4[%dma_wait3A_489] : memref<4194304xf32, #tpu.memory_space<hbm>> -> memref<4194304xf32, #tpu.memory_space<hbm>>
    tpu.wait_indirect_dma semaphore(%arg14 : memref<!tpu.dma_semaphore, #tpu.memory_space<semaphore_mem>>) src(%dma_wait3A_490 : memref<4194304xf32, #tpu.memory_space<hbm>>) dst(%dma_wait3A_485 : memref<8192xf32, #tpu.memory_space<vmem>>)
    %dma_wait3A_491 = arith.constant 1 : i32
    %dma_wait3A_492 = arith.constant 1 : i32
    %dma_wait3A_493 = arith.constant 0 : i32
    %dma_wait3A_494 = tpu.memref_slice %arg12[%dma_wait3A_492, %dma_wait3A_493] : memref<3x8192xf32, #tpu.memory_space<vmem>> -> memref<1x8192xf32, #tpu.memory_space<vmem>>
    %dma_wait3A_495 = tpu.memref_squeeze %dma_wait3A_494 : memref<1x8192xf32, #tpu.memory_space<vmem>> -> memref<8192xf32, #tpu.memory_space<vmem>>
    %dma_wait3A_496 = arith.constant 0 : i32
    %dma_wait3A_497 = tpu.memref_slice %arg9[%dma_wait3A_491, %dma_wait3A_496] : memref<3x8192xi32, #tpu.memory_space<vmem>> -> memref<1x8192xi32, #tpu.memory_space<vmem>>
    %dma_wait3A_498 = tpu.memref_squeeze %dma_wait3A_497 : memref<1x8192xi32, #tpu.memory_space<vmem>> -> memref<8192xi32, #tpu.memory_space<vmem>>
    %dma_wait3A_499 = arith.constant 0 : i32
    %dma_wait3A_500 = tpu.memref_slice %arg5[%dma_wait3A_499] : memref<4194304xf32, #tpu.memory_space<hbm>> -> memref<4194304xf32, #tpu.memory_space<hbm>>
    tpu.wait_indirect_dma semaphore(%arg14 : memref<!tpu.dma_semaphore, #tpu.memory_space<semaphore_mem>>) src(%dma_wait3A_500 : memref<4194304xf32, #tpu.memory_space<hbm>>) dst(%dma_wait3A_495 : memref<8192xf32, #tpu.memory_space<vmem>>)
    %add3A_501 = arith.constant 32768 : i32
    %add3A_502 = arith.addi %mul3A_2, %add3A_501 : i32
    %run_scoped3A_503 = arith.constant 1 : i32
    "tpu.region"() ({
      %run_scoped3A_661 = tpu.sem_alloc : memref<!tpu.dma_semaphore, #tpu.memory_space<semaphore_mem>>
      %dma_start3A_662 = arith.constant 0 : i32
      %dma_start3A_663 = tpu.memref_slice %arg10[%run_scoped3A_503, %dma_start3A_662] : memref<3x8192xf32, #tpu.memory_space<vmem>> -> memref<1x8192xf32, #tpu.memory_space<vmem>>
      %dma_start3A_664 = tpu.memref_squeeze %dma_start3A_663 : memref<1x8192xf32, #tpu.memory_space<vmem>> -> memref<8192xf32, #tpu.memory_space<vmem>>
      %dma_start3A_665 = tpu.memref_slice %arg6[%add3A_502] : memref<2097152xf32, #tpu.memory_space<hbm>> -> memref<8192xf32, #tpu.memory_space<hbm>>
      %dma_start3A_666 = tpu.memref_slice %arg6[%add3A_502] : memref<2097152xf32, #tpu.memory_space<hbm>> -> memref<8192xf32, #tpu.memory_space<hbm>>
      %dma_start3A_667 = arith.constant 0 : i32
      %dma_start3A_668 = tpu.memref_slice %arg10[%run_scoped3A_503, %dma_start3A_667] : memref<3x8192xf32, #tpu.memory_space<vmem>> -> memref<1x8192xf32, #tpu.memory_space<vmem>>
      %dma_start3A_669 = tpu.memref_squeeze %dma_start3A_668 : memref<1x8192xf32, #tpu.memory_space<vmem>> -> memref<8192xf32, #tpu.memory_space<vmem>>
      tpu.enqueue_dma source(%dma_start3A_669 : memref<8192xf32, #tpu.memory_space<vmem>>) target(%dma_start3A_666 : memref<8192xf32, #tpu.memory_space<hbm>>) target_semaphore(%run_scoped3A_661 : memref<!tpu.dma_semaphore, #tpu.memory_space<semaphore_mem>>)
      %dma_wait3A_670 = arith.constant 0 : i32
      %dma_wait3A_671 = tpu.memref_slice %arg10[%run_scoped3A_503, %dma_wait3A_670] : memref<3x8192xf32, #tpu.memory_space<vmem>> -> memref<1x8192xf32, #tpu.memory_space<vmem>>
      %dma_wait3A_672 = tpu.memref_squeeze %dma_wait3A_671 : memref<1x8192xf32, #tpu.memory_space<vmem>> -> memref<8192xf32, #tpu.memory_space<vmem>>
      %dma_wait3A_673 = tpu.memref_slice %arg6[%add3A_502] : memref<2097152xf32, #tpu.memory_space<hbm>> -> memref<8192xf32, #tpu.memory_space<hbm>>
      %dma_wait3A_674 = tpu.memref_slice %arg6[%add3A_502] : memref<2097152xf32, #tpu.memory_space<hbm>> -> memref<8192xf32, #tpu.memory_space<hbm>>
      %dma_wait3A_675 = arith.constant 0 : i32
      %dma_wait3A_676 = tpu.memref_slice %arg10[%run_scoped3A_503, %dma_wait3A_675] : memref<3x8192xf32, #tpu.memory_space<vmem>> -> memref<1x8192xf32, #tpu.memory_space<vmem>>
      %dma_wait3A_677 = tpu.memref_squeeze %dma_wait3A_676 : memref<1x8192xf32, #tpu.memory_space<vmem>> -> memref<8192xf32, #tpu.memory_space<vmem>>
      tpu.wait_dma2 semaphore(%run_scoped3A_661 : memref<!tpu.dma_semaphore, #tpu.memory_space<semaphore_mem>>) src(%dma_wait3A_677 : memref<8192xf32, #tpu.memory_space<vmem>>) dst(%dma_wait3A_674 : memref<8192xf32, #tpu.memory_space<hbm>>)
      tpu.yield
    }) : () -> ()
    %run_scoped3A_504 = arith.constant 1 : i32
    "tpu.region"() ({
      %run_scoped3A_661 = tpu.sem_alloc : memref<!tpu.dma_semaphore, #tpu.memory_space<semaphore_mem>>
      %dma_start3A_662 = arith.constant 0 : i32
      %dma_start3A_663 = tpu.memref_slice %arg11[%run_scoped3A_504, %dma_start3A_662] : memref<3x8192xf32, #tpu.memory_space<vmem>> -> memref<1x8192xf32, #tpu.memory_space<vmem>>
      %dma_start3A_664 = tpu.memref_squeeze %dma_start3A_663 : memref<1x8192xf32, #tpu.memory_space<vmem>> -> memref<8192xf32, #tpu.memory_space<vmem>>
      %dma_start3A_665 = tpu.memref_slice %arg7[%add3A_502] : memref<2097152xf32, #tpu.memory_space<hbm>> -> memref<8192xf32, #tpu.memory_space<hbm>>
      %dma_start3A_666 = tpu.memref_slice %arg7[%add3A_502] : memref<2097152xf32, #tpu.memory_space<hbm>> -> memref<8192xf32, #tpu.memory_space<hbm>>
      %dma_start3A_667 = arith.constant 0 : i32
      %dma_start3A_668 = tpu.memref_slice %arg11[%run_scoped3A_504, %dma_start3A_667] : memref<3x8192xf32, #tpu.memory_space<vmem>> -> memref<1x8192xf32, #tpu.memory_space<vmem>>
      %dma_start3A_669 = tpu.memref_squeeze %dma_start3A_668 : memref<1x8192xf32, #tpu.memory_space<vmem>> -> memref<8192xf32, #tpu.memory_space<vmem>>
      tpu.enqueue_dma source(%dma_start3A_669 : memref<8192xf32, #tpu.memory_space<vmem>>) target(%dma_start3A_666 : memref<8192xf32, #tpu.memory_space<hbm>>) target_semaphore(%run_scoped3A_661 : memref<!tpu.dma_semaphore, #tpu.memory_space<semaphore_mem>>)
      %dma_wait3A_670 = arith.constant 0 : i32
      %dma_wait3A_671 = tpu.memref_slice %arg11[%run_scoped3A_504, %dma_wait3A_670] : memref<3x8192xf32, #tpu.memory_space<vmem>> -> memref<1x8192xf32, #tpu.memory_space<vmem>>
      %dma_wait3A_672 = tpu.memref_squeeze %dma_wait3A_671 : memref<1x8192xf32, #tpu.memory_space<vmem>> -> memref<8192xf32, #tpu.memory_space<vmem>>
      %dma_wait3A_673 = tpu.memref_slice %arg7[%add3A_502] : memref<2097152xf32, #tpu.memory_space<hbm>> -> memref<8192xf32, #tpu.memory_space<hbm>>
      %dma_wait3A_674 = tpu.memref_slice %arg7[%add3A_502] : memref<2097152xf32, #tpu.memory_space<hbm>> -> memref<8192xf32, #tpu.memory_space<hbm>>
      %dma_wait3A_675 = arith.constant 0 : i32
      %dma_wait3A_676 = tpu.memref_slice %arg11[%run_scoped3A_504, %dma_wait3A_675] : memref<3x8192xf32, #tpu.memory_space<vmem>> -> memref<1x8192xf32, #tpu.memory_space<vmem>>
      %dma_wait3A_677 = tpu.memref_squeeze %dma_wait3A_676 : memref<1x8192xf32, #tpu.memory_space<vmem>> -> memref<8192xf32, #tpu.memory_space<vmem>>
      tpu.wait_dma2 semaphore(%run_scoped3A_661 : memref<!tpu.dma_semaphore, #tpu.memory_space<semaphore_mem>>) src(%dma_wait3A_677 : memref<8192xf32, #tpu.memory_space<vmem>>) dst(%dma_wait3A_674 : memref<8192xf32, #tpu.memory_space<hbm>>)
      tpu.yield
    }) : () -> ()
    %run_scoped3A_505 = arith.constant 1 : i32
    "tpu.region"() ({
      %run_scoped3A_661 = tpu.sem_alloc : memref<!tpu.dma_semaphore, #tpu.memory_space<semaphore_mem>>
      %dma_start3A_662 = arith.constant 0 : i32
      %dma_start3A_663 = tpu.memref_slice %arg12[%run_scoped3A_505, %dma_start3A_662] : memref<3x8192xf32, #tpu.memory_space<vmem>> -> memref<1x8192xf32, #tpu.memory_space<vmem>>
      %dma_start3A_664 = tpu.memref_squeeze %dma_start3A_663 : memref<1x8192xf32, #tpu.memory_space<vmem>> -> memref<8192xf32, #tpu.memory_space<vmem>>
      %dma_start3A_665 = tpu.memref_slice %arg8[%add3A_502] : memref<2097152xf32, #tpu.memory_space<hbm>> -> memref<8192xf32, #tpu.memory_space<hbm>>
      %dma_start3A_666 = tpu.memref_slice %arg8[%add3A_502] : memref<2097152xf32, #tpu.memory_space<hbm>> -> memref<8192xf32, #tpu.memory_space<hbm>>
      %dma_start3A_667 = arith.constant 0 : i32
      %dma_start3A_668 = tpu.memref_slice %arg12[%run_scoped3A_505, %dma_start3A_667] : memref<3x8192xf32, #tpu.memory_space<vmem>> -> memref<1x8192xf32, #tpu.memory_space<vmem>>
      %dma_start3A_669 = tpu.memref_squeeze %dma_start3A_668 : memref<1x8192xf32, #tpu.memory_space<vmem>> -> memref<8192xf32, #tpu.memory_space<vmem>>
      tpu.enqueue_dma source(%dma_start3A_669 : memref<8192xf32, #tpu.memory_space<vmem>>) target(%dma_start3A_666 : memref<8192xf32, #tpu.memory_space<hbm>>) target_semaphore(%run_scoped3A_661 : memref<!tpu.dma_semaphore, #tpu.memory_space<semaphore_mem>>)
      %dma_wait3A_670 = arith.constant 0 : i32
      %dma_wait3A_671 = tpu.memref_slice %arg12[%run_scoped3A_505, %dma_wait3A_670] : memref<3x8192xf32, #tpu.memory_space<vmem>> -> memref<1x8192xf32, #tpu.memory_space<vmem>>
      %dma_wait3A_672 = tpu.memref_squeeze %dma_wait3A_671 : memref<1x8192xf32, #tpu.memory_space<vmem>> -> memref<8192xf32, #tpu.memory_space<vmem>>
      %dma_wait3A_673 = tpu.memref_slice %arg8[%add3A_502] : memref<2097152xf32, #tpu.memory_space<hbm>> -> memref<8192xf32, #tpu.memory_space<hbm>>
      %dma_wait3A_674 = tpu.memref_slice %arg8[%add3A_502] : memref<2097152xf32, #tpu.memory_space<hbm>> -> memref<8192xf32, #tpu.memory_space<hbm>>
      %dma_wait3A_675 = arith.constant 0 : i32
      %dma_wait3A_676 = tpu.memref_slice %arg12[%run_scoped3A_505, %dma_wait3A_675] : memref<3x8192xf32, #tpu.memory_space<vmem>> -> memref<1x8192xf32, #tpu.memory_space<vmem>>
      %dma_wait3A_677 = tpu.memref_squeeze %dma_wait3A_676 : memref<1x8192xf32, #tpu.memory_space<vmem>> -> memref<8192xf32, #tpu.memory_space<vmem>>
      tpu.wait_dma2 semaphore(%run_scoped3A_661 : memref<!tpu.dma_semaphore, #tpu.memory_space<semaphore_mem>>) src(%dma_wait3A_677 : memref<8192xf32, #tpu.memory_space<vmem>>) dst(%dma_wait3A_674 : memref<8192xf32, #tpu.memory_space<hbm>>)
      tpu.yield
    }) : () -> ()
    %add3A_506 = arith.constant 57344 : i32
    %add3A_507 = arith.addi %mul3A_2, %add3A_506 : i32
    %dma_start3A_508 = arith.constant 1 : i32
    %dma_start3A_509 = arith.constant 0 : i32
    %dma_start3A_510 = tpu.memref_slice %arg9[%dma_start3A_508, %dma_start3A_509] : memref<3x8192xi32, #tpu.memory_space<vmem>> -> memref<1x8192xi32, #tpu.memory_space<vmem>>
    %dma_start3A_511 = tpu.memref_squeeze %dma_start3A_510 : memref<1x8192xi32, #tpu.memory_space<vmem>> -> memref<8192xi32, #tpu.memory_space<vmem>>
    %dma_start3A_512 = tpu.memref_slice %arg2[%add3A_507] : memref<2097152xi32, #tpu.memory_space<hbm>> -> memref<8192xi32, #tpu.memory_space<hbm>>
    %dma_start3A_513 = arith.constant 0 : i32
    %dma_start3A_514 = tpu.memref_slice %arg9[%dma_start3A_508, %dma_start3A_513] : memref<3x8192xi32, #tpu.memory_space<vmem>> -> memref<1x8192xi32, #tpu.memory_space<vmem>>
    %dma_start3A_515 = tpu.memref_squeeze %dma_start3A_514 : memref<1x8192xi32, #tpu.memory_space<vmem>> -> memref<8192xi32, #tpu.memory_space<vmem>>
    %dma_start3A_516 = tpu.memref_slice %arg2[%add3A_507] : memref<2097152xi32, #tpu.memory_space<hbm>> -> memref<8192xi32, #tpu.memory_space<hbm>>
    tpu.enqueue_dma source(%dma_start3A_516 : memref<8192xi32, #tpu.memory_space<hbm>>) target(%dma_start3A_515 : memref<8192xi32, #tpu.memory_space<vmem>>) target_semaphore(%arg16 : memref<!tpu.dma_semaphore, #tpu.memory_space<semaphore_mem>>)
    %dma_wait3A_517 = arith.constant 1 : i32
    %dma_wait3A_518 = arith.constant 0 : i32
    %dma_wait3A_519 = tpu.memref_slice %arg9[%dma_wait3A_517, %dma_wait3A_518] : memref<3x8192xi32, #tpu.memory_space<vmem>> -> memref<1x8192xi32, #tpu.memory_space<vmem>>
    %dma_wait3A_520 = tpu.memref_squeeze %dma_wait3A_519 : memref<1x8192xi32, #tpu.memory_space<vmem>> -> memref<8192xi32, #tpu.memory_space<vmem>>
    %dma_wait3A_521 = tpu.memref_slice %arg2[%add3A_507] : memref<2097152xi32, #tpu.memory_space<hbm>> -> memref<8192xi32, #tpu.memory_space<hbm>>
    %dma_wait3A_522 = arith.constant 0 : i32
    %dma_wait3A_523 = tpu.memref_slice %arg9[%dma_wait3A_517, %dma_wait3A_522] : memref<3x8192xi32, #tpu.memory_space<vmem>> -> memref<1x8192xi32, #tpu.memory_space<vmem>>
    %dma_wait3A_524 = tpu.memref_squeeze %dma_wait3A_523 : memref<1x8192xi32, #tpu.memory_space<vmem>> -> memref<8192xi32, #tpu.memory_space<vmem>>
    %dma_wait3A_525 = tpu.memref_slice %arg2[%add3A_507] : memref<2097152xi32, #tpu.memory_space<hbm>> -> memref<8192xi32, #tpu.memory_space<hbm>>
    tpu.wait_dma2 semaphore(%arg16 : memref<!tpu.dma_semaphore, #tpu.memory_space<semaphore_mem>>) src(%dma_wait3A_525 : memref<8192xi32, #tpu.memory_space<hbm>>) dst(%dma_wait3A_524 : memref<8192xi32, #tpu.memory_space<vmem>>)
    %dma_start3A_526 = arith.constant 1 : i32
    %dma_start3A_527 = arith.constant 1 : i32
    %dma_start3A_528 = arith.constant 0 : i32
    %dma_start3A_529 = tpu.memref_slice %arg10[%dma_start3A_527, %dma_start3A_528] : memref<3x8192xf32, #tpu.memory_space<vmem>> -> memref<1x8192xf32, #tpu.memory_space<vmem>>
    %dma_start3A_530 = tpu.memref_squeeze %dma_start3A_529 : memref<1x8192xf32, #tpu.memory_space<vmem>> -> memref<8192xf32, #tpu.memory_space<vmem>>
    %dma_start3A_531 = arith.constant 0 : i32
    %dma_start3A_532 = tpu.memref_slice %arg9[%dma_start3A_526, %dma_start3A_531] : memref<3x8192xi32, #tpu.memory_space<vmem>> -> memref<1x8192xi32, #tpu.memory_space<vmem>>
    %dma_start3A_533 = tpu.memref_squeeze %dma_start3A_532 : memref<1x8192xi32, #tpu.memory_space<vmem>> -> memref<8192xi32, #tpu.memory_space<vmem>>
    %dma_start3A_534 = arith.constant 0 : i32
    %dma_start3A_535 = tpu.memref_slice %arg3[%dma_start3A_534] : memref<4194304xf32, #tpu.memory_space<hbm>> -> memref<4194304xf32, #tpu.memory_space<hbm>>
    tpu.enqueue_indirect_dma source(%dma_start3A_535 : memref<4194304xf32, #tpu.memory_space<hbm>>) target(%dma_start3A_530 : memref<8192xf32, #tpu.memory_space<vmem>>) offsets(%dma_start3A_533 : memref<8192xi32, #tpu.memory_space<vmem>>) semaphore(%arg14 : memref<!tpu.dma_semaphore, #tpu.memory_space<semaphore_mem>>)
    %dma_start3A_536 = arith.constant 1 : i32
    %dma_start3A_537 = arith.constant 1 : i32
    %dma_start3A_538 = arith.constant 0 : i32
    %dma_start3A_539 = tpu.memref_slice %arg11[%dma_start3A_537, %dma_start3A_538] : memref<3x8192xf32, #tpu.memory_space<vmem>> -> memref<1x8192xf32, #tpu.memory_space<vmem>>
    %dma_start3A_540 = tpu.memref_squeeze %dma_start3A_539 : memref<1x8192xf32, #tpu.memory_space<vmem>> -> memref<8192xf32, #tpu.memory_space<vmem>>
    %dma_start3A_541 = arith.constant 0 : i32
    %dma_start3A_542 = tpu.memref_slice %arg9[%dma_start3A_536, %dma_start3A_541] : memref<3x8192xi32, #tpu.memory_space<vmem>> -> memref<1x8192xi32, #tpu.memory_space<vmem>>
    %dma_start3A_543 = tpu.memref_squeeze %dma_start3A_542 : memref<1x8192xi32, #tpu.memory_space<vmem>> -> memref<8192xi32, #tpu.memory_space<vmem>>
    %dma_start3A_544 = arith.constant 0 : i32
    %dma_start3A_545 = tpu.memref_slice %arg4[%dma_start3A_544] : memref<4194304xf32, #tpu.memory_space<hbm>> -> memref<4194304xf32, #tpu.memory_space<hbm>>
    tpu.enqueue_indirect_dma source(%dma_start3A_545 : memref<4194304xf32, #tpu.memory_space<hbm>>) target(%dma_start3A_540 : memref<8192xf32, #tpu.memory_space<vmem>>) offsets(%dma_start3A_543 : memref<8192xi32, #tpu.memory_space<vmem>>) semaphore(%arg14 : memref<!tpu.dma_semaphore, #tpu.memory_space<semaphore_mem>>)
    %dma_start3A_546 = arith.constant 1 : i32
    %dma_start3A_547 = arith.constant 1 : i32
    %dma_start3A_548 = arith.constant 0 : i32
    %dma_start3A_549 = tpu.memref_slice %arg12[%dma_start3A_547, %dma_start3A_548] : memref<3x8192xf32, #tpu.memory_space<vmem>> -> memref<1x8192xf32, #tpu.memory_space<vmem>>
    %dma_start3A_550 = tpu.memref_squeeze %dma_start3A_549 : memref<1x8192xf32, #tpu.memory_space<vmem>> -> memref<8192xf32, #tpu.memory_space<vmem>>
    %dma_start3A_551 = arith.constant 0 : i32
    %dma_start3A_552 = tpu.memref_slice %arg9[%dma_start3A_546, %dma_start3A_551] : memref<3x8192xi32, #tpu.memory_space<vmem>> -> memref<1x8192xi32, #tpu.memory_space<vmem>>
    %dma_start3A_553 = tpu.memref_squeeze %dma_start3A_552 : memref<1x8192xi32, #tpu.memory_space<vmem>> -> memref<8192xi32, #tpu.memory_space<vmem>>
    %dma_start3A_554 = arith.constant 0 : i32
    %dma_start3A_555 = tpu.memref_slice %arg5[%dma_start3A_554] : memref<4194304xf32, #tpu.memory_space<hbm>> -> memref<4194304xf32, #tpu.memory_space<hbm>>
    tpu.enqueue_indirect_dma source(%dma_start3A_555 : memref<4194304xf32, #tpu.memory_space<hbm>>) target(%dma_start3A_550 : memref<8192xf32, #tpu.memory_space<vmem>>) offsets(%dma_start3A_553 : memref<8192xi32, #tpu.memory_space<vmem>>) semaphore(%arg14 : memref<!tpu.dma_semaphore, #tpu.memory_space<semaphore_mem>>)
    %dma_wait3A_556 = arith.constant 2 : i32
    %dma_wait3A_557 = arith.constant 2 : i32
    %dma_wait3A_558 = arith.constant 0 : i32
    %dma_wait3A_559 = tpu.memref_slice %arg10[%dma_wait3A_557, %dma_wait3A_558] : memref<3x8192xf32, #tpu.memory_space<vmem>> -> memref<1x8192xf32, #tpu.memory_space<vmem>>
    %dma_wait3A_560 = tpu.memref_squeeze %dma_wait3A_559 : memref<1x8192xf32, #tpu.memory_space<vmem>> -> memref<8192xf32, #tpu.memory_space<vmem>>
    %dma_wait3A_561 = arith.constant 0 : i32
    %dma_wait3A_562 = tpu.memref_slice %arg9[%dma_wait3A_556, %dma_wait3A_561] : memref<3x8192xi32, #tpu.memory_space<vmem>> -> memref<1x8192xi32, #tpu.memory_space<vmem>>
    %dma_wait3A_563 = tpu.memref_squeeze %dma_wait3A_562 : memref<1x8192xi32, #tpu.memory_space<vmem>> -> memref<8192xi32, #tpu.memory_space<vmem>>
    %dma_wait3A_564 = arith.constant 0 : i32
    %dma_wait3A_565 = tpu.memref_slice %arg3[%dma_wait3A_564] : memref<4194304xf32, #tpu.memory_space<hbm>> -> memref<4194304xf32, #tpu.memory_space<hbm>>
    tpu.wait_indirect_dma semaphore(%arg15 : memref<!tpu.dma_semaphore, #tpu.memory_space<semaphore_mem>>) src(%dma_wait3A_565 : memref<4194304xf32, #tpu.memory_space<hbm>>) dst(%dma_wait3A_560 : memref<8192xf32, #tpu.memory_space<vmem>>)
    %dma_wait3A_566 = arith.constant 2 : i32
    %dma_wait3A_567 = arith.constant 2 : i32
    %dma_wait3A_568 = arith.constant 0 : i32
    %dma_wait3A_569 = tpu.memref_slice %arg11[%dma_wait3A_567, %dma_wait3A_568] : memref<3x8192xf32, #tpu.memory_space<vmem>> -> memref<1x8192xf32, #tpu.memory_space<vmem>>
    %dma_wait3A_570 = tpu.memref_squeeze %dma_wait3A_569 : memref<1x8192xf32, #tpu.memory_space<vmem>> -> memref<8192xf32, #tpu.memory_space<vmem>>
    %dma_wait3A_571 = arith.constant 0 : i32
    %dma_wait3A_572 = tpu.memref_slice %arg9[%dma_wait3A_566, %dma_wait3A_571] : memref<3x8192xi32, #tpu.memory_space<vmem>> -> memref<1x8192xi32, #tpu.memory_space<vmem>>
    %dma_wait3A_573 = tpu.memref_squeeze %dma_wait3A_572 : memref<1x8192xi32, #tpu.memory_space<vmem>> -> memref<8192xi32, #tpu.memory_space<vmem>>
    %dma_wait3A_574 = arith.constant 0 : i32
    %dma_wait3A_575 = tpu.memref_slice %arg4[%dma_wait3A_574] : memref<4194304xf32, #tpu.memory_space<hbm>> -> memref<4194304xf32, #tpu.memory_space<hbm>>
    tpu.wait_indirect_dma semaphore(%arg15 : memref<!tpu.dma_semaphore, #tpu.memory_space<semaphore_mem>>) src(%dma_wait3A_575 : memref<4194304xf32, #tpu.memory_space<hbm>>) dst(%dma_wait3A_570 : memref<8192xf32, #tpu.memory_space<vmem>>)
    %dma_wait3A_576 = arith.constant 2 : i32
    %dma_wait3A_577 = arith.constant 2 : i32
    %dma_wait3A_578 = arith.constant 0 : i32
    %dma_wait3A_579 = tpu.memref_slice %arg12[%dma_wait3A_577, %dma_wait3A_578] : memref<3x8192xf32, #tpu.memory_space<vmem>> -> memref<1x8192xf32, #tpu.memory_space<vmem>>
    %dma_wait3A_580 = tpu.memref_squeeze %dma_wait3A_579 : memref<1x8192xf32, #tpu.memory_space<vmem>> -> memref<8192xf32, #tpu.memory_space<vmem>>
    %dma_wait3A_581 = arith.constant 0 : i32
    %dma_wait3A_582 = tpu.memref_slice %arg9[%dma_wait3A_576, %dma_wait3A_581] : memref<3x8192xi32, #tpu.memory_space<vmem>> -> memref<1x8192xi32, #tpu.memory_space<vmem>>
    %dma_wait3A_583 = tpu.memref_squeeze %dma_wait3A_582 : memref<1x8192xi32, #tpu.memory_space<vmem>> -> memref<8192xi32, #tpu.memory_space<vmem>>
    %dma_wait3A_584 = arith.constant 0 : i32
    %dma_wait3A_585 = tpu.memref_slice %arg5[%dma_wait3A_584] : memref<4194304xf32, #tpu.memory_space<hbm>> -> memref<4194304xf32, #tpu.memory_space<hbm>>
    tpu.wait_indirect_dma semaphore(%arg15 : memref<!tpu.dma_semaphore, #tpu.memory_space<semaphore_mem>>) src(%dma_wait3A_585 : memref<4194304xf32, #tpu.memory_space<hbm>>) dst(%dma_wait3A_580 : memref<8192xf32, #tpu.memory_space<vmem>>)
    %add3A_586 = arith.constant 40960 : i32
    %add3A_587 = arith.addi %mul3A_2, %add3A_586 : i32
    %run_scoped3A_588 = arith.constant 2 : i32
    "tpu.region"() ({
      %run_scoped3A_661 = tpu.sem_alloc : memref<!tpu.dma_semaphore, #tpu.memory_space<semaphore_mem>>
      %dma_start3A_662 = arith.constant 0 : i32
      %dma_start3A_663 = tpu.memref_slice %arg10[%run_scoped3A_588, %dma_start3A_662] : memref<3x8192xf32, #tpu.memory_space<vmem>> -> memref<1x8192xf32, #tpu.memory_space<vmem>>
      %dma_start3A_664 = tpu.memref_squeeze %dma_start3A_663 : memref<1x8192xf32, #tpu.memory_space<vmem>> -> memref<8192xf32, #tpu.memory_space<vmem>>
      %dma_start3A_665 = tpu.memref_slice %arg6[%add3A_587] : memref<2097152xf32, #tpu.memory_space<hbm>> -> memref<8192xf32, #tpu.memory_space<hbm>>
      %dma_start3A_666 = tpu.memref_slice %arg6[%add3A_587] : memref<2097152xf32, #tpu.memory_space<hbm>> -> memref<8192xf32, #tpu.memory_space<hbm>>
      %dma_start3A_667 = arith.constant 0 : i32
      %dma_start3A_668 = tpu.memref_slice %arg10[%run_scoped3A_588, %dma_start3A_667] : memref<3x8192xf32, #tpu.memory_space<vmem>> -> memref<1x8192xf32, #tpu.memory_space<vmem>>
      %dma_start3A_669 = tpu.memref_squeeze %dma_start3A_668 : memref<1x8192xf32, #tpu.memory_space<vmem>> -> memref<8192xf32, #tpu.memory_space<vmem>>
      tpu.enqueue_dma source(%dma_start3A_669 : memref<8192xf32, #tpu.memory_space<vmem>>) target(%dma_start3A_666 : memref<8192xf32, #tpu.memory_space<hbm>>) target_semaphore(%run_scoped3A_661 : memref<!tpu.dma_semaphore, #tpu.memory_space<semaphore_mem>>)
      %dma_wait3A_670 = arith.constant 0 : i32
      %dma_wait3A_671 = tpu.memref_slice %arg10[%run_scoped3A_588, %dma_wait3A_670] : memref<3x8192xf32, #tpu.memory_space<vmem>> -> memref<1x8192xf32, #tpu.memory_space<vmem>>
      %dma_wait3A_672 = tpu.memref_squeeze %dma_wait3A_671 : memref<1x8192xf32, #tpu.memory_space<vmem>> -> memref<8192xf32, #tpu.memory_space<vmem>>
      %dma_wait3A_673 = tpu.memref_slice %arg6[%add3A_587] : memref<2097152xf32, #tpu.memory_space<hbm>> -> memref<8192xf32, #tpu.memory_space<hbm>>
      %dma_wait3A_674 = tpu.memref_slice %arg6[%add3A_587] : memref<2097152xf32, #tpu.memory_space<hbm>> -> memref<8192xf32, #tpu.memory_space<hbm>>
      %dma_wait3A_675 = arith.constant 0 : i32
      %dma_wait3A_676 = tpu.memref_slice %arg10[%run_scoped3A_588, %dma_wait3A_675] : memref<3x8192xf32, #tpu.memory_space<vmem>> -> memref<1x8192xf32, #tpu.memory_space<vmem>>
      %dma_wait3A_677 = tpu.memref_squeeze %dma_wait3A_676 : memref<1x8192xf32, #tpu.memory_space<vmem>> -> memref<8192xf32, #tpu.memory_space<vmem>>
      tpu.wait_dma2 semaphore(%run_scoped3A_661 : memref<!tpu.dma_semaphore, #tpu.memory_space<semaphore_mem>>) src(%dma_wait3A_677 : memref<8192xf32, #tpu.memory_space<vmem>>) dst(%dma_wait3A_674 : memref<8192xf32, #tpu.memory_space<hbm>>)
      tpu.yield
    }) : () -> ()
    %run_scoped3A_589 = arith.constant 2 : i32
    "tpu.region"() ({
      %run_scoped3A_661 = tpu.sem_alloc : memref<!tpu.dma_semaphore, #tpu.memory_space<semaphore_mem>>
      %dma_start3A_662 = arith.constant 0 : i32
      %dma_start3A_663 = tpu.memref_slice %arg11[%run_scoped3A_589, %dma_start3A_662] : memref<3x8192xf32, #tpu.memory_space<vmem>> -> memref<1x8192xf32, #tpu.memory_space<vmem>>
      %dma_start3A_664 = tpu.memref_squeeze %dma_start3A_663 : memref<1x8192xf32, #tpu.memory_space<vmem>> -> memref<8192xf32, #tpu.memory_space<vmem>>
      %dma_start3A_665 = tpu.memref_slice %arg7[%add3A_587] : memref<2097152xf32, #tpu.memory_space<hbm>> -> memref<8192xf32, #tpu.memory_space<hbm>>
      %dma_start3A_666 = tpu.memref_slice %arg7[%add3A_587] : memref<2097152xf32, #tpu.memory_space<hbm>> -> memref<8192xf32, #tpu.memory_space<hbm>>
      %dma_start3A_667 = arith.constant 0 : i32
      %dma_start3A_668 = tpu.memref_slice %arg11[%run_scoped3A_589, %dma_start3A_667] : memref<3x8192xf32, #tpu.memory_space<vmem>> -> memref<1x8192xf32, #tpu.memory_space<vmem>>
      %dma_start3A_669 = tpu.memref_squeeze %dma_start3A_668 : memref<1x8192xf32, #tpu.memory_space<vmem>> -> memref<8192xf32, #tpu.memory_space<vmem>>
      tpu.enqueue_dma source(%dma_start3A_669 : memref<8192xf32, #tpu.memory_space<vmem>>) target(%dma_start3A_666 : memref<8192xf32, #tpu.memory_space<hbm>>) target_semaphore(%run_scoped3A_661 : memref<!tpu.dma_semaphore, #tpu.memory_space<semaphore_mem>>)
      %dma_wait3A_670 = arith.constant 0 : i32
      %dma_wait3A_671 = tpu.memref_slice %arg11[%run_scoped3A_589, %dma_wait3A_670] : memref<3x8192xf32, #tpu.memory_space<vmem>> -> memref<1x8192xf32, #tpu.memory_space<vmem>>
      %dma_wait3A_672 = tpu.memref_squeeze %dma_wait3A_671 : memref<1x8192xf32, #tpu.memory_space<vmem>> -> memref<8192xf32, #tpu.memory_space<vmem>>
      %dma_wait3A_673 = tpu.memref_slice %arg7[%add3A_587] : memref<2097152xf32, #tpu.memory_space<hbm>> -> memref<8192xf32, #tpu.memory_space<hbm>>
      %dma_wait3A_674 = tpu.memref_slice %arg7[%add3A_587] : memref<2097152xf32, #tpu.memory_space<hbm>> -> memref<8192xf32, #tpu.memory_space<hbm>>
      %dma_wait3A_675 = arith.constant 0 : i32
      %dma_wait3A_676 = tpu.memref_slice %arg11[%run_scoped3A_589, %dma_wait3A_675] : memref<3x8192xf32, #tpu.memory_space<vmem>> -> memref<1x8192xf32, #tpu.memory_space<vmem>>
      %dma_wait3A_677 = tpu.memref_squeeze %dma_wait3A_676 : memref<1x8192xf32, #tpu.memory_space<vmem>> -> memref<8192xf32, #tpu.memory_space<vmem>>
      tpu.wait_dma2 semaphore(%run_scoped3A_661 : memref<!tpu.dma_semaphore, #tpu.memory_space<semaphore_mem>>) src(%dma_wait3A_677 : memref<8192xf32, #tpu.memory_space<vmem>>) dst(%dma_wait3A_674 : memref<8192xf32, #tpu.memory_space<hbm>>)
      tpu.yield
    }) : () -> ()
    %run_scoped3A_590 = arith.constant 2 : i32
    "tpu.region"() ({
      %run_scoped3A_661 = tpu.sem_alloc : memref<!tpu.dma_semaphore, #tpu.memory_space<semaphore_mem>>
      %dma_start3A_662 = arith.constant 0 : i32
      %dma_start3A_663 = tpu.memref_slice %arg12[%run_scoped3A_590, %dma_start3A_662] : memref<3x8192xf32, #tpu.memory_space<vmem>> -> memref<1x8192xf32, #tpu.memory_space<vmem>>
      %dma_start3A_664 = tpu.memref_squeeze %dma_start3A_663 : memref<1x8192xf32, #tpu.memory_space<vmem>> -> memref<8192xf32, #tpu.memory_space<vmem>>
      %dma_start3A_665 = tpu.memref_slice %arg8[%add3A_587] : memref<2097152xf32, #tpu.memory_space<hbm>> -> memref<8192xf32, #tpu.memory_space<hbm>>
      %dma_start3A_666 = tpu.memref_slice %arg8[%add3A_587] : memref<2097152xf32, #tpu.memory_space<hbm>> -> memref<8192xf32, #tpu.memory_space<hbm>>
      %dma_start3A_667 = arith.constant 0 : i32
      %dma_start3A_668 = tpu.memref_slice %arg12[%run_scoped3A_590, %dma_start3A_667] : memref<3x8192xf32, #tpu.memory_space<vmem>> -> memref<1x8192xf32, #tpu.memory_space<vmem>>
      %dma_start3A_669 = tpu.memref_squeeze %dma_start3A_668 : memref<1x8192xf32, #tpu.memory_space<vmem>> -> memref<8192xf32, #tpu.memory_space<vmem>>
      tpu.enqueue_dma source(%dma_start3A_669 : memref<8192xf32, #tpu.memory_space<vmem>>) target(%dma_start3A_666 : memref<8192xf32, #tpu.memory_space<hbm>>) target_semaphore(%run_scoped3A_661 : memref<!tpu.dma_semaphore, #tpu.memory_space<semaphore_mem>>)
      %dma_wait3A_670 = arith.constant 0 : i32
      %dma_wait3A_671 = tpu.memref_slice %arg12[%run_scoped3A_590, %dma_wait3A_670] : memref<3x8192xf32, #tpu.memory_space<vmem>> -> memref<1x8192xf32, #tpu.memory_space<vmem>>
      %dma_wait3A_672 = tpu.memref_squeeze %dma_wait3A_671 : memref<1x8192xf32, #tpu.memory_space<vmem>> -> memref<8192xf32, #tpu.memory_space<vmem>>
      %dma_wait3A_673 = tpu.memref_slice %arg8[%add3A_587] : memref<2097152xf32, #tpu.memory_space<hbm>> -> memref<8192xf32, #tpu.memory_space<hbm>>
      %dma_wait3A_674 = tpu.memref_slice %arg8[%add3A_587] : memref<2097152xf32, #tpu.memory_space<hbm>> -> memref<8192xf32, #tpu.memory_space<hbm>>
      %dma_wait3A_675 = arith.constant 0 : i32
      %dma_wait3A_676 = tpu.memref_slice %arg12[%run_scoped3A_590, %dma_wait3A_675] : memref<3x8192xf32, #tpu.memory_space<vmem>> -> memref<1x8192xf32, #tpu.memory_space<vmem>>
      %dma_wait3A_677 = tpu.memref_squeeze %dma_wait3A_676 : memref<1x8192xf32, #tpu.memory_space<vmem>> -> memref<8192xf32, #tpu.memory_space<vmem>>
      tpu.wait_dma2 semaphore(%run_scoped3A_661 : memref<!tpu.dma_semaphore, #tpu.memory_space<semaphore_mem>>) src(%dma_wait3A_677 : memref<8192xf32, #tpu.memory_space<vmem>>) dst(%dma_wait3A_674 : memref<8192xf32, #tpu.memory_space<hbm>>)
      tpu.yield
    }) : () -> ()
    %dma_wait3A_591 = arith.constant 0 : i32
    %dma_wait3A_592 = arith.constant 0 : i32
    %dma_wait3A_593 = arith.constant 0 : i32
    %dma_wait3A_594 = tpu.memref_slice %arg10[%dma_wait3A_592, %dma_wait3A_593] : memref<3x8192xf32, #tpu.memory_space<vmem>> -> memref<1x8192xf32, #tpu.memory_space<vmem>>
    %dma_wait3A_595 = tpu.memref_squeeze %dma_wait3A_594 : memref<1x8192xf32, #tpu.memory_space<vmem>> -> memref<8192xf32, #tpu.memory_space<vmem>>
    %dma_wait3A_596 = arith.constant 0 : i32
    %dma_wait3A_597 = tpu.memref_slice %arg9[%dma_wait3A_591, %dma_wait3A_596] : memref<3x8192xi32, #tpu.memory_space<vmem>> -> memref<1x8192xi32, #tpu.memory_space<vmem>>
    %dma_wait3A_598 = tpu.memref_squeeze %dma_wait3A_597 : memref<1x8192xi32, #tpu.memory_space<vmem>> -> memref<8192xi32, #tpu.memory_space<vmem>>
    %dma_wait3A_599 = arith.constant 0 : i32
    %dma_wait3A_600 = tpu.memref_slice %arg3[%dma_wait3A_599] : memref<4194304xf32, #tpu.memory_space<hbm>> -> memref<4194304xf32, #tpu.memory_space<hbm>>
    tpu.wait_indirect_dma semaphore(%arg13 : memref<!tpu.dma_semaphore, #tpu.memory_space<semaphore_mem>>) src(%dma_wait3A_600 : memref<4194304xf32, #tpu.memory_space<hbm>>) dst(%dma_wait3A_595 : memref<8192xf32, #tpu.memory_space<vmem>>)
    %dma_wait3A_601 = arith.constant 0 : i32
    %dma_wait3A_602 = arith.constant 0 : i32
    %dma_wait3A_603 = arith.constant 0 : i32
    %dma_wait3A_604 = tpu.memref_slice %arg11[%dma_wait3A_602, %dma_wait3A_603] : memref<3x8192xf32, #tpu.memory_space<vmem>> -> memref<1x8192xf32, #tpu.memory_space<vmem>>
    %dma_wait3A_605 = tpu.memref_squeeze %dma_wait3A_604 : memref<1x8192xf32, #tpu.memory_space<vmem>> -> memref<8192xf32, #tpu.memory_space<vmem>>
    %dma_wait3A_606 = arith.constant 0 : i32
    %dma_wait3A_607 = tpu.memref_slice %arg9[%dma_wait3A_601, %dma_wait3A_606] : memref<3x8192xi32, #tpu.memory_space<vmem>> -> memref<1x8192xi32, #tpu.memory_space<vmem>>
    %dma_wait3A_608 = tpu.memref_squeeze %dma_wait3A_607 : memref<1x8192xi32, #tpu.memory_space<vmem>> -> memref<8192xi32, #tpu.memory_space<vmem>>
    %dma_wait3A_609 = arith.constant 0 : i32
    %dma_wait3A_610 = tpu.memref_slice %arg4[%dma_wait3A_609] : memref<4194304xf32, #tpu.memory_space<hbm>> -> memref<4194304xf32, #tpu.memory_space<hbm>>
    tpu.wait_indirect_dma semaphore(%arg13 : memref<!tpu.dma_semaphore, #tpu.memory_space<semaphore_mem>>) src(%dma_wait3A_610 : memref<4194304xf32, #tpu.memory_space<hbm>>) dst(%dma_wait3A_605 : memref<8192xf32, #tpu.memory_space<vmem>>)
    %dma_wait3A_611 = arith.constant 0 : i32
    %dma_wait3A_612 = arith.constant 0 : i32
    %dma_wait3A_613 = arith.constant 0 : i32
    %dma_wait3A_614 = tpu.memref_slice %arg12[%dma_wait3A_612, %dma_wait3A_613] : memref<3x8192xf32, #tpu.memory_space<vmem>> -> memref<1x8192xf32, #tpu.memory_space<vmem>>
    %dma_wait3A_615 = tpu.memref_squeeze %dma_wait3A_614 : memref<1x8192xf32, #tpu.memory_space<vmem>> -> memref<8192xf32, #tpu.memory_space<vmem>>
    %dma_wait3A_616 = arith.constant 0 : i32
    %dma_wait3A_617 = tpu.memref_slice %arg9[%dma_wait3A_611, %dma_wait3A_616] : memref<3x8192xi32, #tpu.memory_space<vmem>> -> memref<1x8192xi32, #tpu.memory_space<vmem>>
    %dma_wait3A_618 = tpu.memref_squeeze %dma_wait3A_617 : memref<1x8192xi32, #tpu.memory_space<vmem>> -> memref<8192xi32, #tpu.memory_space<vmem>>
    %dma_wait3A_619 = arith.constant 0 : i32
    %dma_wait3A_620 = tpu.memref_slice %arg5[%dma_wait3A_619] : memref<4194304xf32, #tpu.memory_space<hbm>> -> memref<4194304xf32, #tpu.memory_space<hbm>>
    tpu.wait_indirect_dma semaphore(%arg13 : memref<!tpu.dma_semaphore, #tpu.memory_space<semaphore_mem>>) src(%dma_wait3A_620 : memref<4194304xf32, #tpu.memory_space<hbm>>) dst(%dma_wait3A_615 : memref<8192xf32, #tpu.memory_space<vmem>>)
    %add3A_621 = arith.constant 49152 : i32
    %add3A_622 = arith.addi %mul3A_2, %add3A_621 : i32
    %run_scoped3A_623 = arith.constant 0 : i32
    "tpu.region"() ({
      %run_scoped3A_661 = tpu.sem_alloc : memref<!tpu.dma_semaphore, #tpu.memory_space<semaphore_mem>>
      %dma_start3A_662 = arith.constant 0 : i32
      %dma_start3A_663 = tpu.memref_slice %arg10[%run_scoped3A_623, %dma_start3A_662] : memref<3x8192xf32, #tpu.memory_space<vmem>> -> memref<1x8192xf32, #tpu.memory_space<vmem>>
      %dma_start3A_664 = tpu.memref_squeeze %dma_start3A_663 : memref<1x8192xf32, #tpu.memory_space<vmem>> -> memref<8192xf32, #tpu.memory_space<vmem>>
      %dma_start3A_665 = tpu.memref_slice %arg6[%add3A_622] : memref<2097152xf32, #tpu.memory_space<hbm>> -> memref<8192xf32, #tpu.memory_space<hbm>>
      %dma_start3A_666 = tpu.memref_slice %arg6[%add3A_622] : memref<2097152xf32, #tpu.memory_space<hbm>> -> memref<8192xf32, #tpu.memory_space<hbm>>
      %dma_start3A_667 = arith.constant 0 : i32
      %dma_start3A_668 = tpu.memref_slice %arg10[%run_scoped3A_623, %dma_start3A_667] : memref<3x8192xf32, #tpu.memory_space<vmem>> -> memref<1x8192xf32, #tpu.memory_space<vmem>>
      %dma_start3A_669 = tpu.memref_squeeze %dma_start3A_668 : memref<1x8192xf32, #tpu.memory_space<vmem>> -> memref<8192xf32, #tpu.memory_space<vmem>>
      tpu.enqueue_dma source(%dma_start3A_669 : memref<8192xf32, #tpu.memory_space<vmem>>) target(%dma_start3A_666 : memref<8192xf32, #tpu.memory_space<hbm>>) target_semaphore(%run_scoped3A_661 : memref<!tpu.dma_semaphore, #tpu.memory_space<semaphore_mem>>)
      %dma_wait3A_670 = arith.constant 0 : i32
      %dma_wait3A_671 = tpu.memref_slice %arg10[%run_scoped3A_623, %dma_wait3A_670] : memref<3x8192xf32, #tpu.memory_space<vmem>> -> memref<1x8192xf32, #tpu.memory_space<vmem>>
      %dma_wait3A_672 = tpu.memref_squeeze %dma_wait3A_671 : memref<1x8192xf32, #tpu.memory_space<vmem>> -> memref<8192xf32, #tpu.memory_space<vmem>>
      %dma_wait3A_673 = tpu.memref_slice %arg6[%add3A_622] : memref<2097152xf32, #tpu.memory_space<hbm>> -> memref<8192xf32, #tpu.memory_space<hbm>>
      %dma_wait3A_674 = tpu.memref_slice %arg6[%add3A_622] : memref<2097152xf32, #tpu.memory_space<hbm>> -> memref<8192xf32, #tpu.memory_space<hbm>>
      %dma_wait3A_675 = arith.constant 0 : i32
      %dma_wait3A_676 = tpu.memref_slice %arg10[%run_scoped3A_623, %dma_wait3A_675] : memref<3x8192xf32, #tpu.memory_space<vmem>> -> memref<1x8192xf32, #tpu.memory_space<vmem>>
      %dma_wait3A_677 = tpu.memref_squeeze %dma_wait3A_676 : memref<1x8192xf32, #tpu.memory_space<vmem>> -> memref<8192xf32, #tpu.memory_space<vmem>>
      tpu.wait_dma2 semaphore(%run_scoped3A_661 : memref<!tpu.dma_semaphore, #tpu.memory_space<semaphore_mem>>) src(%dma_wait3A_677 : memref<8192xf32, #tpu.memory_space<vmem>>) dst(%dma_wait3A_674 : memref<8192xf32, #tpu.memory_space<hbm>>)
      tpu.yield
    }) : () -> ()
    %run_scoped3A_624 = arith.constant 0 : i32
    "tpu.region"() ({
      %run_scoped3A_661 = tpu.sem_alloc : memref<!tpu.dma_semaphore, #tpu.memory_space<semaphore_mem>>
      %dma_start3A_662 = arith.constant 0 : i32
      %dma_start3A_663 = tpu.memref_slice %arg11[%run_scoped3A_624, %dma_start3A_662] : memref<3x8192xf32, #tpu.memory_space<vmem>> -> memref<1x8192xf32, #tpu.memory_space<vmem>>
      %dma_start3A_664 = tpu.memref_squeeze %dma_start3A_663 : memref<1x8192xf32, #tpu.memory_space<vmem>> -> memref<8192xf32, #tpu.memory_space<vmem>>
      %dma_start3A_665 = tpu.memref_slice %arg7[%add3A_622] : memref<2097152xf32, #tpu.memory_space<hbm>> -> memref<8192xf32, #tpu.memory_space<hbm>>
      %dma_start3A_666 = tpu.memref_slice %arg7[%add3A_622] : memref<2097152xf32, #tpu.memory_space<hbm>> -> memref<8192xf32, #tpu.memory_space<hbm>>
      %dma_start3A_667 = arith.constant 0 : i32
      %dma_start3A_668 = tpu.memref_slice %arg11[%run_scoped3A_624, %dma_start3A_667] : memref<3x8192xf32, #tpu.memory_space<vmem>> -> memref<1x8192xf32, #tpu.memory_space<vmem>>
      %dma_start3A_669 = tpu.memref_squeeze %dma_start3A_668 : memref<1x8192xf32, #tpu.memory_space<vmem>> -> memref<8192xf32, #tpu.memory_space<vmem>>
      tpu.enqueue_dma source(%dma_start3A_669 : memref<8192xf32, #tpu.memory_space<vmem>>) target(%dma_start3A_666 : memref<8192xf32, #tpu.memory_space<hbm>>) target_semaphore(%run_scoped3A_661 : memref<!tpu.dma_semaphore, #tpu.memory_space<semaphore_mem>>)
      %dma_wait3A_670 = arith.constant 0 : i32
      %dma_wait3A_671 = tpu.memref_slice %arg11[%run_scoped3A_624, %dma_wait3A_670] : memref<3x8192xf32, #tpu.memory_space<vmem>> -> memref<1x8192xf32, #tpu.memory_space<vmem>>
      %dma_wait3A_672 = tpu.memref_squeeze %dma_wait3A_671 : memref<1x8192xf32, #tpu.memory_space<vmem>> -> memref<8192xf32, #tpu.memory_space<vmem>>
      %dma_wait3A_673 = tpu.memref_slice %arg7[%add3A_622] : memref<2097152xf32, #tpu.memory_space<hbm>> -> memref<8192xf32, #tpu.memory_space<hbm>>
      %dma_wait3A_674 = tpu.memref_slice %arg7[%add3A_622] : memref<2097152xf32, #tpu.memory_space<hbm>> -> memref<8192xf32, #tpu.memory_space<hbm>>
      %dma_wait3A_675 = arith.constant 0 : i32
      %dma_wait3A_676 = tpu.memref_slice %arg11[%run_scoped3A_624, %dma_wait3A_675] : memref<3x8192xf32, #tpu.memory_space<vmem>> -> memref<1x8192xf32, #tpu.memory_space<vmem>>
      %dma_wait3A_677 = tpu.memref_squeeze %dma_wait3A_676 : memref<1x8192xf32, #tpu.memory_space<vmem>> -> memref<8192xf32, #tpu.memory_space<vmem>>
      tpu.wait_dma2 semaphore(%run_scoped3A_661 : memref<!tpu.dma_semaphore, #tpu.memory_space<semaphore_mem>>) src(%dma_wait3A_677 : memref<8192xf32, #tpu.memory_space<vmem>>) dst(%dma_wait3A_674 : memref<8192xf32, #tpu.memory_space<hbm>>)
      tpu.yield
    }) : () -> ()
    %run_scoped3A_625 = arith.constant 0 : i32
    "tpu.region"() ({
      %run_scoped3A_661 = tpu.sem_alloc : memref<!tpu.dma_semaphore, #tpu.memory_space<semaphore_mem>>
      %dma_start3A_662 = arith.constant 0 : i32
      %dma_start3A_663 = tpu.memref_slice %arg12[%run_scoped3A_625, %dma_start3A_662] : memref<3x8192xf32, #tpu.memory_space<vmem>> -> memref<1x8192xf32, #tpu.memory_space<vmem>>
      %dma_start3A_664 = tpu.memref_squeeze %dma_start3A_663 : memref<1x8192xf32, #tpu.memory_space<vmem>> -> memref<8192xf32, #tpu.memory_space<vmem>>
      %dma_start3A_665 = tpu.memref_slice %arg8[%add3A_622] : memref<2097152xf32, #tpu.memory_space<hbm>> -> memref<8192xf32, #tpu.memory_space<hbm>>
      %dma_start3A_666 = tpu.memref_slice %arg8[%add3A_622] : memref<2097152xf32, #tpu.memory_space<hbm>> -> memref<8192xf32, #tpu.memory_space<hbm>>
      %dma_start3A_667 = arith.constant 0 : i32
      %dma_start3A_668 = tpu.memref_slice %arg12[%run_scoped3A_625, %dma_start3A_667] : memref<3x8192xf32, #tpu.memory_space<vmem>> -> memref<1x8192xf32, #tpu.memory_space<vmem>>
      %dma_start3A_669 = tpu.memref_squeeze %dma_start3A_668 : memref<1x8192xf32, #tpu.memory_space<vmem>> -> memref<8192xf32, #tpu.memory_space<vmem>>
      tpu.enqueue_dma source(%dma_start3A_669 : memref<8192xf32, #tpu.memory_space<vmem>>) target(%dma_start3A_666 : memref<8192xf32, #tpu.memory_space<hbm>>) target_semaphore(%run_scoped3A_661 : memref<!tpu.dma_semaphore, #tpu.memory_space<semaphore_mem>>)
      %dma_wait3A_670 = arith.constant 0 : i32
      %dma_wait3A_671 = tpu.memref_slice %arg12[%run_scoped3A_625, %dma_wait3A_670] : memref<3x8192xf32, #tpu.memory_space<vmem>> -> memref<1x8192xf32, #tpu.memory_space<vmem>>
      %dma_wait3A_672 = tpu.memref_squeeze %dma_wait3A_671 : memref<1x8192xf32, #tpu.memory_space<vmem>> -> memref<8192xf32, #tpu.memory_space<vmem>>
      %dma_wait3A_673 = tpu.memref_slice %arg8[%add3A_622] : memref<2097152xf32, #tpu.memory_space<hbm>> -> memref<8192xf32, #tpu.memory_space<hbm>>
      %dma_wait3A_674 = tpu.memref_slice %arg8[%add3A_622] : memref<2097152xf32, #tpu.memory_space<hbm>> -> memref<8192xf32, #tpu.memory_space<hbm>>
      %dma_wait3A_675 = arith.constant 0 : i32
      %dma_wait3A_676 = tpu.memref_slice %arg12[%run_scoped3A_625, %dma_wait3A_675] : memref<3x8192xf32, #tpu.memory_space<vmem>> -> memref<1x8192xf32, #tpu.memory_space<vmem>>
      %dma_wait3A_677 = tpu.memref_squeeze %dma_wait3A_676 : memref<1x8192xf32, #tpu.memory_space<vmem>> -> memref<8192xf32, #tpu.memory_space<vmem>>
      tpu.wait_dma2 semaphore(%run_scoped3A_661 : memref<!tpu.dma_semaphore, #tpu.memory_space<semaphore_mem>>) src(%dma_wait3A_677 : memref<8192xf32, #tpu.memory_space<vmem>>) dst(%dma_wait3A_674 : memref<8192xf32, #tpu.memory_space<hbm>>)
      tpu.yield
    }) : () -> ()
    %dma_wait3A_626 = arith.constant 1 : i32
    %dma_wait3A_627 = arith.constant 1 : i32
    %dma_wait3A_628 = arith.constant 0 : i32
    %dma_wait3A_629 = tpu.memref_slice %arg10[%dma_wait3A_627, %dma_wait3A_628] : memref<3x8192xf32, #tpu.memory_space<vmem>> -> memref<1x8192xf32, #tpu.memory_space<vmem>>
    %dma_wait3A_630 = tpu.memref_squeeze %dma_wait3A_629 : memref<1x8192xf32, #tpu.memory_space<vmem>> -> memref<8192xf32, #tpu.memory_space<vmem>>
    %dma_wait3A_631 = arith.constant 0 : i32
    %dma_wait3A_632 = tpu.memref_slice %arg9[%dma_wait3A_626, %dma_wait3A_631] : memref<3x8192xi32, #tpu.memory_space<vmem>> -> memref<1x8192xi32, #tpu.memory_space<vmem>>
    %dma_wait3A_633 = tpu.memref_squeeze %dma_wait3A_632 : memref<1x8192xi32, #tpu.memory_space<vmem>> -> memref<8192xi32, #tpu.memory_space<vmem>>
    %dma_wait3A_634 = arith.constant 0 : i32
    %dma_wait3A_635 = tpu.memref_slice %arg3[%dma_wait3A_634] : memref<4194304xf32, #tpu.memory_space<hbm>> -> memref<4194304xf32, #tpu.memory_space<hbm>>
    tpu.wait_indirect_dma semaphore(%arg14 : memref<!tpu.dma_semaphore, #tpu.memory_space<semaphore_mem>>) src(%dma_wait3A_635 : memref<4194304xf32, #tpu.memory_space<hbm>>) dst(%dma_wait3A_630 : memref<8192xf32, #tpu.memory_space<vmem>>)
    %dma_wait3A_636 = arith.constant 1 : i32
    %dma_wait3A_637 = arith.constant 1 : i32
    %dma_wait3A_638 = arith.constant 0 : i32
    %dma_wait3A_639 = tpu.memref_slice %arg11[%dma_wait3A_637, %dma_wait3A_638] : memref<3x8192xf32, #tpu.memory_space<vmem>> -> memref<1x8192xf32, #tpu.memory_space<vmem>>
    %dma_wait3A_640 = tpu.memref_squeeze %dma_wait3A_639 : memref<1x8192xf32, #tpu.memory_space<vmem>> -> memref<8192xf32, #tpu.memory_space<vmem>>
    %dma_wait3A_641 = arith.constant 0 : i32
    %dma_wait3A_642 = tpu.memref_slice %arg9[%dma_wait3A_636, %dma_wait3A_641] : memref<3x8192xi32, #tpu.memory_space<vmem>> -> memref<1x8192xi32, #tpu.memory_space<vmem>>
    %dma_wait3A_643 = tpu.memref_squeeze %dma_wait3A_642 : memref<1x8192xi32, #tpu.memory_space<vmem>> -> memref<8192xi32, #tpu.memory_space<vmem>>
    %dma_wait3A_644 = arith.constant 0 : i32
    %dma_wait3A_645 = tpu.memref_slice %arg4[%dma_wait3A_644] : memref<4194304xf32, #tpu.memory_space<hbm>> -> memref<4194304xf32, #tpu.memory_space<hbm>>
    tpu.wait_indirect_dma semaphore(%arg14 : memref<!tpu.dma_semaphore, #tpu.memory_space<semaphore_mem>>) src(%dma_wait3A_645 : memref<4194304xf32, #tpu.memory_space<hbm>>) dst(%dma_wait3A_640 : memref<8192xf32, #tpu.memory_space<vmem>>)
    %dma_wait3A_646 = arith.constant 1 : i32
    %dma_wait3A_647 = arith.constant 1 : i32
    %dma_wait3A_648 = arith.constant 0 : i32
    %dma_wait3A_649 = tpu.memref_slice %arg12[%dma_wait3A_647, %dma_wait3A_648] : memref<3x8192xf32, #tpu.memory_space<vmem>> -> memref<1x8192xf32, #tpu.memory_space<vmem>>
    %dma_wait3A_650 = tpu.memref_squeeze %dma_wait3A_649 : memref<1x8192xf32, #tpu.memory_space<vmem>> -> memref<8192xf32, #tpu.memory_space<vmem>>
    %dma_wait3A_651 = arith.constant 0 : i32
    %dma_wait3A_652 = tpu.memref_slice %arg9[%dma_wait3A_646, %dma_wait3A_651] : memref<3x8192xi32, #tpu.memory_space<vmem>> -> memref<1x8192xi32, #tpu.memory_space<vmem>>
    %dma_wait3A_653 = tpu.memref_squeeze %dma_wait3A_652 : memref<1x8192xi32, #tpu.memory_space<vmem>> -> memref<8192xi32, #tpu.memory_space<vmem>>
    %dma_wait3A_654 = arith.constant 0 : i32
    %dma_wait3A_655 = tpu.memref_slice %arg5[%dma_wait3A_654] : memref<4194304xf32, #tpu.memory_space<hbm>> -> memref<4194304xf32, #tpu.memory_space<hbm>>
    tpu.wait_indirect_dma semaphore(%arg14 : memref<!tpu.dma_semaphore, #tpu.memory_space<semaphore_mem>>) src(%dma_wait3A_655 : memref<4194304xf32, #tpu.memory_space<hbm>>) dst(%dma_wait3A_650 : memref<8192xf32, #tpu.memory_space<vmem>>)
    %add3A_656 = arith.constant 57344 : i32
    %add3A_657 = arith.addi %mul3A_2, %add3A_656 : i32
    %run_scoped3A_658 = arith.constant 1 : i32
    "tpu.region"() ({
      %run_scoped3A_661 = tpu.sem_alloc : memref<!tpu.dma_semaphore, #tpu.memory_space<semaphore_mem>>
      %dma_start3A_662 = arith.constant 0 : i32
      %dma_start3A_663 = tpu.memref_slice %arg10[%run_scoped3A_658, %dma_start3A_662] : memref<3x8192xf32, #tpu.memory_space<vmem>> -> memref<1x8192xf32, #tpu.memory_space<vmem>>
      %dma_start3A_664 = tpu.memref_squeeze %dma_start3A_663 : memref<1x8192xf32, #tpu.memory_space<vmem>> -> memref<8192xf32, #tpu.memory_space<vmem>>
      %dma_start3A_665 = tpu.memref_slice %arg6[%add3A_657] : memref<2097152xf32, #tpu.memory_space<hbm>> -> memref<8192xf32, #tpu.memory_space<hbm>>
      %dma_start3A_666 = tpu.memref_slice %arg6[%add3A_657] : memref<2097152xf32, #tpu.memory_space<hbm>> -> memref<8192xf32, #tpu.memory_space<hbm>>
      %dma_start3A_667 = arith.constant 0 : i32
      %dma_start3A_668 = tpu.memref_slice %arg10[%run_scoped3A_658, %dma_start3A_667] : memref<3x8192xf32, #tpu.memory_space<vmem>> -> memref<1x8192xf32, #tpu.memory_space<vmem>>
      %dma_start3A_669 = tpu.memref_squeeze %dma_start3A_668 : memref<1x8192xf32, #tpu.memory_space<vmem>> -> memref<8192xf32, #tpu.memory_space<vmem>>
      tpu.enqueue_dma source(%dma_start3A_669 : memref<8192xf32, #tpu.memory_space<vmem>>) target(%dma_start3A_666 : memref<8192xf32, #tpu.memory_space<hbm>>) target_semaphore(%run_scoped3A_661 : memref<!tpu.dma_semaphore, #tpu.memory_space<semaphore_mem>>)
      %dma_wait3A_670 = arith.constant 0 : i32
      %dma_wait3A_671 = tpu.memref_slice %arg10[%run_scoped3A_658, %dma_wait3A_670] : memref<3x8192xf32, #tpu.memory_space<vmem>> -> memref<1x8192xf32, #tpu.memory_space<vmem>>
      %dma_wait3A_672 = tpu.memref_squeeze %dma_wait3A_671 : memref<1x8192xf32, #tpu.memory_space<vmem>> -> memref<8192xf32, #tpu.memory_space<vmem>>
      %dma_wait3A_673 = tpu.memref_slice %arg6[%add3A_657] : memref<2097152xf32, #tpu.memory_space<hbm>> -> memref<8192xf32, #tpu.memory_space<hbm>>
      %dma_wait3A_674 = tpu.memref_slice %arg6[%add3A_657] : memref<2097152xf32, #tpu.memory_space<hbm>> -> memref<8192xf32, #tpu.memory_space<hbm>>
      %dma_wait3A_675 = arith.constant 0 : i32
      %dma_wait3A_676 = tpu.memref_slice %arg10[%run_scoped3A_658, %dma_wait3A_675] : memref<3x8192xf32, #tpu.memory_space<vmem>> -> memref<1x8192xf32, #tpu.memory_space<vmem>>
      %dma_wait3A_677 = tpu.memref_squeeze %dma_wait3A_676 : memref<1x8192xf32, #tpu.memory_space<vmem>> -> memref<8192xf32, #tpu.memory_space<vmem>>
      tpu.wait_dma2 semaphore(%run_scoped3A_661 : memref<!tpu.dma_semaphore, #tpu.memory_space<semaphore_mem>>) src(%dma_wait3A_677 : memref<8192xf32, #tpu.memory_space<vmem>>) dst(%dma_wait3A_674 : memref<8192xf32, #tpu.memory_space<hbm>>)
      tpu.yield
    }) : () -> ()
    %run_scoped3A_659 = arith.constant 1 : i32
    "tpu.region"() ({
      %run_scoped3A_661 = tpu.sem_alloc : memref<!tpu.dma_semaphore, #tpu.memory_space<semaphore_mem>>
      %dma_start3A_662 = arith.constant 0 : i32
      %dma_start3A_663 = tpu.memref_slice %arg11[%run_scoped3A_659, %dma_start3A_662] : memref<3x8192xf32, #tpu.memory_space<vmem>> -> memref<1x8192xf32, #tpu.memory_space<vmem>>
      %dma_start3A_664 = tpu.memref_squeeze %dma_start3A_663 : memref<1x8192xf32, #tpu.memory_space<vmem>> -> memref<8192xf32, #tpu.memory_space<vmem>>
      %dma_start3A_665 = tpu.memref_slice %arg7[%add3A_657] : memref<2097152xf32, #tpu.memory_space<hbm>> -> memref<8192xf32, #tpu.memory_space<hbm>>
      %dma_start3A_666 = tpu.memref_slice %arg7[%add3A_657] : memref<2097152xf32, #tpu.memory_space<hbm>> -> memref<8192xf32, #tpu.memory_space<hbm>>
      %dma_start3A_667 = arith.constant 0 : i32
      %dma_start3A_668 = tpu.memref_slice %arg11[%run_scoped3A_659, %dma_start3A_667] : memref<3x8192xf32, #tpu.memory_space<vmem>> -> memref<1x8192xf32, #tpu.memory_space<vmem>>
      %dma_start3A_669 = tpu.memref_squeeze %dma_start3A_668 : memref<1x8192xf32, #tpu.memory_space<vmem>> -> memref<8192xf32, #tpu.memory_space<vmem>>
      tpu.enqueue_dma source(%dma_start3A_669 : memref<8192xf32, #tpu.memory_space<vmem>>) target(%dma_start3A_666 : memref<8192xf32, #tpu.memory_space<hbm>>) target_semaphore(%run_scoped3A_661 : memref<!tpu.dma_semaphore, #tpu.memory_space<semaphore_mem>>)
      %dma_wait3A_670 = arith.constant 0 : i32
      %dma_wait3A_671 = tpu.memref_slice %arg11[%run_scoped3A_659, %dma_wait3A_670] : memref<3x8192xf32, #tpu.memory_space<vmem>> -> memref<1x8192xf32, #tpu.memory_space<vmem>>
      %dma_wait3A_672 = tpu.memref_squeeze %dma_wait3A_671 : memref<1x8192xf32, #tpu.memory_space<vmem>> -> memref<8192xf32, #tpu.memory_space<vmem>>
      %dma_wait3A_673 = tpu.memref_slice %arg7[%add3A_657] : memref<2097152xf32, #tpu.memory_space<hbm>> -> memref<8192xf32, #tpu.memory_space<hbm>>
      %dma_wait3A_674 = tpu.memref_slice %arg7[%add3A_657] : memref<2097152xf32, #tpu.memory_space<hbm>> -> memref<8192xf32, #tpu.memory_space<hbm>>
      %dma_wait3A_675 = arith.constant 0 : i32
      %dma_wait3A_676 = tpu.memref_slice %arg11[%run_scoped3A_659, %dma_wait3A_675] : memref<3x8192xf32, #tpu.memory_space<vmem>> -> memref<1x8192xf32, #tpu.memory_space<vmem>>
      %dma_wait3A_677 = tpu.memref_squeeze %dma_wait3A_676 : memref<1x8192xf32, #tpu.memory_space<vmem>> -> memref<8192xf32, #tpu.memory_space<vmem>>
      tpu.wait_dma2 semaphore(%run_scoped3A_661 : memref<!tpu.dma_semaphore, #tpu.memory_space<semaphore_mem>>) src(%dma_wait3A_677 : memref<8192xf32, #tpu.memory_space<vmem>>) dst(%dma_wait3A_674 : memref<8192xf32, #tpu.memory_space<hbm>>)
      tpu.yield
    }) : () -> ()
    %run_scoped3A_660 = arith.constant 1 : i32
    "tpu.region"() ({
      %run_scoped3A_661 = tpu.sem_alloc : memref<!tpu.dma_semaphore, #tpu.memory_space<semaphore_mem>>
      %dma_start3A_662 = arith.constant 0 : i32
      %dma_start3A_663 = tpu.memref_slice %arg12[%run_scoped3A_660, %dma_start3A_662] : memref<3x8192xf32, #tpu.memory_space<vmem>> -> memref<1x8192xf32, #tpu.memory_space<vmem>>
      %dma_start3A_664 = tpu.memref_squeeze %dma_start3A_663 : memref<1x8192xf32, #tpu.memory_space<vmem>> -> memref<8192xf32, #tpu.memory_space<vmem>>
      %dma_start3A_665 = tpu.memref_slice %arg8[%add3A_657] : memref<2097152xf32, #tpu.memory_space<hbm>> -> memref<8192xf32, #tpu.memory_space<hbm>>
      %dma_start3A_666 = tpu.memref_slice %arg8[%add3A_657] : memref<2097152xf32, #tpu.memory_space<hbm>> -> memref<8192xf32, #tpu.memory_space<hbm>>
      %dma_start3A_667 = arith.constant 0 : i32
      %dma_start3A_668 = tpu.memref_slice %arg12[%run_scoped3A_660, %dma_start3A_667] : memref<3x8192xf32, #tpu.memory_space<vmem>> -> memref<1x8192xf32, #tpu.memory_space<vmem>>
      %dma_start3A_669 = tpu.memref_squeeze %dma_start3A_668 : memref<1x8192xf32, #tpu.memory_space<vmem>> -> memref<8192xf32, #tpu.memory_space<vmem>>
      tpu.enqueue_dma source(%dma_start3A_669 : memref<8192xf32, #tpu.memory_space<vmem>>) target(%dma_start3A_666 : memref<8192xf32, #tpu.memory_space<hbm>>) target_semaphore(%run_scoped3A_661 : memref<!tpu.dma_semaphore, #tpu.memory_space<semaphore_mem>>)
      %dma_wait3A_670 = arith.constant 0 : i32
      %dma_wait3A_671 = tpu.memref_slice %arg12[%run_scoped3A_660, %dma_wait3A_670] : memref<3x8192xf32, #tpu.memory_space<vmem>> -> memref<1x8192xf32, #tpu.memory_space<vmem>>
      %dma_wait3A_672 = tpu.memref_squeeze %dma_wait3A_671 : memref<1x8192xf32, #tpu.memory_space<vmem>> -> memref<8192xf32, #tpu.memory_space<vmem>>
      %dma_wait3A_673 = tpu.memref_slice %arg8[%add3A_657] : memref<2097152xf32, #tpu.memory_space<hbm>> -> memref<8192xf32, #tpu.memory_space<hbm>>
      %dma_wait3A_674 = tpu.memref_slice %arg8[%add3A_657] : memref<2097152xf32, #tpu.memory_space<hbm>> -> memref<8192xf32, #tpu.memory_space<hbm>>
      %dma_wait3A_675 = arith.constant 0 : i32
      %dma_wait3A_676 = tpu.memref_slice %arg12[%run_scoped3A_660, %dma_wait3A_675] : memref<3x8192xf32, #tpu.memory_space<vmem>> -> memref<1x8192xf32, #tpu.memory_space<vmem>>
      %dma_wait3A_677 = tpu.memref_squeeze %dma_wait3A_676 : memref<1x8192xf32, #tpu.memory_space<vmem>> -> memref<8192xf32, #tpu.memory_space<vmem>>
      tpu.wait_dma2 semaphore(%run_scoped3A_661 : memref<!tpu.dma_semaphore, #tpu.memory_space<semaphore_mem>>) src(%dma_wait3A_677 : memref<8192xf32, #tpu.memory_space<vmem>>) dst(%dma_wait3A_674 : memref<8192xf32, #tpu.memory_space<hbm>>)
      tpu.yield
    }) : () -> ()
    return
  }
}

</mosaic_0001>

<sc_bundles>
// kernel: kernel.3.cloned.1.call-start
scs
__scs_entry_jumppad:
0x0: {  	(pc) =	sbr.rel $0x88, $3  }
0x1: {  	(tag) =	ssettag $0x0;
	lr =	simm.s32 $0x1  }
0x2: {  	[smem:$0x3F9E] =	sst lr;
	_ =	strace $0xD0000000  }
0x3: {  	_ = 	snop  }
0x4: {  	_ = 	snop  }
0x5: {  	_ = 	snop  }
0x6: {  	_ = 	snop  }
0x7: {  	_ = 	snop  }
__scs_overlays_trampoline_lowered:
0x8: {  	[smem:$0x3FAD] =	sst s0  }
0x9: {  	[smem:$0x3FAE] =	sst s1  }
0xa: {  	[smem:$0x3FAF] =	sst s2  }
0xb: {  	[smem:$0x3FB0] =	sst s3  }
0xc: {  	[smem:$0x3FB1] =	sst s4  }
0xd: {  	[smem:$0x3FB2] =	sst s5  }
0xe: {  	[smem:$0x3FB3] =	sst s6  }
0xf: {  	[smem:$0x3FB4] =	sst s7  }
0x10: {  	[smem:$0x3FB5] =	sst s8  }
0x11: {  	[smem:$0x3FB6] =	sst s9;
	s0 =	simm.s32 @!p0 $0x0  }
0x12: {  	s1 =	sld [smem:$0x3F9C];
	s0 =	simm.s32 @p0 $0x1  }
0x13: {  	[smem:$0x3FB7] =	sst s0;
	s0 =	simm.s32 @!p1 $0x0  }
0x14: {  	s2 =	sld [smem:$0x3F9B];
	s0 =	simm.s32 @p1 $0x1  }
0x15: {  	[smem:$0x3FB8] =	sst s0;
	s0 =	simm.s32 @!p2 $0x0  }
0x16: {  	s3 =	sld [smem:$0x3FDB];
	s0 =	simm.s32 @p2 $0x1  }
0x17: {  	s4 =	simm.s32 $0x1BF5;
	[smem:$0x3FBA] =	sst s0  }
0x18: {  	s0 =	sld [smem:$0x3F9D];
	_ =	swait.ge [sflag:s4], $0x0  }
0x19: {  	s7 =	sld [smem:$0x3F9E]  }
0x1a: {  	s8 =	sadd.s32 $0xFFFFE003, lr  }
0x1b: {  	s9 =	sadd.s32 $0xFFFFFEF7, lr;
	s5 =	simm.s32 $0xFFFFFFFF;
	p2 =	slt.u32 s8, $0xFFFFF086  }
0x1c: {  	p1 =	slt.u32 s9, $0xF7A;
	s5 =	simm.s32 @!p2 $0x0  }
0x1d: {  	s5 =	simm.s32 @p1 $0x1;
	p0 =	seq.s32 s7, s2  }
0x1e: {  	s7 =	smul.u32 @!p0 $0xF7A, s2;
	p2 =	seq.s32 @!p0 s5, $0x0  }
0x1f: {  	s9 =	smul.u32 $0xF7A, s1;
	s8 =	simm.s32 @!p0 $0x1BF5;
	p2 =	por !p2, p0  }
0x20: {  	[sflag:s8] =	ssyncset.s32 @!p0 $0xFFFFF086;
	s6 =	sadd.s32 @!p0 s3, s7;
	s7 =	simm.s32 @!p0 $0x108  }
0x21: {  	s3 =	sadd.s32 s3, s9;
	s6 =	sadd.s32 @!p0 $0x88, s6;
	s7 =	simm.s32 @p2 $0x1082  }
0x22: {  	[simem:s7], [sflag:s8] =	dma.local @!p0 [hbm:s6], $0xF7A  }
0x23: {  	s9 =	sor.u32 $0xD0000000, s2;
	s6 =	simm.s32 $0x108;
	_ =	swait.ge @!p0 [sflag:s8], $0x0  }
0x24: {  	s3 =	sadd.s32 $0x88, s3;
	s6 =	simm.s32 @!p1 $0x1082;
	[sflag:s4] =	ssyncset.s32 $0xFFFFF086  }
0x25: {  	[simem:s6], [sflag:s4] =	dma.local [hbm:s3], $0xF7A  }
0x26: {  	[smem:$0x3F9E] =	sst s1;
	(tag) =	ssettag s2;
	_ =	strace s9  }
0x27: {  	s1 =	sld [smem:$0x3FAE]  }
0x28: {  	s2 =	sld [smem:$0x3FAF]  }
0x29: {  	s4 =	sld [smem:$0x3FB1]  }
0x2a: {  	p0 =	seq.s32 s5, $0x0;
	s5 =	sld [smem:$0x3FB2]  }
0x2b: {  	s6 =	sld [smem:$0x3FB3]  }
0x2c: {  	s7 =	sld [smem:$0x3FB4]  }
0x2d: {  	s3 =	simm.s32 $0x108;
	s8 =	sld [smem:$0x3FB5]  }
0x2e: {  	s3 =	simm.s32 @!p0 $0x1082;
	s9 =	sld [smem:$0x3FB6]  }
0x2f: {  	lr =	sadd.s32 s0, s3;
	s0 =	sld [smem:$0x3FAD]  }
0x30: {  	s3 =	sld [smem:$0x3FB0]  }
0x31: {  	[smem:$0x3FB9] =	sst s10  }
0x32: {  	s10 =	sld [smem:$0x3FB7];
	_ =	sdelay $0x3  }
0x33: {  	p0 =	seq.s32 s10, $0x1;
	s10 =	sld [smem:$0x3FB9];
	_ =	sdelay $0x3  }
0x34: {  	[smem:$0x3FB9] =	sst s10  }
0x35: {  	s10 =	sld [smem:$0x3FB8];
	_ =	sdelay $0x3  }
0x36: {  	p1 =	seq.s32 s10, $0x1;
	s10 =	sld [smem:$0x3FB9];
	_ =	sdelay $0x3  }
0x37: {  	[smem:$0x3FB9] =	sst s10  }
0x38: {  	s10 =	sld [smem:$0x3FBA]  }
0x39: {  	_ = 	snop;
	(pc) =	sbr.ind lr, $3  }
0x3a: {  	_ = 	snop  }
0x3b: {  	_ = 	snop  }
0x3c: {  	p2 =	seq.s32 s10, $0x1;
	s10 =	sld [smem:$0x3FB9]  }
0x3d: {  	_ =	shalt  }
0x3e: {  	_ =	shalt  }
0x3f: {  	_ =	shalt  }
0x40: {  	_ =	shalt  }
0x41: {  	_ =	shalt  }
0x42: {  	_ =	shalt  }
0x43: {  	_ =	shalt  }
0x44: {  	_ =	shalt  }
0x45: {  	_ =	shalt  }
0x46: {  	_ =	shalt  }
0x47: {  	_ =	shalt  }
0x48: {  	_ =	shalt  }
0x49: {  	_ =	shalt  }
0x4a: {  	_ =	shalt  }
0x4b: {  	_ =	shalt  }
0x4c: {  	_ =	shalt  }
0x4d: {  	_ =	shalt  }
0x4e: {  	_ =	shalt  }
0x4f: {  	_ =	shalt  }
0x50: {  	_ =	shalt  }
0x51: {  	_ =	shalt  }
0x52: {  	_ =	shalt  }
0x53: {  	_ =	shalt  }
0x54: {  	_ =	shalt  }
0x55: {  	_ =	shalt  }
0x56: {  	_ =	shalt  }
0x57: {  	_ =	shalt  }
0x58: {  	_ =	shalt  }
0x59: {  	_ =	shalt  }
0x5a: {  	_ =	shalt  }
0x5b: {  	_ =	shalt  }
0x5c: {  	_ =	shalt  }
0x5d: {  	_ =	shalt  }
0x5e: {  	_ =	shalt  }
0x5f: {  	_ =	shalt  }
0x60: {  	_ =	shalt  }
0x61: {  	_ =	shalt  }
0x62: {  	_ =	shalt  }
0x63: {  	_ =	shalt  }
0x64: {  	_ =	shalt  }
0x65: {  	_ =	shalt  }
0x66: {  	_ =	shalt  }
0x67: {  	_ =	shalt  }
0x68: {  	_ =	shalt  }
0x69: {  	_ =	shalt  }
0x6a: {  	_ =	shalt  }
0x6b: {  	_ =	shalt  }
0x6c: {  	_ =	shalt  }
0x6d: {  	_ =	shalt  }
0x6e: {  	_ =	shalt  }
0x6f: {  	_ =	shalt  }
0x70: {  	_ =	shalt  }
0x71: {  	_ =	shalt  }
0x72: {  	_ =	shalt  }
0x73: {  	_ =	shalt  }
0x74: {  	_ =	shalt  }
0x75: {  	_ =	shalt  }
0x76: {  	_ =	shalt  }
0x77: {  	_ =	shalt  }
0x78: {  	_ =	shalt  }
0x79: {  	_ =	shalt  }
0x7a: {  	_ =	shalt  }
0x7b: {  	_ =	shalt  }
0x7c: {  	_ =	shalt  }
0x7d: {  	_ =	shalt  }
0x7e: {  	_ =	shalt  }
0x7f: {  	_ =	shalt  }
0x80: {  	_ =	shalt  }
0x81: {  	_ =	shalt  }
0x82: {  	_ =	shalt  }
0x83: {  	_ =	shalt  }
0x84: {  	_ =	shalt  }
0x85: {  	_ =	shalt  }
0x86: {  	_ =	shalt  }
0x87: {  	_ =	shalt  }
.Lfunc_end0:
.L_simem_size_0:
called_computation_lowered:
.L_overlay_start_0:
0x88: {  	s2 =	sld [smem:$0x3FD9]  }
0x89: {  	s3 =	sld [smem:$0x3FFE];
	_ =	sdelay $0x1  }
0x8a: {  	s1 =	srdreg.scid  }
0x8b: {  	s0 =	sand.u32 $0x1, s1  }
0x8c: {  	s17 =	sshll.u32 s0, $0xA;
	s2 =	sadd.s32 s3, s2  }
0x8d: {  	s2 =	sadd.s32 s2, s17  }
0x8e: {  	[smem:$0x3FC5] =	sst s2  }
0x8f: {  	_ = 	snop  }
0x90: {  	s2 =	sld [smem:$0x3FD0];
	(tm) =	ssettm $0x1  }
0x91: {  	s18 =	sld [smem:$0x3FFB];
	_ =	sdelay $0x3  }
0x92: {  	_ =	strace s18  }
0x93: {  	s3 =	sld [smem:$0x3FFC];
	_ =	sdelay $0x3  }
0x94: {  	_ =	strace s3  }
0x95: {  	s3 =	sld [smem:$0x3FFD];
	_ =	sdelay $0x3  }
0x96: {  	_ =	strace s3  }
0x97: {  	_ =	strace $0x8FFFFFFF  }
0x98: {  	s19 =	sld [smem:$0x3FDB];
	_ =	sdelay $0x1  }
0x99: {  	s4 =	simm.s32 $_scs_section_size  }
0x9a: {  	s5 =	simm.s32 $_size__tile_overlayer_lowered;
	s6 =	simm.s32 $_tile_overlayer_lowered  }
0x9b: {  	s22 =	simm.s32 $0x1BFF;
	s21 =	sshll.u32 s6, $0x1;
	s3 =	sadd.s32 s4, s19  }
0x9c: {  	s7 =	simm.s32 $0x0;
	s20 =	sshll.u32 s5, $0x1;
	s5 =	sadd.s32 s21, s3  }
0x9d: {  	[timem:s7], [sflag:s22] =	dma.local [hbm:s5], s20  }
0x9e: {  	_ =	swait.ge [sflag:s22], s20  }
0x9f: {  	s4 =	ssub.s32 $0x0, s20;
	[sflag:s22] =	ssyncset.done $0x0  }
0xa0: {  	[sflag:s22] =	ssyncadd.s32 s4;
	_ =	sdelay $0x1  }
0xa1: {  	s23 =	simm.s32 $0x1B8B  }
0xa2: {  	_ =	swait.ge [sflag:s23], $0x1  }
0xa3: {  	[sflag:s23] =	ssyncset.done $0x0  }
0xa4: {  	s25 =	simm.s32 $0x1B8E;
	s24 =	sld [smem:$0x3FFE];
	[sflag:s23] =	ssyncadd.s32 $0xFFFFFFFF  }
0xa5: {  	s26 =	simm.s32 $execute0_lowered;
	[smem:$0x3FD2] =	sst s25  }
0xa6: {  	s5 =	sshll.u32 s26, $0x1;
	_ =	strace $0x80000046;
	[dreg:$0x1] =	wrdreg $0xFFFFFFFF  }
0xa7: {  	s28 =	simm.s32 $_size_execute0_lowered;
	s3 =	sadd.s32 s3, s5;
	[dreg:$0x0] =	wrdreg $0x0  }
0xa8: {  	s5 =	sshll.u32 s28, $0x1;
	[dreg:$0x2] =	wrdreg s3  }
0xa9: {  	[dreg:$0x3] =	wrdreg s5  }
0xaa: {  	[dreg:$0x4] =	wrdreg $0xC0  }
0xab: {  	_ =	task [dreg:s7], $0x5FFFF  }
0xac: {  	[dreg:$0x1] =	wrdreg $0xFFFFFFFF  }
0xad: {  	[dreg:$0x0] =	wrdreg $0x60  }
0xae: {  	[dreg:$0x2] =	wrdreg s24  }
0xaf: {  	[dreg:$0x3] =	wrdreg s2  }
0xb0: {  	[dreg:$0x4] =	wrdreg $0x9  }
0xb1: {  	_ =	task.clear_ibuf [dreg:s7], $0x5FFFF;
	_ =	strace $0x90000046  }
0xb2: {  	s29 =	simm.s32 $0x9;
	_ =	strace $0x80000048  }
0xb3: {  	_ =	swait.ge [sflag:s29], $0x1  }
0xb4: {  	[sflag:s29] =	ssyncadd.s32 $0xFFFFFFFF  }
0xb5: {  	_ =	strace $0x90000048  }
0xb6: {  	_ =	sfence  }
0xb7: {  	s30 =	sld [smem:$0x0];
	_ =	sdelay $0x2  }
0xb8: {  	s31 =	sshll.u32 s1, $0xD;
	s1 =	sshrl.u32 s1, $0x2  }
0xb9: {  	s3 =	sand.u32 $0x4000, s31;
	s1 =	sadd.s32 s1, s30  }
0xba: {  	s0 =	sor.u32 s3, s0;
	s1 =	sshll.u32 s1, $0x11  }
0xbb: {  	s0 =	sor.u32 s1, s0  }
0xbc: {  	s0 =	sadd.s32 $0x8F2B, s0  }
0xbd: {  	[sflag:s0] =	ssyncadd.remote.s32 $0x1  }
0xbe: {  	_ =	sfence.sel $0xFFFF  }
0xbf: {  	[dreg:$0x0] =	wrdreg $0xFFFFFFFF;
	(pc) =	sbr.abs _section_cstart, $3  }
0xc0: {  	[dreg:$0x1] =	wrdreg $0xFFFFFFFF  }
0xc1: {  	_ =	task.clear_ibuf [dreg:s7], $0x2FFFF;
	_ =	strace $0x9FFFFFFF  }
0xc2: {  	(tm) =	ssettm $0x7FFFFFFF  }
0xc3: {  	_ =	shalt  }
tec
execute0_lowered:
.L_overlay_start_1:
0x0: {  	(tag) =	ssettag $0x1  }
0x1: {  	s0 =	rddreg [dreg:$0x0];
	s1 =	srdreg.scid  }
0x2: {  	s3 =	rddreg [dreg:$0x1];
	s4 =	stileid.u32;
	s1 =	sand.u32 $0x1, s1  }
0x3: {  	s2 =	simm.s32 $0x0;
	s4 =	sshll.u32 s4, $0xE;
	s5 =	sshll.u32 s1, $0xD  }
0x4: {  	[smem:$0x7FF] =	sst s2;
	s6 =	sadd.s32 $0x100A00, s0;
	s4 =	sor.u32 s5, s4  }
0x5: {  	s9 =	sadd.s32 $0x140A00, s0;
	s10 =	sadd.s32 $0x180A00, s0;
	s5 =	sadd.s32 s6, s4  }
0x6: {  	_ =	strace $0x80000047;
	s19 =	sadd.s32 s9, s4;
	[dreg:$0x3] =	wrdreg s5  }
0x7: {  	s14 =	sadd.s32 $0x1C0A00, s0;
	s20 =	sadd.s32 s10, s4;
	[dreg:$0x6] =	wrdreg s19  }
0x8: {  	s7 =	sor.u32 $0x400, s4;
	s21 =	sadd.s32 s14, s4;
	[dreg:$0x7] =	wrdreg s20  }
0x9: {  	s8 =	sor.u32 $0x800, s4;
	s17 =	sadd.s32 s6, s7;
	[dreg:$0x8] =	wrdreg s21  }
0xa: {  	s11 =	sor.u32 $0xC00, s4;
	s18 =	sadd.s32 s6, s8;
	[dreg:$0x4] =	wrdreg s17  }
0xb: {  	s29 =	simm.s32 $0x4;
	s22 =	sadd.s32 s6, s11;
	[dreg:$0x5] =	wrdreg s18  }
0xc: {  	s31 =	simm.s32 $0x4000;
	s23 =	sadd.s32 s9, s7;
	[dreg:$0x9] =	wrdreg s22  }
0xd: {  	p0 =	por $0x0, $0x0;
	s24 =	sadd.s32 s10, s7;
	[dreg:$0xa] =	wrdreg s23  }
0xe: {  	s26 =	sor.u32 $0x1000, s4;
	s25 =	sadd.s32 s14, s7;
	[dreg:$0xb] =	wrdreg s24  }
0xf: {  	s28 =	simm.s32 $0xA000;
	s13 =	sadd.s32 s6, s26;
	[dreg:$0xc] =	wrdreg s25  }
0x10: {  	s30 =	simm.s32 $0x3;
	s15 =	sadd.s32 s9, s8;
	[dreg:$0xd] =	wrdreg s13  }
0x11: {  	s1 =	ssub.s32 $0x2, s1;
	s16 =	sadd.s32 s10, s8;
	[dreg:$0xe] =	wrdreg s15  }
0x12: {  	s19 =	sadd.s32 $0x80A00, s0;
	s21 =	sadd.s32 s9, s26;
	[dreg:$0xf] =	wrdreg s16  }
0x13: {  	s17 =	sadd.s32 s14, s8;
	s18 =	sor.u32 $0x1400, s4;
	[dreg:$0x16] =	wrdreg s21  }
0x14: {  	s13 =	sadd.s32 s9, s11;
	s15 =	sadd.s32 s10, s11;
	[dreg:$0x10] =	wrdreg s17  }
0x15: {  	s16 =	sadd.s32 s14, s11;
	s22 =	sadd.s32 s10, s26;
	[dreg:$0x12] =	wrdreg s13  }
0x16: {  	s23 =	sadd.s32 s14, s26;
	s24 =	sshrl.u32 s1, $0x1;
	[dreg:$0x13] =	wrdreg s15  }
0x17: {  	s8 =	simm.s32 $0x14000;
	s12 =	sadd.s32 s6, s18;
	[dreg:$0x14] =	wrdreg s16  }
0x18: {  	s17 =	sor.u32 $0x1800, s4;
	[dreg:$0x17] =	wrdreg s22;
	s4 =	sor.u32 $0x1C00, s4  }
0x19: {  	[dreg:$0x18] =	wrdreg s23;
	s23 =	sadd.s32 $0xA00, s0;
	s26 =	ssub.s32 s1, s24  }
0x1a: {  	s21 =	sadd.s32 s9, s18;
	s16 =	simm.s32 $0xC000;
	s24 =	simm.s32 $0x16000  }
0x1b: {  	s22 =	simm.s32 $0x1;
	s15 =	simm.s32 $0x2;
	s1 =	rddreg [dreg:$0x3]  }
0x1c: {  	[dreg:$0x11] =	wrdreg s12;
	s20 =	sadd.s32 s6, s17;
	s25 =	sadd.s32 s6, s4  }
0x1d: {  	s13 =	sadd.s32 s9, s17;
	s12 =	sadd.s32 s10, s17;
	s0 =	smax.u32 s26, $0x1  }
0x1e: {  	s11 =	sadd.s32 s14, s17;
	s7 =	sadd.s32 s9, s4;
	p1 =	sne.s32 s0, $0x1  }
.Ltmp0:
0x1f: {  	s6 =	sadd.s32 s10, s4;
	s5 =	sadd.s32 s14, s4;
	(pc) =	sbr.rel @!p1 .LBB2_3-.Ltmp0, $4  }
0x20: {  	s4 =	simm.s32 $0x5;
	s26 =	simm.s32 $0x2000;
	[dreg:$0x15] =	wrdreg s20  }
0x21: {  	s17 =	simm.s32 $0x6000;
	s9 =	simm.s32 $0xE000;
	[dreg:$0x19] =	wrdreg s25  }
0x22: {  	s20 =	sadd.s32 s10, s18;
	s18 =	sadd.s32 s14, s18;
	s14 =	simm.s32 $0x12000  }
0x23: {  	s10 =	simm.s32 $0x8000;
	s0 =	sadd.s32 $0xFFFFFFFF, s0;
	s25 =	simm.s32 $0x10000  }
0x24: {  	[tilespmem:s2], [sflag:$0x5] =	stream.linear.gather [hbm4b:s1+s2], $0x2000, $0x38;
	[tilespmem:$0x18000] =	vst v63  }
0x25: {  	_ =	swait.ge [sflag:s4], $0x2000  }
0x26: {  	[sflag:s4] =	ssyncset.done $0x0  }
0x27: {  	[sflag:s4] =	ssyncadd.s32 $0xFFFFE000  }
0x28: {  	[tilespmem:s17], [sflag:$0x1] =	stream.indirect.gather [hbm4b:s19+s26], $0x1, s2, s26, $0xb8;
	[tilespmem:$0x18000] =	vst v63  }
0x29: {  	_ = 	snop  }
0x2a: {  	[tilespmem:s16], [sflag:$0x1] =	stream.indirect.gather [hbm4b:s23+s26], $0x1, s2, s26, $0xb8;
	[tilespmem:$0x18000] =	vst v63  }
0x2b: {  	_ = 	snop  }
0x2c: {  	[tilespmem:s14], [sflag:$0x1] =	stream.indirect.gather [hbm4b:s3+s26], $0x1, s2, s26, $0xb8;
	[tilespmem:$0x18000] =	vst v63  }
0x2d: {  	s1 =	rddreg [dreg:$0x4]  }
0x2e: {  	[tilespmem:s26], [sflag:$0x4] =	stream.linear.gather [hbm4b:s1+s2], $0x2000, $0x38;
	[tilespmem:$0x18000] =	vst v63  }
0x2f: {  	_ =	swait.ge [sflag:s29], $0x2000  }
0x30: {  	[sflag:s29] =	ssyncset.done $0x0  }
0x31: {  	[sflag:s29] =	ssyncadd.s32 $0xFFFFE000  }
0x32: {  	[tilespmem:s10], [sflag:$0x2] =	stream.indirect.gather [hbm4b:s19+s26], $0x1, s26, s26, $0xb8;
	[tilespmem:$0x18000] =	vst v63  }
0x33: {  	_ = 	snop  }
0x34: {  	[tilespmem:s9], [sflag:$0x2] =	stream.indirect.gather [hbm4b:s23+s26], $0x1, s26, s26, $0xb8;
	[tilespmem:$0x18000] =	vst v63  }
0x35: {  	_ = 	snop  }
0x36: {  	[tilespmem:s8], [sflag:$0x2] =	stream.indirect.gather [hbm4b:s3+s26], $0x1, s26, s26, $0xb8;
	[tilespmem:$0x18000] =	vst v63  }
0x37: {  	s1 =	rddreg [dreg:$0x5]  }
0x38: {  	[tilespmem:s31], [sflag:$0x4] =	stream.linear.gather [hbm4b:s1+s2], $0x2000, $0x38;
	[tilespmem:$0x18000] =	vst v63  }
0x39: {  	_ =	swait.ge [sflag:s29], $0x2000  }
0x3a: {  	[sflag:s29] =	ssyncset.done $0x0  }
0x3b: {  	[sflag:s29] =	ssyncadd.s32 $0xFFFFE000  }
0x3c: {  	[tilespmem:s28], [sflag:$0x3] =	stream.indirect.gather [hbm4b:s19+s26], $0x1, s31, s26, $0xb8;
	[tilespmem:$0x18000] =	vst v63  }
0x3d: {  	_ = 	snop  }
0x3e: {  	[tilespmem:s25], [sflag:$0x3] =	stream.indirect.gather [hbm4b:s23+s26], $0x1, s31, s26, $0xb8;
	[tilespmem:$0x18000] =	vst v63  }
0x3f: {  	_ = 	snop  }
0x40: {  	[tilespmem:s24], [sflag:$0x3] =	stream.indirect.gather [hbm4b:s3+s26], $0x1, s31, s26, $0xb8;
	[tilespmem:$0x18000] =	vst v63  }
0x41: {  	_ =	swait.ge [sflag:s22], $0x2000  }
0x42: {  	[sflag:s22] =	ssyncset.done $0x0  }
0x43: {  	[sflag:s22] =	ssyncadd.s32 $0xFFFFE000  }
0x44: {  	_ =	swait.ge [sflag:s22], $0x2000  }
0x45: {  	[sflag:s22] =	ssyncset.done $0x0  }
0x46: {  	[sflag:s22] =	ssyncadd.s32 $0xFFFFE000  }
0x47: {  	_ =	swait.ge [sflag:s22], $0x2000  }
0x48: {  	[sflag:s22] =	ssyncset.done $0x0  }
0x49: {  	s1 =	rddreg [dreg:$0x6];
	[sflag:s22] =	ssyncadd.s32 $0xFFFFE000  }
0x4a: {  	[hbm4b:s1+s2] =	stream.linear.scatter [tilespmem:s17], [sflag:$0x5], $0x2000, $0x38;
	[tilespmem:$0x18000] =	vst v63  }
0x4b: {  	_ =	swait.ge [sflag:s4], $0x2000  }
0x4c: {  	[sflag:s4] =	ssyncset.done $0x0  }
0x4d: {  	s1 =	rddreg [dreg:$0x7];
	[sflag:s4] =	ssyncadd.s32 $0xFFFFE000  }
0x4e: {  	[hbm4b:s1+s2] =	stream.linear.scatter [tilespmem:s16], [sflag:$0x5], $0x2000, $0x38;
	[tilespmem:$0x18000] =	vst v63  }
0x4f: {  	_ =	swait.ge [sflag:s4], $0x2000  }
0x50: {  	[sflag:s4] =	ssyncset.done $0x0  }
0x51: {  	s1 =	rddreg [dreg:$0x8];
	[sflag:s4] =	ssyncadd.s32 $0xFFFFE000  }
0x52: {  	[hbm4b:s1+s2] =	stream.linear.scatter [tilespmem:s14], [sflag:$0x5], $0x2000, $0x38;
	[tilespmem:$0x18000] =	vst v63  }
0x53: {  	_ =	swait.ge [sflag:s4], $0x2000  }
0x54: {  	[sflag:s4] =	ssyncset.done $0x0  }
0x55: {  	s1 =	rddreg [dreg:$0x9];
	[sflag:s4] =	ssyncadd.s32 $0xFFFFE000  }
0x56: {  	[tilespmem:s2], [sflag:$0x4] =	stream.linear.gather [hbm4b:s1+s2], $0x2000, $0x38;
	[tilespmem:$0x18000] =	vst v63  }
0x57: {  	_ =	swait.ge [sflag:s29], $0x2000  }
0x58: {  	[sflag:s29] =	ssyncset.done $0x0  }
0x59: {  	[sflag:s29] =	ssyncadd.s32 $0xFFFFE000  }
0x5a: {  	[tilespmem:s17], [sflag:$0x1] =	stream.indirect.gather [hbm4b:s19+s26], $0x1, s2, s26, $0xb8;
	[tilespmem:$0x18000] =	vst v63  }
0x5b: {  	_ = 	snop  }
0x5c: {  	[tilespmem:s16], [sflag:$0x1] =	stream.indirect.gather [hbm4b:s23+s26], $0x1, s2, s26, $0xb8;
	[tilespmem:$0x18000] =	vst v63  }
0x5d: {  	_ = 	snop  }
0x5e: {  	[tilespmem:s14], [sflag:$0x1] =	stream.indirect.gather [hbm4b:s3+s26], $0x1, s2, s26, $0xb8;
	[tilespmem:$0x18000] =	vst v63  }
0x5f: {  	_ =	swait.ge [sflag:s15], $0x2000  }
0x60: {  	[sflag:s15] =	ssyncset.done $0x0  }
0x61: {  	[sflag:s15] =	ssyncadd.s32 $0xFFFFE000  }
0x62: {  	_ =	swait.ge [sflag:s15], $0x2000  }
0x63: {  	[sflag:s15] =	ssyncset.done $0x0  }
0x64: {  	[sflag:s15] =	ssyncadd.s32 $0xFFFFE000  }
0x65: {  	_ =	swait.ge [sflag:s15], $0x2000  }
0x66: {  	[sflag:s15] =	ssyncset.done $0x0  }
0x67: {  	s1 =	rddreg [dreg:$0xa];
	[sflag:s15] =	ssyncadd.s32 $0xFFFFE000  }
0x68: {  	[hbm4b:s1+s2] =	stream.linear.scatter [tilespmem:s10], [sflag:$0x5], $0x2000, $0x38;
	[tilespmem:$0x18000] =	vst v63  }
0x69: {  	_ =	swait.ge [sflag:s4], $0x2000  }
0x6a: {  	[sflag:s4] =	ssyncset.done $0x0  }
0x6b: {  	s1 =	rddreg [dreg:$0xb];
	[sflag:s4] =	ssyncadd.s32 $0xFFFFE000  }
0x6c: {  	[hbm4b:s1+s2] =	stream.linear.scatter [tilespmem:s9], [sflag:$0x5], $0x2000, $0x38;
	[tilespmem:$0x18000] =	vst v63  }
0x6d: {  	_ =	swait.ge [sflag:s4], $0x2000  }
0x6e: {  	[sflag:s4] =	ssyncset.done $0x0  }
0x6f: {  	s1 =	rddreg [dreg:$0xc];
	[sflag:s4] =	ssyncadd.s32 $0xFFFFE000  }
0x70: {  	[hbm4b:s1+s2] =	stream.linear.scatter [tilespmem:s8], [sflag:$0x5], $0x2000, $0x38;
	[tilespmem:$0x18000] =	vst v63  }
0x71: {  	_ =	swait.ge [sflag:s4], $0x2000  }
0x72: {  	[sflag:s4] =	ssyncset.done $0x0  }
0x73: {  	s1 =	rddreg [dreg:$0xd];
	[sflag:s4] =	ssyncadd.s32 $0xFFFFE000  }
0x74: {  	[tilespmem:s26], [sflag:$0x4] =	stream.linear.gather [hbm4b:s1+s2], $0x2000, $0x38;
	[tilespmem:$0x18000] =	vst v63  }
0x75: {  	_ =	swait.ge [sflag:s29], $0x2000  }
0x76: {  	[sflag:s29] =	ssyncset.done $0x0  }
0x77: {  	[sflag:s29] =	ssyncadd.s32 $0xFFFFE000  }
0x78: {  	[tilespmem:s10], [sflag:$0x2] =	stream.indirect.gather [hbm4b:s19+s26], $0x1, s26, s26, $0xb8;
	[tilespmem:$0x18000] =	vst v63  }
0x79: {  	_ = 	snop  }
0x7a: {  	[tilespmem:s9], [sflag:$0x2] =	stream.indirect.gather [hbm4b:s23+s26], $0x1, s26, s26, $0xb8;
	[tilespmem:$0x18000] =	vst v63  }
0x7b: {  	_ = 	snop  }
0x7c: {  	[tilespmem:s8], [sflag:$0x2] =	stream.indirect.gather [hbm4b:s3+s26], $0x1, s26, s26, $0xb8;
	[tilespmem:$0x18000] =	vst v63  }
0x7d: {  	_ =	swait.ge [sflag:s30], $0x2000  }
0x7e: {  	[sflag:s30] =	ssyncset.done $0x0  }
0x7f: {  	[sflag:s30] =	ssyncadd.s32 $0xFFFFE000  }
0x80: {  	_ =	swait.ge [sflag:s30], $0x2000  }
0x81: {  	[sflag:s30] =	ssyncset.done $0x0  }
0x82: {  	[sflag:s30] =	ssyncadd.s32 $0xFFFFE000  }
0x83: {  	_ =	swait.ge [sflag:s30], $0x2000  }
0x84: {  	[sflag:s30] =	ssyncset.done $0x0  }
0x85: {  	s1 =	rddreg [dreg:$0xe];
	[sflag:s30] =	ssyncadd.s32 $0xFFFFE000  }
0x86: {  	[hbm4b:s1+s2] =	stream.linear.scatter [tilespmem:s28], [sflag:$0x5], $0x2000, $0x38;
	[tilespmem:$0x18000] =	vst v63  }
0x87: {  	_ =	swait.ge [sflag:s4], $0x2000  }
0x88: {  	[sflag:s4] =	ssyncset.done $0x0  }
0x89: {  	s1 =	rddreg [dreg:$0xf];
	[sflag:s4] =	ssyncadd.s32 $0xFFFFE000  }
0x8a: {  	[hbm4b:s1+s2] =	stream.linear.scatter [tilespmem:s25], [sflag:$0x5], $0x2000, $0x38;
	[tilespmem:$0x18000] =	vst v63  }
0x8b: {  	_ =	swait.ge [sflag:s4], $0x2000  }
0x8c: {  	[sflag:s4] =	ssyncset.done $0x0  }
0x8d: {  	s1 =	rddreg [dreg:$0x10];
	[sflag:s4] =	ssyncadd.s32 $0xFFFFE000  }
0x8e: {  	[hbm4b:s1+s2] =	stream.linear.scatter [tilespmem:s24], [sflag:$0x5], $0x2000, $0x38;
	[tilespmem:$0x18000] =	vst v63  }
0x8f: {  	_ =	swait.ge [sflag:s4], $0x2000  }
0x90: {  	[sflag:s4] =	ssyncset.done $0x0  }
0x91: {  	s1 =	rddreg [dreg:$0x11];
	[sflag:s4] =	ssyncadd.s32 $0xFFFFE000  }
0x92: {  	[tilespmem:s31], [sflag:$0x4] =	stream.linear.gather [hbm4b:s1+s2], $0x2000, $0x38;
	[tilespmem:$0x18000] =	vst v63  }
0x93: {  	_ =	swait.ge [sflag:s29], $0x2000  }
0x94: {  	[sflag:s29] =	ssyncset.done $0x0  }
0x95: {  	[sflag:s29] =	ssyncadd.s32 $0xFFFFE000  }
0x96: {  	[tilespmem:s28], [sflag:$0x3] =	stream.indirect.gather [hbm4b:s19+s26], $0x1, s31, s26, $0xb8;
	[tilespmem:$0x18000] =	vst v63  }
0x97: {  	_ = 	snop  }
0x98: {  	[tilespmem:s25], [sflag:$0x3] =	stream.indirect.gather [hbm4b:s23+s26], $0x1, s31, s26, $0xb8;
	[tilespmem:$0x18000] =	vst v63  }
0x99: {  	_ = 	snop  }
0x9a: {  	[tilespmem:s24], [sflag:$0x3] =	stream.indirect.gather [hbm4b:s3+s26], $0x1, s31, s26, $0xb8;
	[tilespmem:$0x18000] =	vst v63  }
0x9b: {  	_ =	swait.ge [sflag:s22], $0x2000  }
0x9c: {  	[sflag:s22] =	ssyncset.done $0x0  }
0x9d: {  	[sflag:s22] =	ssyncadd.s32 $0xFFFFE000  }
0x9e: {  	_ =	swait.ge [sflag:s22], $0x2000  }
0x9f: {  	[sflag:s22] =	ssyncset.done $0x0  }
0xa0: {  	[sflag:s22] =	ssyncadd.s32 $0xFFFFE000  }
0xa1: {  	_ =	swait.ge [sflag:s22], $0x2000  }
0xa2: {  	[sflag:s22] =	ssyncset.done $0x0  }
0xa3: {  	s1 =	rddreg [dreg:$0x12];
	[sflag:s22] =	ssyncadd.s32 $0xFFFFE000  }
0xa4: {  	[hbm4b:s1+s2] =	stream.linear.scatter [tilespmem:s17], [sflag:$0x5], $0x2000, $0x38;
	[tilespmem:$0x18000] =	vst v63  }
0xa5: {  	_ =	swait.ge [sflag:s4], $0x2000  }
0xa6: {  	[sflag:s4] =	ssyncset.done $0x0  }
0xa7: {  	s1 =	rddreg [dreg:$0x13];
	[sflag:s4] =	ssyncadd.s32 $0xFFFFE000  }
0xa8: {  	[hbm4b:s1+s2] =	stream.linear.scatter [tilespmem:s16], [sflag:$0x5], $0x2000, $0x38;
	[tilespmem:$0x18000] =	vst v63  }
0xa9: {  	_ =	swait.ge [sflag:s4], $0x2000  }
0xaa: {  	[sflag:s4] =	ssyncset.done $0x0  }
0xab: {  	s1 =	rddreg [dreg:$0x14];
	[sflag:s4] =	ssyncadd.s32 $0xFFFFE000  }
0xac: {  	[hbm4b:s1+s2] =	stream.linear.scatter [tilespmem:s14], [sflag:$0x5], $0x2000, $0x38;
	[tilespmem:$0x18000] =	vst v63  }
0xad: {  	_ =	swait.ge [sflag:s4], $0x2000  }
0xae: {  	[sflag:s4] =	ssyncset.done $0x0  }
0xaf: {  	s1 =	rddreg [dreg:$0x15];
	[sflag:s4] =	ssyncadd.s32 $0xFFFFE000  }
0xb0: {  	[tilespmem:s2], [sflag:$0x4] =	stream.linear.gather [hbm4b:s1+s2], $0x2000, $0x38;
	[tilespmem:$0x18000] =	vst v63  }
0xb1: {  	_ =	swait.ge [sflag:s29], $0x2000  }
0xb2: {  	[sflag:s29] =	ssyncset.done $0x0  }
0xb3: {  	[sflag:s29] =	ssyncadd.s32 $0xFFFFE000  }
0xb4: {  	[tilespmem:s17], [sflag:$0x1] =	stream.indirect.gather [hbm4b:s19+s26], $0x1, s2, s26, $0xb8;
	[tilespmem:$0x18000] =	vst v63  }
0xb5: {  	_ = 	snop  }
0xb6: {  	[tilespmem:s16], [sflag:$0x1] =	stream.indirect.gather [hbm4b:s23+s26], $0x1, s2, s26, $0xb8;
	[tilespmem:$0x18000] =	vst v63  }
0xb7: {  	_ = 	snop  }
0xb8: {  	[tilespmem:s14], [sflag:$0x1] =	stream.indirect.gather [hbm4b:s3+s26], $0x1, s2, s26, $0xb8;
	[tilespmem:$0x18000] =	vst v63  }
0xb9: {  	_ =	swait.ge [sflag:s15], $0x2000  }
0xba: {  	[sflag:s15] =	ssyncset.done $0x0  }
0xbb: {  	[sflag:s15] =	ssyncadd.s32 $0xFFFFE000  }
0xbc: {  	_ =	swait.ge [sflag:s15], $0x2000  }
0xbd: {  	[sflag:s15] =	ssyncset.done $0x0  }
0xbe: {  	[sflag:s15] =	ssyncadd.s32 $0xFFFFE000  }
0xbf: {  	_ =	swait.ge [sflag:s15], $0x2000  }
0xc0: {  	[sflag:s15] =	ssyncset.done $0x0  }
0xc1: {  	s1 =	rddreg [dreg:$0x16];
	[sflag:s15] =	ssyncadd.s32 $0xFFFFE000  }
0xc2: {  	[hbm4b:s1+s2] =	stream.linear.scatter [tilespmem:s10], [sflag:$0x5], $0x2000, $0x38;
	[tilespmem:$0x18000] =	vst v63  }
0xc3: {  	_ =	swait.ge [sflag:s4], $0x2000  }
0xc4: {  	[sflag:s4] =	ssyncset.done $0x0  }
0xc5: {  	s1 =	rddreg [dreg:$0x17];
	[sflag:s4] =	ssyncadd.s32 $0xFFFFE000  }
0xc6: {  	[hbm4b:s1+s2] =	stream.linear.scatter [tilespmem:s9], [sflag:$0x5], $0x2000, $0x38;
	[tilespmem:$0x18000] =	vst v63  }
0xc7: {  	_ =	swait.ge [sflag:s4], $0x2000  }
0xc8: {  	[sflag:s4] =	ssyncset.done $0x0  }
0xc9: {  	s1 =	rddreg [dreg:$0x18];
	[sflag:s4] =	ssyncadd.s32 $0xFFFFE000  }
0xca: {  	[hbm4b:s1+s2] =	stream.linear.scatter [tilespmem:s8], [sflag:$0x5], $0x2000, $0x38;
	[tilespmem:$0x18000] =	vst v63  }
0xcb: {  	_ =	swait.ge [sflag:s4], $0x2000  }
0xcc: {  	[sflag:s4] =	ssyncset.done $0x0  }
0xcd: {  	s1 =	rddreg [dreg:$0x19];
	[sflag:s4] =	ssyncadd.s32 $0xFFFFE000  }
0xce: {  	[tilespmem:s26], [sflag:$0x4] =	stream.linear.gather [hbm4b:s1+s2], $0x2000, $0x38;
	[tilespmem:$0x18000] =	vst v63  }
0xcf: {  	_ =	swait.ge [sflag:s29], $0x2000  }
0xd0: {  	[sflag:s29] =	ssyncset.done $0x0  }
0xd1: {  	[sflag:s29] =	ssyncadd.s32 $0xFFFFE000  }
0xd2: {  	[tilespmem:s10], [sflag:$0x2] =	stream.indirect.gather [hbm4b:s19+s26], $0x1, s26, s26, $0xb8;
	[tilespmem:$0x18000] =	vst v63  }
0xd3: {  	_ = 	snop  }
0xd4: {  	[tilespmem:s9], [sflag:$0x2] =	stream.indirect.gather [hbm4b:s23+s26], $0x1, s26, s26, $0xb8;
	[tilespmem:$0x18000] =	vst v63  }
0xd5: {  	_ = 	snop  }
0xd6: {  	[tilespmem:s8], [sflag:$0x2] =	stream.indirect.gather [hbm4b:s3+s26], $0x1, s26, s26, $0xb8;
	[tilespmem:$0x18000] =	vst v63  }
0xd7: {  	_ =	swait.ge [sflag:s30], $0x2000  }
0xd8: {  	[sflag:s30] =	ssyncset.done $0x0  }
0xd9: {  	[sflag:s30] =	ssyncadd.s32 $0xFFFFE000  }
0xda: {  	_ =	swait.ge [sflag:s30], $0x2000  }
0xdb: {  	[sflag:s30] =	ssyncset.done $0x0  }
0xdc: {  	[sflag:s30] =	ssyncadd.s32 $0xFFFFE000  }
0xdd: {  	_ =	swait.ge [sflag:s30], $0x2000  }
0xde: {  	[sflag:s30] =	ssyncset.done $0x0  }
0xdf: {  	[sflag:s30] =	ssyncadd.s32 $0xFFFFE000  }
0xe0: {  	[hbm4b:s21+s2] =	stream.linear.scatter [tilespmem:s28], [sflag:$0x5], $0x2000, $0x38;
	[tilespmem:$0x18000] =	vst v63  }
0xe1: {  	_ =	swait.ge [sflag:s4], $0x2000  }
0xe2: {  	[sflag:s4] =	ssyncset.done $0x0  }
0xe3: {  	[sflag:s4] =	ssyncadd.s32 $0xFFFFE000  }
0xe4: {  	[hbm4b:s20+s2] =	stream.linear.scatter [tilespmem:s25], [sflag:$0x5], $0x2000, $0x38;
	[tilespmem:$0x18000] =	vst v63  }
0xe5: {  	_ =	swait.ge [sflag:s4], $0x2000  }
0xe6: {  	[sflag:s4] =	ssyncset.done $0x0  }
0xe7: {  	[sflag:s4] =	ssyncadd.s32 $0xFFFFE000  }
0xe8: {  	[hbm4b:s18+s2] =	stream.linear.scatter [tilespmem:s24], [sflag:$0x5], $0x2000, $0x38;
	[tilespmem:$0x18000] =	vst v63  }
0xe9: {  	_ =	swait.ge [sflag:s4], $0x2000  }
0xea: {  	[sflag:s4] =	ssyncset.done $0x0  }
0xeb: {  	[sflag:s4] =	ssyncadd.s32 $0xFFFFE000  }
0xec: {  	_ =	swait.ge [sflag:s22], $0x2000  }
0xed: {  	[sflag:s22] =	ssyncset.done $0x0  }
0xee: {  	[sflag:s22] =	ssyncadd.s32 $0xFFFFE000  }
0xef: {  	_ =	swait.ge [sflag:s22], $0x2000  }
0xf0: {  	[sflag:s22] =	ssyncset.done $0x0  }
0xf1: {  	[sflag:s22] =	ssyncadd.s32 $0xFFFFE000  }
0xf2: {  	_ =	swait.ge [sflag:s22], $0x2000  }
0xf3: {  	[sflag:s22] =	ssyncset.done $0x0  }
0xf4: {  	[sflag:s22] =	ssyncadd.s32 $0xFFFFE000  }
0xf5: {  	[hbm4b:s13+s2] =	stream.linear.scatter [tilespmem:s17], [sflag:$0x5], $0x2000, $0x38;
	[tilespmem:$0x18000] =	vst v63  }
0xf6: {  	_ =	swait.ge [sflag:s4], $0x2000  }
0xf7: {  	[sflag:s4] =	ssyncset.done $0x0  }
0xf8: {  	[sflag:s4] =	ssyncadd.s32 $0xFFFFE000  }
0xf9: {  	[hbm4b:s12+s2] =	stream.linear.scatter [tilespmem:s16], [sflag:$0x5], $0x2000, $0x38;
	[tilespmem:$0x18000] =	vst v63  }
0xfa: {  	_ =	swait.ge [sflag:s4], $0x2000  }
0xfb: {  	[sflag:s4] =	ssyncset.done $0x0  }
0xfc: {  	[sflag:s4] =	ssyncadd.s32 $0xFFFFE000  }
0xfd: {  	[hbm4b:s11+s2] =	stream.linear.scatter [tilespmem:s14], [sflag:$0x5], $0x2000, $0x38;
	[tilespmem:$0x18000] =	vst v63  }
0xfe: {  	_ =	swait.ge [sflag:s4], $0x2000  }
0xff: {  	[sflag:s4] =	ssyncset.done $0x0  }
0x100: {  	[sflag:s4] =	ssyncadd.s32 $0xFFFFE000  }
0x101: {  	_ =	swait.ge [sflag:s15], $0x2000  }
0x102: {  	[sflag:s15] =	ssyncset.done $0x0  }
0x103: {  	[sflag:s15] =	ssyncadd.s32 $0xFFFFE000  }
0x104: {  	_ =	swait.ge [sflag:s15], $0x2000  }
0x105: {  	[sflag:s15] =	ssyncset.done $0x0  }
0x106: {  	[sflag:s15] =	ssyncadd.s32 $0xFFFFE000  }
0x107: {  	_ =	swait.ge [sflag:s15], $0x2000  }
0x108: {  	[sflag:s15] =	ssyncset.done $0x0  }
0x109: {  	[sflag:s15] =	ssyncadd.s32 $0xFFFFE000  }
0x10a: {  	[hbm4b:s7+s2] =	stream.linear.scatter [tilespmem:s10], [sflag:$0x5], $0x2000, $0x38;
	[tilespmem:$0x18000] =	vst v63  }
0x10b: {  	_ =	swait.ge [sflag:s4], $0x2000  }
0x10c: {  	[sflag:s4] =	ssyncset.done $0x0  }
0x10d: {  	[sflag:s4] =	ssyncadd.s32 $0xFFFFE000  }
0x10e: {  	[hbm4b:s6+s2] =	stream.linear.scatter [tilespmem:s9], [sflag:$0x5], $0x2000, $0x38;
	[tilespmem:$0x18000] =	vst v63  }
0x10f: {  	p1 =	sne.s32 s0, $0x1;
	_ =	swait.ge [sflag:s4], $0x2000  }
.Ltmp1:
0x110: {  	[sflag:s4] =	ssyncset.done $0x0;
	(pc) =	sbr.rel @!p1 .LBB2_3-.Ltmp1, $4  }
0x111: {  	[sflag:s4] =	ssyncadd.s32 $0xFFFFE000  }
0x112: {  	[hbm4b:s5+s2] =	stream.linear.scatter [tilespmem:s8], [sflag:$0x5], $0x2000, $0x38;
	[tilespmem:$0x18000] =	vst v63  }
0x113: {  	s0 =	sadd.s32 $0xFFFFFFFF, s0;
	_ =	swait.ge [sflag:s4], $0x2000  }
0x114: {  	p0 =	por $0x1, $0x1;
	s1 =	rddreg [dreg:$0x3];
	[sflag:s4] =	ssyncset.done $0x0  }
.LBB2_2:
0x115: {  	[sflag:s4] =	ssyncadd.s32 $0xFFFFE000  }
0x116: {  	[tilespmem:s2], [sflag:$0x5] =	stream.linear.gather [hbm4b:s1+s2], $0x2000, $0x38;
	[tilespmem:$0x18000] =	vst v63  }
0x117: {  	_ =	swait.ge [sflag:s4], $0x2000  }
0x118: {  	[sflag:s4] =	ssyncset.done $0x0  }
0x119: {  	[sflag:s4] =	ssyncadd.s32 $0xFFFFE000  }
0x11a: {  	[tilespmem:s17], [sflag:$0x1] =	stream.indirect.gather [hbm4b:s19+s26], $0x1, s2, s26, $0xb8;
	[tilespmem:$0x18000] =	vst v63  }
0x11b: {  	_ = 	snop  }
0x11c: {  	[tilespmem:s16], [sflag:$0x1] =	stream.indirect.gather [hbm4b:s23+s26], $0x1, s2, s26, $0xb8;
	[tilespmem:$0x18000] =	vst v63  }
0x11d: {  	_ = 	snop  }
0x11e: {  	[tilespmem:s14], [sflag:$0x1] =	stream.indirect.gather [hbm4b:s3+s26], $0x1, s2, s26, $0xb8;
	[tilespmem:$0x18000] =	vst v63  }
0x11f: {  	s1 =	rddreg [dreg:$0x4]  }
0x120: {  	[tilespmem:s26], [sflag:$0x4] =	stream.linear.gather [hbm4b:s1+s2], $0x2000, $0x38;
	[tilespmem:$0x18000] =	vst v63  }
0x121: {  	_ =	swait.ge [sflag:s29], $0x2000  }
0x122: {  	[sflag:s29] =	ssyncset.done $0x0  }
0x123: {  	[sflag:s29] =	ssyncadd.s32 $0xFFFFE000  }
0x124: {  	[tilespmem:s10], [sflag:$0x2] =	stream.indirect.gather [hbm4b:s19+s26], $0x1, s26, s26, $0xb8;
	[tilespmem:$0x18000] =	vst v63  }
0x125: {  	_ = 	snop  }
0x126: {  	[tilespmem:s9], [sflag:$0x2] =	stream.indirect.gather [hbm4b:s23+s26], $0x1, s26, s26, $0xb8;
	[tilespmem:$0x18000] =	vst v63  }
0x127: {  	_ = 	snop  }
0x128: {  	[tilespmem:s8], [sflag:$0x2] =	stream.indirect.gather [hbm4b:s3+s26], $0x1, s26, s26, $0xb8;
	[tilespmem:$0x18000] =	vst v63  }
0x129: {  	s1 =	rddreg [dreg:$0x5]  }
0x12a: {  	[tilespmem:s31], [sflag:$0x4] =	stream.linear.gather [hbm4b:s1+s2], $0x2000, $0x38;
	[tilespmem:$0x18000] =	vst v63  }
0x12b: {  	_ =	swait.ge [sflag:s29], $0x2000  }
0x12c: {  	[sflag:s29] =	ssyncset.done $0x0  }
0x12d: {  	[sflag:s29] =	ssyncadd.s32 $0xFFFFE000  }
0x12e: {  	[tilespmem:s28], [sflag:$0x3] =	stream.indirect.gather [hbm4b:s19+s26], $0x1, s31, s26, $0xb8;
	[tilespmem:$0x18000] =	vst v63  }
0x12f: {  	_ = 	snop  }
0x130: {  	[tilespmem:s25], [sflag:$0x3] =	stream.indirect.gather [hbm4b:s23+s26], $0x1, s31, s26, $0xb8;
	[tilespmem:$0x18000] =	vst v63  }
0x131: {  	_ = 	snop  }
0x132: {  	[tilespmem:s24], [sflag:$0x3] =	stream.indirect.gather [hbm4b:s3+s26], $0x1, s31, s26, $0xb8;
	[tilespmem:$0x18000] =	vst v63  }
0x133: {  	_ =	swait.ge [sflag:s22], $0x2000  }
0x134: {  	[sflag:s22] =	ssyncset.done $0x0  }
0x135: {  	[sflag:s22] =	ssyncadd.s32 $0xFFFFE000  }
0x136: {  	_ =	swait.ge [sflag:s22], $0x2000  }
0x137: {  	[sflag:s22] =	ssyncset.done $0x0  }
0x138: {  	[sflag:s22] =	ssyncadd.s32 $0xFFFFE000  }
0x139: {  	_ =	swait.ge [sflag:s22], $0x2000  }
0x13a: {  	[sflag:s22] =	ssyncset.done $0x0  }
0x13b: {  	s1 =	rddreg [dreg:$0x6];
	[sflag:s22] =	ssyncadd.s32 $0xFFFFE000  }
0x13c: {  	[hbm4b:s1+s2] =	stream.linear.scatter [tilespmem:s17], [sflag:$0x5], $0x2000, $0x38;
	[tilespmem:$0x18000] =	vst v63  }
0x13d: {  	_ =	swait.ge [sflag:s4], $0x2000  }
0x13e: {  	[sflag:s4] =	ssyncset.done $0x0  }
0x13f: {  	s1 =	rddreg [dreg:$0x7];
	[sflag:s4] =	ssyncadd.s32 $0xFFFFE000  }
0x140: {  	[hbm4b:s1+s2] =	stream.linear.scatter [tilespmem:s16], [sflag:$0x5], $0x2000, $0x38;
	[tilespmem:$0x18000] =	vst v63  }
0x141: {  	_ =	swait.ge [sflag:s4], $0x2000  }
0x142: {  	[sflag:s4] =	ssyncset.done $0x0  }
0x143: {  	s1 =	rddreg [dreg:$0x8];
	[sflag:s4] =	ssyncadd.s32 $0xFFFFE000  }
0x144: {  	[hbm4b:s1+s2] =	stream.linear.scatter [tilespmem:s14], [sflag:$0x5], $0x2000, $0x38;
	[tilespmem:$0x18000] =	vst v63  }
0x145: {  	_ =	swait.ge [sflag:s4], $0x2000  }
0x146: {  	[sflag:s4] =	ssyncset.done $0x0  }
0x147: {  	s1 =	rddreg [dreg:$0x9];
	[sflag:s4] =	ssyncadd.s32 $0xFFFFE000  }
0x148: {  	[tilespmem:s2], [sflag:$0x4] =	stream.linear.gather [hbm4b:s1+s2], $0x2000, $0x38;
	[tilespmem:$0x18000] =	vst v63  }
0x149: {  	_ =	swait.ge [sflag:s29], $0x2000  }
0x14a: {  	[sflag:s29] =	ssyncset.done $0x0  }
0x14b: {  	[sflag:s29] =	ssyncadd.s32 $0xFFFFE000  }
0x14c: {  	[tilespmem:s17], [sflag:$0x1] =	stream.indirect.gather [hbm4b:s19+s26], $0x1, s2, s26, $0xb8;
	[tilespmem:$0x18000] =	vst v63  }
0x14d: {  	_ = 	snop  }
0x14e: {  	[tilespmem:s16], [sflag:$0x1] =	stream.indirect.gather [hbm4b:s23+s26], $0x1, s2, s26, $0xb8;
	[tilespmem:$0x18000] =	vst v63  }
0x14f: {  	_ = 	snop  }
0x150: {  	[tilespmem:s14], [sflag:$0x1] =	stream.indirect.gather [hbm4b:s3+s26], $0x1, s2, s26, $0xb8;
	[tilespmem:$0x18000] =	vst v63  }
0x151: {  	_ =	swait.ge [sflag:s15], $0x2000  }
0x152: {  	[sflag:s15] =	ssyncset.done $0x0  }
0x153: {  	[sflag:s15] =	ssyncadd.s32 $0xFFFFE000  }
0x154: {  	_ =	swait.ge [sflag:s15], $0x2000  }
0x155: {  	[sflag:s15] =	ssyncset.done $0x0  }
0x156: {  	[sflag:s15] =	ssyncadd.s32 $0xFFFFE000  }
0x157: {  	_ =	swait.ge [sflag:s15], $0x2000  }
0x158: {  	[sflag:s15] =	ssyncset.done $0x0  }
0x159: {  	s1 =	rddreg [dreg:$0xa];
	[sflag:s15] =	ssyncadd.s32 $0xFFFFE000  }
0x15a: {  	[hbm4b:s1+s2] =	stream.linear.scatter [tilespmem:s10], [sflag:$0x5], $0x2000, $0x38;
	[tilespmem:$0x18000] =	vst v63  }
0x15b: {  	_ =	swait.ge [sflag:s4], $0x2000  }
0x15c: {  	[sflag:s4] =	ssyncset.done $0x0  }
0x15d: {  	s1 =	rddreg [dreg:$0xb];
	[sflag:s4] =	ssyncadd.s32 $0xFFFFE000  }
0x15e: {  	[hbm4b:s1+s2] =	stream.linear.scatter [tilespmem:s9], [sflag:$0x5], $0x2000, $0x38;
	[tilespmem:$0x18000] =	vst v63  }
0x15f: {  	_ =	swait.ge [sflag:s4], $0x2000  }
0x160: {  	[sflag:s4] =	ssyncset.done $0x0  }
0x161: {  	s1 =	rddreg [dreg:$0xc];
	[sflag:s4] =	ssyncadd.s32 $0xFFFFE000  }
0x162: {  	[hbm4b:s1+s2] =	stream.linear.scatter [tilespmem:s8], [sflag:$0x5], $0x2000, $0x38;
	[tilespmem:$0x18000] =	vst v63  }
0x163: {  	_ =	swait.ge [sflag:s4], $0x2000  }
0x164: {  	[sflag:s4] =	ssyncset.done $0x0  }
0x165: {  	s1 =	rddreg [dreg:$0xd];
	[sflag:s4] =	ssyncadd.s32 $0xFFFFE000  }
0x166: {  	[tilespmem:s26], [sflag:$0x4] =	stream.linear.gather [hbm4b:s1+s2], $0x2000, $0x38;
	[tilespmem:$0x18000] =	vst v63  }
0x167: {  	_ =	swait.ge [sflag:s29], $0x2000  }
0x168: {  	[sflag:s29] =	ssyncset.done $0x0  }
0x169: {  	[sflag:s29] =	ssyncadd.s32 $0xFFFFE000  }
0x16a: {  	[tilespmem:s10], [sflag:$0x2] =	stream.indirect.gather [hbm4b:s19+s26], $0x1, s26, s26, $0xb8;
	[tilespmem:$0x18000] =	vst v63  }
0x16b: {  	_ = 	snop  }
0x16c: {  	[tilespmem:s9], [sflag:$0x2] =	stream.indirect.gather [hbm4b:s23+s26], $0x1, s26, s26, $0xb8;
	[tilespmem:$0x18000] =	vst v63  }
0x16d: {  	_ = 	snop  }
0x16e: {  	[tilespmem:s8], [sflag:$0x2] =	stream.indirect.gather [hbm4b:s3+s26], $0x1, s26, s26, $0xb8;
	[tilespmem:$0x18000] =	vst v63  }
0x16f: {  	_ =	swait.ge [sflag:s30], $0x2000  }
0x170: {  	[sflag:s30] =	ssyncset.done $0x0  }
0x171: {  	[sflag:s30] =	ssyncadd.s32 $0xFFFFE000  }
0x172: {  	_ =	swait.ge [sflag:s30], $0x2000  }
0x173: {  	[sflag:s30] =	ssyncset.done $0x0  }
0x174: {  	[sflag:s30] =	ssyncadd.s32 $0xFFFFE000  }
0x175: {  	_ =	swait.ge [sflag:s30], $0x2000  }
0x176: {  	[sflag:s30] =	ssyncset.done $0x0  }
0x177: {  	s1 =	rddreg [dreg:$0xe];
	[sflag:s30] =	ssyncadd.s32 $0xFFFFE000  }
0x178: {  	[hbm4b:s1+s2] =	stream.linear.scatter [tilespmem:s28], [sflag:$0x5], $0x2000, $0x38;
	[tilespmem:$0x18000] =	vst v63  }
0x179: {  	_ =	swait.ge [sflag:s4], $0x2000  }
0x17a: {  	[sflag:s4] =	ssyncset.done $0x0  }
0x17b: {  	s1 =	rddreg [dreg:$0xf];
	[sflag:s4] =	ssyncadd.s32 $0xFFFFE000  }
0x17c: {  	[hbm4b:s1+s2] =	stream.linear.scatter [tilespmem:s25], [sflag:$0x5], $0x2000, $0x38;
	[tilespmem:$0x18000] =	vst v63  }
0x17d: {  	_ =	swait.ge [sflag:s4], $0x2000  }
0x17e: {  	[sflag:s4] =	ssyncset.done $0x0  }
0x17f: {  	s1 =	rddreg [dreg:$0x10];
	[sflag:s4] =	ssyncadd.s32 $0xFFFFE000  }
0x180: {  	[hbm4b:s1+s2] =	stream.linear.scatter [tilespmem:s24], [sflag:$0x5], $0x2000, $0x38;
	[tilespmem:$0x18000] =	vst v63  }
0x181: {  	_ =	swait.ge [sflag:s4], $0x2000  }
0x182: {  	[sflag:s4] =	ssyncset.done $0x0  }
0x183: {  	s1 =	rddreg [dreg:$0x11];
	[sflag:s4] =	ssyncadd.s32 $0xFFFFE000  }
0x184: {  	[tilespmem:s31], [sflag:$0x4] =	stream.linear.gather [hbm4b:s1+s2], $0x2000, $0x38;
	[tilespmem:$0x18000] =	vst v63  }
0x185: {  	_ =	swait.ge [sflag:s29], $0x2000  }
0x186: {  	[sflag:s29] =	ssyncset.done $0x0  }
0x187: {  	[sflag:s29] =	ssyncadd.s32 $0xFFFFE000  }
0x188: {  	[tilespmem:s28], [sflag:$0x3] =	stream.indirect.gather [hbm4b:s19+s26], $0x1, s31, s26, $0xb8;
	[tilespmem:$0x18000] =	vst v63  }
0x189: {  	_ = 	snop  }
0x18a: {  	[tilespmem:s25], [sflag:$0x3] =	stream.indirect.gather [hbm4b:s23+s26], $0x1, s31, s26, $0xb8;
	[tilespmem:$0x18000] =	vst v63  }
0x18b: {  	_ = 	snop  }
0x18c: {  	[tilespmem:s24], [sflag:$0x3] =	stream.indirect.gather [hbm4b:s3+s26], $0x1, s31, s26, $0xb8;
	[tilespmem:$0x18000] =	vst v63  }
0x18d: {  	_ =	swait.ge [sflag:s22], $0x2000  }
0x18e: {  	[sflag:s22] =	ssyncset.done $0x0  }
0x18f: {  	[sflag:s22] =	ssyncadd.s32 $0xFFFFE000  }
0x190: {  	_ =	swait.ge [sflag:s22], $0x2000  }
0x191: {  	[sflag:s22] =	ssyncset.done $0x0  }
0x192: {  	[sflag:s22] =	ssyncadd.s32 $0xFFFFE000  }
0x193: {  	_ =	swait.ge [sflag:s22], $0x2000  }
0x194: {  	[sflag:s22] =	ssyncset.done $0x0  }
0x195: {  	s1 =	rddreg [dreg:$0x12];
	[sflag:s22] =	ssyncadd.s32 $0xFFFFE000  }
0x196: {  	[hbm4b:s1+s2] =	stream.linear.scatter [tilespmem:s17], [sflag:$0x5], $0x2000, $0x38;
	[tilespmem:$0x18000] =	vst v63  }
0x197: {  	_ =	swait.ge [sflag:s4], $0x2000  }
0x198: {  	[sflag:s4] =	ssyncset.done $0x0  }
0x199: {  	s1 =	rddreg [dreg:$0x13];
	[sflag:s4] =	ssyncadd.s32 $0xFFFFE000  }
0x19a: {  	[hbm4b:s1+s2] =	stream.linear.scatter [tilespmem:s16], [sflag:$0x5], $0x2000, $0x38;
	[tilespmem:$0x18000] =	vst v63  }
0x19b: {  	_ =	swait.ge [sflag:s4], $0x2000  }
0x19c: {  	[sflag:s4] =	ssyncset.done $0x0  }
0x19d: {  	s1 =	rddreg [dreg:$0x14];
	[sflag:s4] =	ssyncadd.s32 $0xFFFFE000  }
0x19e: {  	[hbm4b:s1+s2] =	stream.linear.scatter [tilespmem:s14], [sflag:$0x5], $0x2000, $0x38;
	[tilespmem:$0x18000] =	vst v63  }
0x19f: {  	_ =	swait.ge [sflag:s4], $0x2000  }
0x1a0: {  	[sflag:s4] =	ssyncset.done $0x0  }
0x1a1: {  	s1 =	rddreg [dreg:$0x15];
	[sflag:s4] =	ssyncadd.s32 $0xFFFFE000  }
0x1a2: {  	[tilespmem:s2], [sflag:$0x4] =	stream.linear.gather [hbm4b:s1+s2], $0x2000, $0x38;
	[tilespmem:$0x18000] =	vst v63  }
0x1a3: {  	_ =	swait.ge [sflag:s29], $0x2000  }
0x1a4: {  	[sflag:s29] =	ssyncset.done $0x0  }
0x1a5: {  	[sflag:s29] =	ssyncadd.s32 $0xFFFFE000  }
0x1a6: {  	[tilespmem:s17], [sflag:$0x1] =	stream.indirect.gather [hbm4b:s19+s26], $0x1, s2, s26, $0xb8;
	[tilespmem:$0x18000] =	vst v63  }
0x1a7: {  	_ = 	snop  }
0x1a8: {  	[tilespmem:s16], [sflag:$0x1] =	stream.indirect.gather [hbm4b:s23+s26], $0x1, s2, s26, $0xb8;
	[tilespmem:$0x18000] =	vst v63  }
0x1a9: {  	_ = 	snop  }
0x1aa: {  	[tilespmem:s14], [sflag:$0x1] =	stream.indirect.gather [hbm4b:s3+s26], $0x1, s2, s26, $0xb8;
	[tilespmem:$0x18000] =	vst v63  }
0x1ab: {  	_ =	swait.ge [sflag:s15], $0x2000  }
0x1ac: {  	[sflag:s15] =	ssyncset.done $0x0  }
0x1ad: {  	[sflag:s15] =	ssyncadd.s32 $0xFFFFE000  }
0x1ae: {  	_ =	swait.ge [sflag:s15], $0x2000  }
0x1af: {  	[sflag:s15] =	ssyncset.done $0x0  }
0x1b0: {  	[sflag:s15] =	ssyncadd.s32 $0xFFFFE000  }
0x1b1: {  	_ =	swait.ge [sflag:s15], $0x2000  }
0x1b2: {  	[sflag:s15] =	ssyncset.done $0x0  }
0x1b3: {  	s1 =	rddreg [dreg:$0x16];
	[sflag:s15] =	ssyncadd.s32 $0xFFFFE000  }
0x1b4: {  	[hbm4b:s1+s2] =	stream.linear.scatter [tilespmem:s10], [sflag:$0x5], $0x2000, $0x38;
	[tilespmem:$0x18000] =	vst v63  }
0x1b5: {  	_ =	swait.ge [sflag:s4], $0x2000  }
0x1b6: {  	[sflag:s4] =	ssyncset.done $0x0  }
0x1b7: {  	s1 =	rddreg [dreg:$0x17];
	[sflag:s4] =	ssyncadd.s32 $0xFFFFE000  }
0x1b8: {  	[hbm4b:s1+s2] =	stream.linear.scatter [tilespmem:s9], [sflag:$0x5], $0x2000, $0x38;
	[tilespmem:$0x18000] =	vst v63  }
0x1b9: {  	_ =	swait.ge [sflag:s4], $0x2000  }
0x1ba: {  	[sflag:s4] =	ssyncset.done $0x0  }
0x1bb: {  	s1 =	rddreg [dreg:$0x18];
	[sflag:s4] =	ssyncadd.s32 $0xFFFFE000  }
0x1bc: {  	[hbm4b:s1+s2] =	stream.linear.scatter [tilespmem:s8], [sflag:$0x5], $0x2000, $0x38;
	[tilespmem:$0x18000] =	vst v63  }
0x1bd: {  	_ =	swait.ge [sflag:s4], $0x2000  }
0x1be: {  	[sflag:s4] =	ssyncset.done $0x0  }
0x1bf: {  	s1 =	rddreg [dreg:$0x19];
	[sflag:s4] =	ssyncadd.s32 $0xFFFFE000  }
0x1c0: {  	[tilespmem:s26], [sflag:$0x4] =	stream.linear.gather [hbm4b:s1+s2], $0x2000, $0x38;
	[tilespmem:$0x18000] =	vst v63  }
0x1c1: {  	_ =	swait.ge [sflag:s29], $0x2000  }
0x1c2: {  	[sflag:s29] =	ssyncset.done $0x0  }
0x1c3: {  	[sflag:s29] =	ssyncadd.s32 $0xFFFFE000  }
0x1c4: {  	[tilespmem:s10], [sflag:$0x2] =	stream.indirect.gather [hbm4b:s19+s26], $0x1, s26, s26, $0xb8;
	[tilespmem:$0x18000] =	vst v63  }
0x1c5: {  	_ = 	snop  }
0x1c6: {  	[tilespmem:s9], [sflag:$0x2] =	stream.indirect.gather [hbm4b:s23+s26], $0x1, s26, s26, $0xb8;
	[tilespmem:$0x18000] =	vst v63  }
0x1c7: {  	_ = 	snop  }
0x1c8: {  	[tilespmem:s8], [sflag:$0x2] =	stream.indirect.gather [hbm4b:s3+s26], $0x1, s26, s26, $0xb8;
	[tilespmem:$0x18000] =	vst v63  }
0x1c9: {  	_ =	swait.ge [sflag:s30], $0x2000  }
0x1ca: {  	[sflag:s30] =	ssyncset.done $0x0  }
0x1cb: {  	[sflag:s30] =	ssyncadd.s32 $0xFFFFE000  }
0x1cc: {  	_ =	swait.ge [sflag:s30], $0x2000  }
0x1cd: {  	[sflag:s30] =	ssyncset.done $0x0  }
0x1ce: {  	[sflag:s30] =	ssyncadd.s32 $0xFFFFE000  }
0x1cf: {  	_ =	swait.ge [sflag:s30], $0x2000  }
0x1d0: {  	[sflag:s30] =	ssyncset.done $0x0  }
0x1d1: {  	[sflag:s30] =	ssyncadd.s32 $0xFFFFE000  }
0x1d2: {  	[hbm4b:s21+s2] =	stream.linear.scatter [tilespmem:s28], [sflag:$0x5], $0x2000, $0x38;
	[tilespmem:$0x18000] =	vst v63  }
0x1d3: {  	_ =	swait.ge [sflag:s4], $0x2000  }
0x1d4: {  	[sflag:s4] =	ssyncset.done $0x0  }
0x1d5: {  	[sflag:s4] =	ssyncadd.s32 $0xFFFFE000  }
0x1d6: {  	[hbm4b:s20+s2] =	stream.linear.scatter [tilespmem:s25], [sflag:$0x5], $0x2000, $0x38;
	[tilespmem:$0x18000] =	vst v63  }
0x1d7: {  	_ =	swait.ge [sflag:s4], $0x2000  }
0x1d8: {  	[sflag:s4] =	ssyncset.done $0x0  }
0x1d9: {  	[sflag:s4] =	ssyncadd.s32 $0xFFFFE000  }
0x1da: {  	[hbm4b:s18+s2] =	stream.linear.scatter [tilespmem:s24], [sflag:$0x5], $0x2000, $0x38;
	[tilespmem:$0x18000] =	vst v63  }
0x1db: {  	_ =	swait.ge [sflag:s4], $0x2000  }
0x1dc: {  	[sflag:s4] =	ssyncset.done $0x0  }
0x1dd: {  	[sflag:s4] =	ssyncadd.s32 $0xFFFFE000  }
0x1de: {  	_ =	swait.ge [sflag:s22], $0x2000  }
0x1df: {  	[sflag:s22] =	ssyncset.done $0x0  }
0x1e0: {  	[sflag:s22] =	ssyncadd.s32 $0xFFFFE000  }
0x1e1: {  	_ =	swait.ge [sflag:s22], $0x2000  }
0x1e2: {  	[sflag:s22] =	ssyncset.done $0x0  }
0x1e3: {  	[sflag:s22] =	ssyncadd.s32 $0xFFFFE000  }
0x1e4: {  	_ =	swait.ge [sflag:s22], $0x2000  }
0x1e5: {  	[sflag:s22] =	ssyncset.done $0x0  }
0x1e6: {  	[sflag:s22] =	ssyncadd.s32 $0xFFFFE000  }
0x1e7: {  	[hbm4b:s13+s2] =	stream.linear.scatter [tilespmem:s17], [sflag:$0x5], $0x2000, $0x38;
	[tilespmem:$0x18000] =	vst v63  }
0x1e8: {  	_ =	swait.ge [sflag:s4], $0x2000  }
0x1e9: {  	[sflag:s4] =	ssyncset.done $0x0  }
0x1ea: {  	[sflag:s4] =	ssyncadd.s32 $0xFFFFE000  }
0x1eb: {  	[hbm4b:s12+s2] =	stream.linear.scatter [tilespmem:s16], [sflag:$0x5], $0x2000, $0x38;
	[tilespmem:$0x18000] =	vst v63  }
0x1ec: {  	_ =	swait.ge [sflag:s4], $0x2000  }
0x1ed: {  	[sflag:s4] =	ssyncset.done $0x0  }
0x1ee: {  	[sflag:s4] =	ssyncadd.s32 $0xFFFFE000  }
0x1ef: {  	[hbm4b:s11+s2] =	stream.linear.scatter [tilespmem:s14], [sflag:$0x5], $0x2000, $0x38;
	[tilespmem:$0x18000] =	vst v63  }
0x1f0: {  	_ =	swait.ge [sflag:s4], $0x2000  }
0x1f1: {  	[sflag:s4] =	ssyncset.done $0x0  }
0x1f2: {  	[sflag:s4] =	ssyncadd.s32 $0xFFFFE000  }
0x1f3: {  	_ =	swait.ge [sflag:s15], $0x2000  }
0x1f4: {  	[sflag:s15] =	ssyncset.done $0x0  }
0x1f5: {  	[sflag:s15] =	ssyncadd.s32 $0xFFFFE000  }
0x1f6: {  	_ =	swait.ge [sflag:s15], $0x2000  }
0x1f7: {  	[sflag:s15] =	ssyncset.done $0x0  }
0x1f8: {  	[sflag:s15] =	ssyncadd.s32 $0xFFFFE000  }
0x1f9: {  	_ =	swait.ge [sflag:s15], $0x2000  }
0x1fa: {  	[sflag:s15] =	ssyncset.done $0x0  }
0x1fb: {  	[sflag:s15] =	ssyncadd.s32 $0xFFFFE000  }
0x1fc: {  	[hbm4b:s7+s2] =	stream.linear.scatter [tilespmem:s10], [sflag:$0x5], $0x2000, $0x38;
	[tilespmem:$0x18000] =	vst v63  }
0x1fd: {  	_ =	swait.ge [sflag:s4], $0x2000  }
0x1fe: {  	[sflag:s4] =	ssyncset.done $0x0  }
0x1ff: {  	[sflag:s4] =	ssyncadd.s32 $0xFFFFE000  }
0x200: {  	[hbm4b:s6+s2] =	stream.linear.scatter [tilespmem:s9], [sflag:$0x5], $0x2000, $0x38;
	[tilespmem:$0x18000] =	vst v63  }
0x201: {  	p1 =	sne.s32 s0, $0x1;
	_ =	swait.ge [sflag:s4], $0x2000  }
.Ltmp2:
0x202: {  	[sflag:s4] =	ssyncset.done $0x0;
	(pc) =	sbr.rel @p1 .LBB2_2-.Ltmp2, $4  }
0x203: {  	[sflag:s4] =	ssyncadd.s32 $0xFFFFE000  }
0x204: {  	[hbm4b:s5+s2] =	stream.linear.scatter [tilespmem:s8], [sflag:$0x5], $0x2000, $0x38;
	[tilespmem:$0x18000] =	vst v63  }
0x205: {  	_ =	swait.ge [sflag:s4], $0x2000  }
0x206: {  	s0 =	sadd.s32 $0xFFFFFFFF, s0;
	s1 =	rddreg [dreg:$0x3];
	[sflag:s4] =	ssyncset.done $0x0  }
.LBB2_3:
0x207: {  	[sflag:s4] =	ssyncadd.s32 @p0 $0xFFFFE000  }
0x208: {  	[tilespmem:s2], [sflag:$0x5] =	stream.linear.gather [hbm4b:s1+s2], $0x2000, $0x38;
	[tilespmem:$0x18000] =	vst v63  }
0x209: {  	_ =	swait.ge [sflag:s4], $0x2000  }
0x20a: {  	[sflag:s4] =	ssyncset.done $0x0  }
0x20b: {  	[sflag:s4] =	ssyncadd.s32 $0xFFFFE000  }
0x20c: {  	[tilespmem:s17], [sflag:$0x1] =	stream.indirect.gather [hbm4b:s19+s26], $0x1, s2, s26, $0xb8;
	[tilespmem:$0x18000] =	vst v63  }
0x20d: {  	_ = 	snop  }
0x20e: {  	[tilespmem:s16], [sflag:$0x1] =	stream.indirect.gather [hbm4b:s23+s26], $0x1, s2, s26, $0xb8;
	[tilespmem:$0x18000] =	vst v63  }
0x20f: {  	_ = 	snop  }
0x210: {  	[tilespmem:s14], [sflag:$0x1] =	stream.indirect.gather [hbm4b:s3+s26], $0x1, s2, s26, $0xb8;
	[tilespmem:$0x18000] =	vst v63  }
0x211: {  	s0 =	rddreg [dreg:$0x4]  }
0x212: {  	[tilespmem:s26], [sflag:$0x4] =	stream.linear.gather [hbm4b:s0+s2], $0x2000, $0x38;
	[tilespmem:$0x18000] =	vst v63  }
0x213: {  	_ =	swait.ge [sflag:s29], $0x2000  }
0x214: {  	[sflag:s29] =	ssyncset.done $0x0  }
0x215: {  	[sflag:s29] =	ssyncadd.s32 $0xFFFFE000  }
0x216: {  	[tilespmem:s10], [sflag:$0x2] =	stream.indirect.gather [hbm4b:s19+s26], $0x1, s26, s26, $0xb8;
	[tilespmem:$0x18000] =	vst v63  }
0x217: {  	_ = 	snop  }
0x218: {  	[tilespmem:s9], [sflag:$0x2] =	stream.indirect.gather [hbm4b:s23+s26], $0x1, s26, s26, $0xb8;
	[tilespmem:$0x18000] =	vst v63  }
0x219: {  	_ = 	snop  }
0x21a: {  	[tilespmem:s8], [sflag:$0x2] =	stream.indirect.gather [hbm4b:s3+s26], $0x1, s26, s26, $0xb8;
	[tilespmem:$0x18000] =	vst v63  }
0x21b: {  	s1 =	rddreg [dreg:$0x5]  }
0x21c: {  	[tilespmem:s31], [sflag:$0x4] =	stream.linear.gather [hbm4b:s1+s2], $0x2000, $0x38;
	[tilespmem:$0x18000] =	vst v63  }
0x21d: {  	_ =	swait.ge [sflag:s29], $0x2000  }
0x21e: {  	[sflag:s29] =	ssyncset.done $0x0  }
0x21f: {  	[sflag:s29] =	ssyncadd.s32 $0xFFFFE000  }
0x220: {  	[tilespmem:s28], [sflag:$0x3] =	stream.indirect.gather [hbm4b:s19+s26], $0x1, s31, s26, $0xb8;
	[tilespmem:$0x18000] =	vst v63  }
0x221: {  	_ = 	snop  }
0x222: {  	[tilespmem:s25], [sflag:$0x3] =	stream.indirect.gather [hbm4b:s23+s26], $0x1, s31, s26, $0xb8;
	[tilespmem:$0x18000] =	vst v63  }
0x223: {  	_ = 	snop  }
0x224: {  	[tilespmem:s24], [sflag:$0x3] =	stream.indirect.gather [hbm4b:s3+s26], $0x1, s31, s26, $0xb8;
	[tilespmem:$0x18000] =	vst v63  }
0x225: {  	_ =	swait.ge [sflag:s22], $0x2000  }
0x226: {  	[sflag:s22] =	ssyncset.done $0x0  }
0x227: {  	[sflag:s22] =	ssyncadd.s32 $0xFFFFE000  }
0x228: {  	_ =	swait.ge [sflag:s22], $0x2000  }
0x229: {  	[sflag:s22] =	ssyncset.done $0x0  }
0x22a: {  	[sflag:s22] =	ssyncadd.s32 $0xFFFFE000  }
0x22b: {  	_ =	swait.ge [sflag:s22], $0x2000  }
0x22c: {  	[sflag:s22] =	ssyncset.done $0x0  }
0x22d: {  	s1 =	rddreg [dreg:$0x6];
	[sflag:s22] =	ssyncadd.s32 $0xFFFFE000  }
0x22e: {  	[hbm4b:s1+s2] =	stream.linear.scatter [tilespmem:s17], [sflag:$0x5], $0x2000, $0x38;
	[tilespmem:$0x18000] =	vst v63  }
0x22f: {  	_ =	swait.ge [sflag:s4], $0x2000  }
0x230: {  	[sflag:s4] =	ssyncset.done $0x0  }
0x231: {  	s1 =	rddreg [dreg:$0x7];
	[sflag:s4] =	ssyncadd.s32 $0xFFFFE000  }
0x232: {  	[hbm4b:s1+s2] =	stream.linear.scatter [tilespmem:s16], [sflag:$0x5], $0x2000, $0x38;
	[tilespmem:$0x18000] =	vst v63  }
0x233: {  	_ =	swait.ge [sflag:s4], $0x2000  }
0x234: {  	[sflag:s4] =	ssyncset.done $0x0  }
0x235: {  	s1 =	rddreg [dreg:$0x8];
	[sflag:s4] =	ssyncadd.s32 $0xFFFFE000  }
0x236: {  	[hbm4b:s1+s2] =	stream.linear.scatter [tilespmem:s14], [sflag:$0x5], $0x2000, $0x38;
	[tilespmem:$0x18000] =	vst v63  }
0x237: {  	_ =	swait.ge [sflag:s4], $0x2000  }
0x238: {  	[sflag:s4] =	ssyncset.done $0x0  }
0x239: {  	s1 =	rddreg [dreg:$0x9];
	[sflag:s4] =	ssyncadd.s32 $0xFFFFE000  }
0x23a: {  	[tilespmem:s2], [sflag:$0x4] =	stream.linear.gather [hbm4b:s1+s2], $0x2000, $0x38;
	[tilespmem:$0x18000] =	vst v63  }
0x23b: {  	_ =	swait.ge [sflag:s29], $0x2000  }
0x23c: {  	[sflag:s29] =	ssyncset.done $0x0  }
0x23d: {  	[sflag:s29] =	ssyncadd.s32 $0xFFFFE000  }
0x23e: {  	[tilespmem:s17], [sflag:$0x1] =	stream.indirect.gather [hbm4b:s19+s26], $0x1, s2, s26, $0xb8;
	[tilespmem:$0x18000] =	vst v63  }
0x23f: {  	_ = 	snop  }
0x240: {  	[tilespmem:s16], [sflag:$0x1] =	stream.indirect.gather [hbm4b:s23+s26], $0x1, s2, s26, $0xb8;
	[tilespmem:$0x18000] =	vst v63  }
0x241: {  	_ = 	snop  }
0x242: {  	[tilespmem:s14], [sflag:$0x1] =	stream.indirect.gather [hbm4b:s3+s26], $0x1, s2, s26, $0xb8;
	[tilespmem:$0x18000] =	vst v63  }
0x243: {  	_ =	swait.ge [sflag:s15], $0x2000  }
0x244: {  	[sflag:s15] =	ssyncset.done $0x0  }
0x245: {  	[sflag:s15] =	ssyncadd.s32 $0xFFFFE000  }
0x246: {  	_ =	swait.ge [sflag:s15], $0x2000  }
0x247: {  	[sflag:s15] =	ssyncset.done $0x0  }
0x248: {  	[sflag:s15] =	ssyncadd.s32 $0xFFFFE000  }
0x249: {  	_ =	swait.ge [sflag:s15], $0x2000  }
0x24a: {  	[sflag:s15] =	ssyncset.done $0x0  }
0x24b: {  	s1 =	rddreg [dreg:$0xa];
	[sflag:s15] =	ssyncadd.s32 $0xFFFFE000  }
0x24c: {  	[hbm4b:s1+s2] =	stream.linear.scatter [tilespmem:s10], [sflag:$0x5], $0x2000, $0x38;
	[tilespmem:$0x18000] =	vst v63  }
0x24d: {  	_ =	swait.ge [sflag:s4], $0x2000  }
0x24e: {  	[sflag:s4] =	ssyncset.done $0x0  }
0x24f: {  	s1 =	rddreg [dreg:$0xb];
	[sflag:s4] =	ssyncadd.s32 $0xFFFFE000  }
0x250: {  	[hbm4b:s1+s2] =	stream.linear.scatter [tilespmem:s9], [sflag:$0x5], $0x2000, $0x38;
	[tilespmem:$0x18000] =	vst v63  }
0x251: {  	_ =	swait.ge [sflag:s4], $0x2000  }
0x252: {  	[sflag:s4] =	ssyncset.done $0x0  }
0x253: {  	s1 =	rddreg [dreg:$0xc];
	[sflag:s4] =	ssyncadd.s32 $0xFFFFE000  }
0x254: {  	[hbm4b:s1+s2] =	stream.linear.scatter [tilespmem:s8], [sflag:$0x5], $0x2000, $0x38;
	[tilespmem:$0x18000] =	vst v63  }
0x255: {  	_ =	swait.ge [sflag:s4], $0x2000  }
0x256: {  	[sflag:s4] =	ssyncset.done $0x0  }
0x257: {  	s1 =	rddreg [dreg:$0xd];
	[sflag:s4] =	ssyncadd.s32 $0xFFFFE000  }
0x258: {  	[tilespmem:s26], [sflag:$0x4] =	stream.linear.gather [hbm4b:s1+s2], $0x2000, $0x38;
	[tilespmem:$0x18000] =	vst v63  }
0x259: {  	_ =	swait.ge [sflag:s29], $0x2000  }
0x25a: {  	[sflag:s29] =	ssyncset.done $0x0  }
0x25b: {  	[sflag:s29] =	ssyncadd.s32 $0xFFFFE000  }
0x25c: {  	[tilespmem:s10], [sflag:$0x2] =	stream.indirect.gather [hbm4b:s19+s26], $0x1, s26, s26, $0xb8;
	[tilespmem:$0x18000] =	vst v63  }
0x25d: {  	_ = 	snop  }
0x25e: {  	[tilespmem:s9], [sflag:$0x2] =	stream.indirect.gather [hbm4b:s23+s26], $0x1, s26, s26, $0xb8;
	[tilespmem:$0x18000] =	vst v63  }
0x25f: {  	_ = 	snop  }
0x260: {  	[tilespmem:s8], [sflag:$0x2] =	stream.indirect.gather [hbm4b:s3+s26], $0x1, s26, s26, $0xb8;
	[tilespmem:$0x18000] =	vst v63  }
0x261: {  	_ =	swait.ge [sflag:s30], $0x2000  }
0x262: {  	[sflag:s30] =	ssyncset.done $0x0  }
0x263: {  	[sflag:s30] =	ssyncadd.s32 $0xFFFFE000  }
0x264: {  	_ =	swait.ge [sflag:s30], $0x2000  }
0x265: {  	[sflag:s30] =	ssyncset.done $0x0  }
0x266: {  	[sflag:s30] =	ssyncadd.s32 $0xFFFFE000  }
0x267: {  	_ =	swait.ge [sflag:s30], $0x2000  }
0x268: {  	[sflag:s30] =	ssyncset.done $0x0  }
0x269: {  	s1 =	rddreg [dreg:$0xe];
	[sflag:s30] =	ssyncadd.s32 $0xFFFFE000  }
0x26a: {  	[hbm4b:s1+s2] =	stream.linear.scatter [tilespmem:s28], [sflag:$0x5], $0x2000, $0x38;
	[tilespmem:$0x18000] =	vst v63  }
0x26b: {  	_ =	swait.ge [sflag:s4], $0x2000  }
0x26c: {  	[sflag:s4] =	ssyncset.done $0x0  }
0x26d: {  	s1 =	rddreg [dreg:$0xf];
	[sflag:s4] =	ssyncadd.s32 $0xFFFFE000  }
0x26e: {  	[hbm4b:s1+s2] =	stream.linear.scatter [tilespmem:s25], [sflag:$0x5], $0x2000, $0x38;
	[tilespmem:$0x18000] =	vst v63  }
0x26f: {  	_ =	swait.ge [sflag:s4], $0x2000  }
0x270: {  	[sflag:s4] =	ssyncset.done $0x0  }
0x271: {  	s1 =	rddreg [dreg:$0x10];
	[sflag:s4] =	ssyncadd.s32 $0xFFFFE000  }
0x272: {  	[hbm4b:s1+s2] =	stream.linear.scatter [tilespmem:s24], [sflag:$0x5], $0x2000, $0x38;
	[tilespmem:$0x18000] =	vst v63  }
0x273: {  	_ =	swait.ge [sflag:s4], $0x2000  }
0x274: {  	[sflag:s4] =	ssyncset.done $0x0  }
0x275: {  	s1 =	rddreg [dreg:$0x11];
	[sflag:s4] =	ssyncadd.s32 $0xFFFFE000  }
0x276: {  	[tilespmem:s31], [sflag:$0x4] =	stream.linear.gather [hbm4b:s1+s2], $0x2000, $0x38;
	[tilespmem:$0x18000] =	vst v63  }
0x277: {  	_ =	swait.ge [sflag:s29], $0x2000  }
0x278: {  	[sflag:s29] =	ssyncset.done $0x0  }
0x279: {  	[sflag:s29] =	ssyncadd.s32 $0xFFFFE000  }
0x27a: {  	[tilespmem:s28], [sflag:$0x3] =	stream.indirect.gather [hbm4b:s19+s26], $0x1, s31, s26, $0xb8;
	[tilespmem:$0x18000] =	vst v63  }
0x27b: {  	_ = 	snop  }
0x27c: {  	[tilespmem:s25], [sflag:$0x3] =	stream.indirect.gather [hbm4b:s23+s26], $0x1, s31, s26, $0xb8;
	[tilespmem:$0x18000] =	vst v63  }
0x27d: {  	_ = 	snop  }
0x27e: {  	[tilespmem:s24], [sflag:$0x3] =	stream.indirect.gather [hbm4b:s3+s26], $0x1, s31, s26, $0xb8;
	[tilespmem:$0x18000] =	vst v63  }
0x27f: {  	_ =	swait.ge [sflag:s22], $0x2000  }
0x280: {  	[sflag:s22] =	ssyncset.done $0x0  }
0x281: {  	[sflag:s22] =	ssyncadd.s32 $0xFFFFE000  }
0x282: {  	_ =	swait.ge [sflag:s22], $0x2000  }
0x283: {  	[sflag:s22] =	ssyncset.done $0x0  }
0x284: {  	[sflag:s22] =	ssyncadd.s32 $0xFFFFE000  }
0x285: {  	_ =	swait.ge [sflag:s22], $0x2000  }
0x286: {  	[sflag:s22] =	ssyncset.done $0x0  }
0x287: {  	s31 =	rddreg [dreg:$0x12];
	[sflag:s22] =	ssyncadd.s32 $0xFFFFE000  }
0x288: {  	[hbm4b:s31+s2] =	stream.linear.scatter [tilespmem:s17], [sflag:$0x5], $0x2000, $0x38;
	[tilespmem:$0x18000] =	vst v63  }
0x289: {  	_ =	swait.ge [sflag:s4], $0x2000  }
0x28a: {  	[sflag:s4] =	ssyncset.done $0x0  }
0x28b: {  	s1 =	rddreg [dreg:$0x13];
	[sflag:s4] =	ssyncadd.s32 $0xFFFFE000  }
0x28c: {  	[hbm4b:s1+s2] =	stream.linear.scatter [tilespmem:s16], [sflag:$0x5], $0x2000, $0x38;
	[tilespmem:$0x18000] =	vst v63  }
0x28d: {  	_ =	swait.ge [sflag:s4], $0x2000  }
0x28e: {  	[sflag:s4] =	ssyncset.done $0x0  }
0x28f: {  	s31 =	rddreg [dreg:$0x14];
	[sflag:s4] =	ssyncadd.s32 $0xFFFFE000  }
0x290: {  	[hbm4b:s31+s2] =	stream.linear.scatter [tilespmem:s14], [sflag:$0x5], $0x2000, $0x38;
	[tilespmem:$0x18000] =	vst v63  }
0x291: {  	_ =	swait.ge [sflag:s4], $0x2000  }
0x292: {  	[sflag:s4] =	ssyncset.done $0x0  }
0x293: {  	s1 =	rddreg [dreg:$0x15];
	[sflag:s4] =	ssyncadd.s32 $0xFFFFE000  }
0x294: {  	[tilespmem:s2], [sflag:$0x4] =	stream.linear.gather [hbm4b:s1+s2], $0x2000, $0x38;
	[tilespmem:$0x18000] =	vst v63  }
0x295: {  	_ =	swait.ge [sflag:s29], $0x2000  }
0x296: {  	[sflag:s29] =	ssyncset.done $0x0  }
0x297: {  	[sflag:s29] =	ssyncadd.s32 $0xFFFFE000  }
0x298: {  	[tilespmem:s17], [sflag:$0x1] =	stream.indirect.gather [hbm4b:s19+s26], $0x1, s2, s26, $0xb8;
	[tilespmem:$0x18000] =	vst v63  }
0x299: {  	_ = 	snop  }
0x29a: {  	[tilespmem:s16], [sflag:$0x1] =	stream.indirect.gather [hbm4b:s23+s26], $0x1, s2, s26, $0xb8;
	[tilespmem:$0x18000] =	vst v63  }
0x29b: {  	_ = 	snop  }
0x29c: {  	[tilespmem:s14], [sflag:$0x1] =	stream.indirect.gather [hbm4b:s3+s26], $0x1, s2, s26, $0xb8;
	[tilespmem:$0x18000] =	vst v63  }
0x29d: {  	_ =	swait.ge [sflag:s15], $0x2000  }
0x29e: {  	[sflag:s15] =	ssyncset.done $0x0  }
0x29f: {  	[sflag:s15] =	ssyncadd.s32 $0xFFFFE000  }
0x2a0: {  	_ =	swait.ge [sflag:s15], $0x2000  }
0x2a1: {  	[sflag:s15] =	ssyncset.done $0x0  }
0x2a2: {  	[sflag:s15] =	ssyncadd.s32 $0xFFFFE000  }
0x2a3: {  	_ =	swait.ge [sflag:s15], $0x2000  }
0x2a4: {  	[sflag:s15] =	ssyncset.done $0x0  }
0x2a5: {  	s31 =	rddreg [dreg:$0x16];
	[sflag:s15] =	ssyncadd.s32 $0xFFFFE000  }
0x2a6: {  	[hbm4b:s31+s2] =	stream.linear.scatter [tilespmem:s10], [sflag:$0x5], $0x2000, $0x38;
	[tilespmem:$0x18000] =	vst v63  }
0x2a7: {  	_ =	swait.ge [sflag:s4], $0x2000  }
0x2a8: {  	[sflag:s4] =	ssyncset.done $0x0  }
0x2a9: {  	s1 =	rddreg [dreg:$0x17];
	[sflag:s4] =	ssyncadd.s32 $0xFFFFE000  }
0x2aa: {  	[hbm4b:s1+s2] =	stream.linear.scatter [tilespmem:s9], [sflag:$0x5], $0x2000, $0x38;
	[tilespmem:$0x18000] =	vst v63  }
0x2ab: {  	_ =	swait.ge [sflag:s4], $0x2000  }
0x2ac: {  	[sflag:s4] =	ssyncset.done $0x0  }
0x2ad: {  	s31 =	rddreg [dreg:$0x18];
	[sflag:s4] =	ssyncadd.s32 $0xFFFFE000  }
0x2ae: {  	[hbm4b:s31+s2] =	stream.linear.scatter [tilespmem:s8], [sflag:$0x5], $0x2000, $0x38;
	[tilespmem:$0x18000] =	vst v63  }
0x2af: {  	_ =	swait.ge [sflag:s4], $0x2000  }
0x2b0: {  	[sflag:s4] =	ssyncset.done $0x0  }
0x2b1: {  	s1 =	rddreg [dreg:$0x19];
	[sflag:s4] =	ssyncadd.s32 $0xFFFFE000  }
0x2b2: {  	[tilespmem:s26], [sflag:$0x4] =	stream.linear.gather [hbm4b:s1+s2], $0x2000, $0x38;
	[tilespmem:$0x18000] =	vst v63  }
0x2b3: {  	_ =	swait.ge [sflag:s29], $0x2000  }
0x2b4: {  	[sflag:s29] =	ssyncset.done $0x0  }
0x2b5: {  	[sflag:s29] =	ssyncadd.s32 $0xFFFFE000  }
0x2b6: {  	[tilespmem:s10], [sflag:$0x2] =	stream.indirect.gather [hbm4b:s19+s26], $0x1, s26, s26, $0xb8;
	[tilespmem:$0x18000] =	vst v63  }
0x2b7: {  	_ = 	snop  }
0x2b8: {  	[tilespmem:s9], [sflag:$0x2] =	stream.indirect.gather [hbm4b:s23+s26], $0x1, s26, s26, $0xb8;
	[tilespmem:$0x18000] =	vst v63  }
0x2b9: {  	_ = 	snop  }
0x2ba: {  	[tilespmem:s8], [sflag:$0x2] =	stream.indirect.gather [hbm4b:s3+s26], $0x1, s26, s26, $0xb8;
	[tilespmem:$0x18000] =	vst v63  }
0x2bb: {  	_ =	swait.ge [sflag:s30], $0x2000  }
0x2bc: {  	[sflag:s30] =	ssyncset.done $0x0  }
0x2bd: {  	[sflag:s30] =	ssyncadd.s32 $0xFFFFE000  }
0x2be: {  	_ =	swait.ge [sflag:s30], $0x2000  }
0x2bf: {  	[sflag:s30] =	ssyncset.done $0x0  }
0x2c0: {  	[sflag:s30] =	ssyncadd.s32 $0xFFFFE000  }
0x2c1: {  	_ =	swait.ge [sflag:s30], $0x2000  }
0x2c2: {  	[sflag:s30] =	ssyncset.done $0x0  }
0x2c3: {  	[sflag:s30] =	ssyncadd.s32 $0xFFFFE000  }
0x2c4: {  	[hbm4b:s21+s2] =	stream.linear.scatter [tilespmem:s28], [sflag:$0x5], $0x2000, $0x38;
	[tilespmem:$0x18000] =	vst v63  }
0x2c5: {  	_ =	swait.ge [sflag:s4], $0x2000  }
0x2c6: {  	[sflag:s4] =	ssyncset.done $0x0  }
0x2c7: {  	[sflag:s4] =	ssyncadd.s32 $0xFFFFE000  }
0x2c8: {  	[hbm4b:s20+s2] =	stream.linear.scatter [tilespmem:s25], [sflag:$0x5], $0x2000, $0x38;
	[tilespmem:$0x18000] =	vst v63  }
0x2c9: {  	_ =	swait.ge [sflag:s4], $0x2000  }
0x2ca: {  	[sflag:s4] =	ssyncset.done $0x0  }
0x2cb: {  	[sflag:s4] =	ssyncadd.s32 $0xFFFFE000  }
0x2cc: {  	[hbm4b:s18+s2] =	stream.linear.scatter [tilespmem:s24], [sflag:$0x5], $0x2000, $0x38;
	[tilespmem:$0x18000] =	vst v63  }
0x2cd: {  	_ =	swait.ge [sflag:s4], $0x2000  }
0x2ce: {  	[sflag:s4] =	ssyncset.done $0x0  }
0x2cf: {  	[sflag:s4] =	ssyncadd.s32 $0xFFFFE000  }
0x2d0: {  	_ =	swait.ge [sflag:s22], $0x2000  }
0x2d1: {  	[sflag:s22] =	ssyncset.done $0x0  }
0x2d2: {  	[sflag:s22] =	ssyncadd.s32 $0xFFFFE000  }
0x2d3: {  	_ =	swait.ge [sflag:s22], $0x2000  }
0x2d4: {  	[sflag:s22] =	ssyncset.done $0x0  }
0x2d5: {  	[sflag:s22] =	ssyncadd.s32 $0xFFFFE000  }
0x2d6: {  	_ =	swait.ge [sflag:s22], $0x2000  }
0x2d7: {  	[sflag:s22] =	ssyncset.done $0x0  }
0x2d8: {  	[sflag:s22] =	ssyncadd.s32 $0xFFFFE000  }
0x2d9: {  	[hbm4b:s13+s2] =	stream.linear.scatter [tilespmem:s17], [sflag:$0x5], $0x2000, $0x38;
	[tilespmem:$0x18000] =	vst v63  }
0x2da: {  	_ =	swait.ge [sflag:s4], $0x2000  }
0x2db: {  	[sflag:s4] =	ssyncset.done $0x0  }
0x2dc: {  	[sflag:s4] =	ssyncadd.s32 $0xFFFFE000  }
0x2dd: {  	[hbm4b:s12+s2] =	stream.linear.scatter [tilespmem:s16], [sflag:$0x5], $0x2000, $0x38;
	[tilespmem:$0x18000] =	vst v63  }
0x2de: {  	_ =	swait.ge [sflag:s4], $0x2000  }
0x2df: {  	[sflag:s4] =	ssyncset.done $0x0  }
0x2e0: {  	[sflag:s4] =	ssyncadd.s32 $0xFFFFE000  }
0x2e1: {  	[hbm4b:s11+s2] =	stream.linear.scatter [tilespmem:s14], [sflag:$0x5], $0x2000, $0x38;
	[tilespmem:$0x18000] =	vst v63  }
0x2e2: {  	_ =	swait.ge [sflag:s4], $0x2000  }
0x2e3: {  	[sflag:s4] =	ssyncset.done $0x0  }
0x2e4: {  	[sflag:s4] =	ssyncadd.s32 $0xFFFFE000  }
0x2e5: {  	_ =	swait.ge [sflag:s15], $0x2000  }
0x2e6: {  	[sflag:s15] =	ssyncset.done $0x0  }
0x2e7: {  	[sflag:s15] =	ssyncadd.s32 $0xFFFFE000  }
0x2e8: {  	_ =	swait.ge [sflag:s15], $0x2000  }
0x2e9: {  	[sflag:s15] =	ssyncset.done $0x0  }
0x2ea: {  	[sflag:s15] =	ssyncadd.s32 $0xFFFFE000  }
0x2eb: {  	_ =	swait.ge [sflag:s15], $0x2000  }
0x2ec: {  	[sflag:s15] =	ssyncset.done $0x0  }
0x2ed: {  	[sflag:s15] =	ssyncadd.s32 $0xFFFFE000  }
0x2ee: {  	[hbm4b:s7+s2] =	stream.linear.scatter [tilespmem:s10], [sflag:$0x5], $0x2000, $0x38;
	[tilespmem:$0x18000] =	vst v63  }
0x2ef: {  	_ =	swait.ge [sflag:s4], $0x2000  }
0x2f0: {  	[sflag:s4] =	ssyncset.done $0x0  }
0x2f1: {  	[sflag:s4] =	ssyncadd.s32 $0xFFFFE000  }
0x2f2: {  	[hbm4b:s6+s2] =	stream.linear.scatter [tilespmem:s9], [sflag:$0x5], $0x2000, $0x38;
	[tilespmem:$0x18000] =	vst v63  }
0x2f3: {  	_ =	swait.ge [sflag:s4], $0x2000  }
0x2f4: {  	[sflag:s4] =	ssyncset.done $0x0  }
0x2f5: {  	[sflag:s4] =	ssyncadd.s32 $0xFFFFE000  }
0x2f6: {  	[hbm4b:s5+s2] =	stream.linear.scatter [tilespmem:s8], [sflag:$0x5], $0x2000, $0x38;
	[tilespmem:$0x18000] =	vst v63  }
0x2f7: {  	_ =	swait.ge [sflag:s4], $0x2000  }
0x2f8: {  	[sflag:s4] =	ssyncset.done $0x0  }
0x2f9: {  	[sflag:s4] =	ssyncadd.s32 $0xFFFFE000  }
0x2fa: {  	_ =	sfence.sel $0x180000  }
0x2fb: {  	[bflag:$0x0] =	sbarrier.arrive $0xFFFF  }
0x2fc: {  	_ =	strace $0x90000047  }
0x2fd: {  	s31 =	stileid.u32;
	[bflag:$0x2] =	sbarrier.arrive $0xFFFF  }
0x2fe: {  	p0 =	sne.s32 s31, $0x0;
	s0 =	rddreg [dreg:$0x2]  }
0x2ff: {  	s0 =	sadd.s32 @!p0 $0x100000, s0  }
0x300: {  	[sflag:s0] =	ssyncadd.tile.s32 @!p0 $0x1;
	_ =	shalt  }
.Lfunc_end2:
_tile_overlayer_lowered:
.L_overlay_start_2:
0x301: {  	(tag) =	ssettag $0x2  }
0x302: {  	s0 =	rddreg [dreg:$0x0];
	s2 =	stileid.u32  }
0x303: {  	s1 =	rddreg [dreg:$0x1];
	p0 =	sne.s32 s2, $0x0  }
0x304: {  	s3 =	rddreg [dreg:$0x2];
	[bflag:$0x3] =	sbarrier.arrive $0xFFFF;
	s2 =	simm.s32 @!p0 $0x1C05  }
0x305: {  	[timem:s3], [sflag:s2] =	dma.local @!p0 [hbm:s0], s1  }
0x306: {  	s0 =	simm.s32 @!p0 $0x5  }
0x307: {  	_ =	swait.ge @!p0 [sflag:s0], s1  }
0x308: {  	s1 =	ssub.s32 @!p0 $0x0, s1;
	[sflag:s0] =	ssyncset.done @!p0 $0x0  }
0x309: {  	[sflag:s0] =	ssyncadd.s32 @!p0 s1  }
0x30a: {  	[bflag:$0x3] =	sbarrier.arrive $0xFFFF  }
0x30b: {  	_ =	shalt  }

</sc_bundles>
